<compile_context>
chip_gen: v7x
topology: tpu7x:2x2x1
jax: 0.10.2.dev20260603
libtpu: 0.0.44.dev20260713+nightly
codegen_flags: <defaults>
</compile_context>

<pallas_src>
import functools

import jax
import jax.numpy as jnp
from jax import lax
from jax.experimental import pallas as pl
from jax.experimental.pallas import tpu as pltpu
from jax.experimental.pallas import tpu_sc as plsc

N_NODES = 10000
D_FEAT = 128
HIDDEN = 128
N_EDGES = 320000
N_PAD = 10240

NC = 2
NS = 16
NW = NC * NS
EDGES_PER_W = N_EDGES // NW
CHUNK = 80
N_CHUNKS = EDGES_PER_W // CHUNK
ROWS_PER_TILE = N_PAD // NS

N_PAIRS = (N_CHUNKS - 1) // 2

_mesh = plsc.VectorSubcoreMesh(core_axis_name="c", subcore_axis_name="s")


DEGW = 128


@functools.partial(
    pl.kernel,
    out_type=jax.ShapeDtypeStruct((NC * N_PAD, DEGW), jnp.float32),
    mesh=_mesh,
    scratch_types=[
        pltpu.VMEM((CHUNK,), jnp.int32),
        pltpu.VMEM((CHUNK,), jnp.int32),
        pltpu.VMEM((CHUNK, DEGW), jnp.float32),
        pltpu.VMEM_SHARED((N_PAD, DEGW), jnp.float32),
        pltpu.SemaphoreType.DMA,
    ],
)
def _deg(ones_hbm, dst_hbm, out_hbm, dA, dB, rows_v, acc, sem_s):
    cid = lax.axis_index("c")
    sid = lax.axis_index("s")
    wid = sid * NC + cid
    r0 = sid * ROWS_PER_TILE
    o0 = cid * N_PAD
    e0 = wid * EDGES_PER_W

    pltpu.sync_copy(ones_hbm, rows_v)

    def init(k, _):
        pltpu.sync_copy(rows_v, acc.at[pl.ds(r0 + k * CHUNK, CHUNK)])
        return 0

    lax.fori_loop(0, ROWS_PER_TILE // CHUNK, init, 0)
    pltpu.sync_copy(dst_hbm.at[pl.ds(e0, CHUNK)], dA)
    plsc.subcore_barrier()

    def _wait():
        pltpu.make_async_copy(ones_hbm, rows_v, sem_s).wait()

    def body(k, _):
        j0 = 2 * k
        pltpu.async_copy(rows_v, acc.at[dA], sem_s, add=True)

        @pl.when(k > 0)
        def _wait_odd():
            _wait()

        pltpu.sync_copy(dst_hbm.at[pl.ds(e0 + (j0 + 1) * CHUNK, CHUNK)], dB)
        pltpu.async_copy(rows_v, acc.at[dB], sem_s, add=True)
        _wait()
        pltpu.sync_copy(dst_hbm.at[pl.ds(e0 + (j0 + 2) * CHUNK, CHUNK)], dA)
        return 0

    lax.fori_loop(0, N_PAIRS, body, 0)
    pltpu.async_copy(rows_v, acc.at[dA], sem_s, add=True)
    _wait()
    _wait()
    plsc.subcore_barrier()

    def writeback(k, _):
        b = r0 + k * CHUNK
        pltpu.sync_copy(acc.at[pl.ds(b, CHUNK)], rows_v)
        pltpu.sync_copy(rows_v, out_hbm.at[pl.ds(o0 + b, CHUNK)])
        return 0

    lax.fori_loop(0, ROWS_PER_TILE // CHUNK, writeback, 0)


@functools.partial(
    pl.kernel,
    out_type=jax.ShapeDtypeStruct((NC * N_PAD, HIDDEN), jnp.float32),
    mesh=_mesh,
    scratch_types=[
        pltpu.VMEM((CHUNK,), jnp.int32),
        pltpu.VMEM((CHUNK,), jnp.int32),
        pltpu.VMEM((CHUNK,), jnp.int32),
        pltpu.VMEM((CHUNK,), jnp.int32),
        pltpu.VMEM((CHUNK, HIDDEN), jnp.float32),
        pltpu.VMEM((CHUNK, HIDDEN), jnp.float32),
        pltpu.VMEM_SHARED((N_PAD, HIDDEN), jnp.float32),
        pltpu.SemaphoreType.DMA,
        pltpu.SemaphoreType.DMA,
    ],
)
def _agg(hs_hbm, src_hbm, dst_hbm, out_hbm, sA, sB, dA, dB, bufA, bufB, acc,
         sem_g, sem_s):
    cid = lax.axis_index("c")
    sid = lax.axis_index("s")
    wid = sid * NC + cid
    r0 = sid * ROWS_PER_TILE
    o0 = cid * N_PAD
    e0 = wid * EDGES_PER_W

    def init(k, _):
        b = r0 + k * CHUNK
        pltpu.sync_copy(hs_hbm.at[pl.ds(b, CHUNK)], bufA)
        pltpu.sync_copy(bufA, acc.at[pl.ds(b, CHUNK)])
        return 0

    lax.fori_loop(0, ROWS_PER_TILE // CHUNK, init, 0)

    pltpu.sync_copy(src_hbm.at[pl.ds(e0, CHUNK)], sA)
    pltpu.async_copy(hs_hbm.at[sA], bufA, sem_g)
    plsc.subcore_barrier()

    def _wait(sem):
        pltpu.make_async_copy(hs_hbm.at[pl.ds(0, CHUNK)], bufA, sem).wait()

    def body(k, _):
        j0 = 2 * k
        pltpu.sync_copy(dst_hbm.at[pl.ds(e0 + j0 * CHUNK, CHUNK)], dA)

        @pl.when(k > 0)
        def _wait_prev_scatter():
            _wait(sem_s)

        pltpu.sync_copy(src_hbm.at[pl.ds(e0 + (j0 + 1) * CHUNK, CHUNK)], sB)
        pltpu.async_copy(hs_hbm.at[sB], bufB, sem_g)
        _wait(sem_g)
        pltpu.async_copy(bufA, acc.at[dA], sem_s, add=True)
        pltpu.sync_copy(dst_hbm.at[pl.ds(e0 + (j0 + 1) * CHUNK, CHUNK)], dB)
        pltpu.sync_copy(src_hbm.at[pl.ds(e0 + (j0 + 2) * CHUNK, CHUNK)], sA)
        _wait(sem_s)
        pltpu.async_copy(hs_hbm.at[sA], bufA, sem_g)
        _wait(sem_g)
        pltpu.async_copy(bufB, acc.at[dB], sem_s, add=True)
        return 0

    lax.fori_loop(0, N_PAIRS, body, 0)

    pltpu.sync_copy(dst_hbm.at[pl.ds(e0 + (N_CHUNKS - 1) * CHUNK, CHUNK)], dA)
    _wait(sem_s)
    _wait(sem_g)
    pltpu.async_copy(bufA, acc.at[dA], sem_s, add=True)
    _wait(sem_s)
    plsc.subcore_barrier()

    def writeback(k, _):
        b = r0 + k * CHUNK
        pltpu.sync_copy(acc.at[pl.ds(b, CHUNK)], bufA)
        pltpu.sync_copy(bufA, out_hbm.at[pl.ds(o0 + b, CHUNK)])
        return 0

    lax.fori_loop(0, ROWS_PER_TILE // CHUNK, writeback, 0)


ROWS_BLK = 1024
_GRID = N_PAD // ROWS_BLK
_NBLK = N_PAD // ROWS_BLK


def _scale1_body(pd0_ref, pd1_ref, x_ref, w_ref, o_ref):
    dinv = lax.rsqrt(pd0_ref[...] + pd1_ref[...] - 1.0)[:, :1]
    h = jnp.dot(x_ref[...], w_ref[...], preferred_element_type=jnp.float32)
    o_ref[...] = h * dinv


def _mid_body(pd0_ref, pd1_ref, p0_ref, p1_ref, hs_ref, b_ref, w_ref, o_ref):
    dinv = lax.rsqrt(pd0_ref[...] + pd1_ref[...] - 1.0)[:, :1]
    agg = p0_ref[...] + p1_ref[...] - hs_ref[...]
    h = jnp.maximum(agg * dinv + b_ref[...], 0.0)
    o_ref[...] = jnp.dot(h, w_ref[...], preferred_element_type=jnp.float32) * dinv


def _head_body(pd0_ref, pd1_ref, p0_ref, p1_ref, hs_ref, b_ref, w_ref,
               blin_ref, o_ref):
    dinv = lax.rsqrt(pd0_ref[...] + pd1_ref[...] - 1.0)[:, :1]
    agg = p0_ref[...] + p1_ref[...] - hs_ref[...]
    h = jnp.maximum(agg * dinv + b_ref[...], 0.0)
    o_ref[...] = (jnp.dot(h, w_ref[...], preferred_element_type=jnp.float32)
                  + blin_ref[...])


def _half0_spec(width=HIDDEN):
    return pl.BlockSpec((ROWS_BLK, width), lambda i: (i, 0))


def _half1_spec(width=HIDDEN):
    return pl.BlockSpec((ROWS_BLK, width), lambda i: (i + _NBLK, 0))


def _rows_spec(width):
    return pl.BlockSpec((ROWS_BLK, width), lambda i: (i, 0))


def _full_spec(shape):
    return pl.BlockSpec(shape, lambda i: tuple(0 for _ in shape))


def kernel(x, edge_index, W1, b1, W2, b2, Wlin, blin):
    src = edge_index[0].astype(jnp.int32)
    dst = edge_index[1].astype(jnp.int32)
    xp = jnp.pad(x, ((0, N_PAD - N_NODES), (0, 0)))
    ones = jnp.ones((CHUNK, DEGW), jnp.float32)

    pdeg = _deg(ones, dst)

    hs1 = pl.pallas_call(
        _scale1_body,
        grid=(_GRID,),
        in_specs=[_half0_spec(DEGW), _half1_spec(DEGW), _rows_spec(D_FEAT),
                  _full_spec((D_FEAT, HIDDEN))],
        out_specs=_rows_spec(HIDDEN),
        out_shape=jax.ShapeDtypeStruct((N_PAD, HIDDEN), jnp.float32),
    )(pdeg, pdeg, xp, W1)

    p1 = _agg(hs1, src, dst)

    hs2 = pl.pallas_call(
        _mid_body,
        grid=(_GRID,),
        in_specs=[_half0_spec(DEGW), _half1_spec(DEGW), _half0_spec(), _half1_spec(),
                  _rows_spec(HIDDEN), _full_spec((1, HIDDEN)),
                  _full_spec((HIDDEN, HIDDEN))],
        out_specs=_rows_spec(HIDDEN),
        out_shape=jax.ShapeDtypeStruct((N_PAD, HIDDEN), jnp.float32),
    )(pdeg, pdeg, p1, p1, hs1, b1.reshape(1, HIDDEN), W2)

    p2 = _agg(hs2, src, dst)

    out = pl.pallas_call(
        _head_body,
        grid=(_GRID,),
        in_specs=[_half0_spec(DEGW), _half1_spec(DEGW), _half0_spec(), _half1_spec(),
                  _rows_spec(HIDDEN), _full_spec((1, HIDDEN)),
                  _full_spec((HIDDEN, 1)), _full_spec((1, 1))],
        out_specs=_rows_spec(1),
        out_shape=jax.ShapeDtypeStruct((N_PAD, 1), jnp.float32),
    )(pdeg, pdeg, p2, p2, hs2, b2.reshape(1, HIDDEN), Wlin, blin.reshape(1, 1))

    return out[:N_NODES, 0]

# --- scband reference (transcript-rebuilt; emitter-appended) ---
"""Pipeline reference for scband-gcn-46067819216956 (READ-ONLY COPY).

The authoritative reference and input builder live on the scoring server;
editing this copy changes nothing except your own understanding.
"""

import jax, jax.numpy as jnp
import numpy as np

N_NODES = 10000
D_FEAT = 128
HIDDEN = 128
N_EDGES = 320000


def setup_inputs(seed: int = 0) -> dict:
    key = jax.random.key(seed)
    k1, k2, k3, k4, k5 = jax.random.split(key, 5)
    x = jax.random.normal(k1, (N_NODES, D_FEAT), dtype=jnp.float32)
    edge_index = jax.random.randint(k2, (2, N_EDGES), 0, N_NODES, dtype=jnp.int64)
    s1 = 1.0 / np.sqrt(D_FEAT)
    s2 = 1.0 / np.sqrt(HIDDEN)
    W1 = jax.random.uniform(k3, (D_FEAT, HIDDEN), dtype=jnp.float32, minval=-s1, maxval=s1)
    b1 = jnp.zeros((HIDDEN,), dtype=jnp.float32)
    W2 = jax.random.uniform(k4, (HIDDEN, HIDDEN), dtype=jnp.float32, minval=-s2, maxval=s2)
    b2 = jnp.zeros((HIDDEN,), dtype=jnp.float32)
    Wlin = jax.random.uniform(k5, (HIDDEN, 1), dtype=jnp.float32, minval=-s2, maxval=s2)
    blin = jnp.zeros((1,), dtype=jnp.float32)
    return {"x": x, "edge_index": edge_index, "W1": W1, "b1": b1, "W2": W2, "b2": b2, "Wlin": Wlin, "blin": blin}


def _gcn_conv(x, src, dst, W, b):
    N = x.shape[0]
    # symmetric normalization with self-loops (PyG GCNConv default)
    deg = jnp.zeros((N,), dtype=x.dtype).at[dst].add(1.0)
    dinv = jnp.where(deg > 0, jax.lax.rsqrt(deg), 0.0)
    norm = dinv[src] * dinv[dst]
    h = x @ W
    msg = h[src] * norm[:, None]
    out = jnp.zeros((N, W.shape[1]), dtype=h.dtype).at[dst].add(msg)
    return out + b


def reference(x, edge_index, W1, b1, W2, b2, Wlin, blin):
    N = x.shape[0]
    loop = jnp.arange(N, dtype=edge_index.dtype)
    src = jnp.concatenate([edge_index[0], loop])
    dst = jnp.concatenate([edge_index[1], loop])
    h = _gcn_conv(x, src, dst, W1, b1)
    h = jax.nn.relu(h)
    h = _gcn_conv(h, src, dst, W2, b2)
    h = jax.nn.relu(h)
    out = h @ Wlin + blin
    return jnp.squeeze(out, axis=-1)

if __name__ == "__main__":
    import jax
    _d = setup_inputs()
    print(jax.jit(kernel)(*tuple(_d.values())))

</pallas_src>

<mosaic_0001>
#map = affine_map<(d0, d1) -> (0, 0)>
#map1 = affine_map<(d0, d1) -> (0)>
module attributes {stable_mosaic.version = 14 : i64} {
  func.func @_agg(%arg0: i32, %arg1: i32, %arg2: memref<10240x128xf32, #tpu.memory_space<hbm>>, %arg3: memref<320000xi32, #tpu.memory_space<hbm>>, %arg4: memref<320000xi32, #tpu.memory_space<hbm>>, %arg5: memref<20480x128xf32, #tpu.memory_space<hbm>>, %arg6: memref<80xi32, #tpu.memory_space<vmem>>, %arg7: memref<80xi32, #tpu.memory_space<vmem>>, %arg8: memref<80xi32, #tpu.memory_space<vmem>>, %arg9: memref<80xi32, #tpu.memory_space<vmem>>, %arg10: memref<80x128xf32, #tpu.memory_space<vmem>>, %arg11: memref<80x128xf32, #tpu.memory_space<vmem>>, %arg12: memref<10240x128xf32, #tpu.memory_space<vmem_shared>>, %arg13: memref<!tpu.dma_semaphore, #tpu.memory_space<semaphore_mem>>, %arg14: memref<!tpu.dma_semaphore, #tpu.memory_space<semaphore_mem>>) attributes {dimension_semantics = [#tpu.dimension_semantics<core_parallel>, #tpu.dimension_semantics<subcore_parallel>], iteration_bounds = array<i64: 2, 16>, scalar_prefetch = 0 : i64, scratch_operands = 9 : i64, tpu.core_type = #tpu.core_type<sc_vector_subcore>, window_params = [{transform_indices = #map}, {transform_indices = #map1}, {transform_indices = #map1}, {transform_indices = #map}]} {
    %mul3A = arith.constant 2 : i32
    %mul3A_0 = arith.muli %arg1, %mul3A : i32
    %add3A = arith.addi %mul3A_0, %arg0 : i32
    %mul3A_1 = arith.constant 640 : i32
    %mul3A_2 = arith.muli %arg1, %mul3A_1 : i32
    %mul3A_3 = arith.constant 10240 : i32
    %mul3A_4 = arith.muli %arg0, %mul3A_3 : i32
    %mul3A_5 = arith.constant 10000 : i32
    %mul3A_6 = arith.muli %add3A, %mul3A_5 : i32
    %scan3A = arith.constant 0 : i32
    %scan3A_7 = arith.constant 0 : i32
    %scan3A_8 = arith.constant 8 : i32
    %scan3A_9 = arith.addi %scan3A_7, %scan3A_8 : i32
    %scan3A_10 = arith.constant 1 : i32
    %scan3A_11 = scf.for %scan3A_52 = %scan3A_7 to %scan3A_9 step %scan3A_10 iter_args(%scan3A_53 = %scan3A) -> (i32)  : i32 {
      %mul3A_54 = arith.constant 80 : i32
      %mul3A_55 = arith.muli %scan3A_52, %mul3A_54 : i32
      %add3A_56 = arith.addi %mul3A_2, %mul3A_55 : i32
      "tpu.region"() ({
        %run_scoped3A = tpu.sem_alloc : memref<!tpu.dma_semaphore, #tpu.memory_space<semaphore_mem>>
        %dma_start3A_58 = arith.constant 0 : i32
        %dma_start3A_59 = tpu.memref_slice %arg2[%add3A_56, %dma_start3A_58] : memref<10240x128xf32, #tpu.memory_space<hbm>> -> memref<80x128xf32, #tpu.memory_space<hbm>>
        %dma_start3A_60 = arith.constant 0 : i32
        %dma_start3A_61 = tpu.memref_slice %arg2[%add3A_56, %dma_start3A_60] : memref<10240x128xf32, #tpu.memory_space<hbm>> -> memref<80x128xf32, #tpu.memory_space<hbm>>
        tpu.enqueue_dma source(%dma_start3A_61 : memref<80x128xf32, #tpu.memory_space<hbm>>) target(%arg10 : memref<80x128xf32, #tpu.memory_space<vmem>>) target_semaphore(%run_scoped3A : memref<!tpu.dma_semaphore, #tpu.memory_space<semaphore_mem>>)
        %dma_wait3A_62 = arith.constant 0 : i32
        %dma_wait3A_63 = tpu.memref_slice %arg2[%add3A_56, %dma_wait3A_62] : memref<10240x128xf32, #tpu.memory_space<hbm>> -> memref<80x128xf32, #tpu.memory_space<hbm>>
        %dma_wait3A_64 = arith.constant 0 : i32
        %dma_wait3A_65 = tpu.memref_slice %arg2[%add3A_56, %dma_wait3A_64] : memref<10240x128xf32, #tpu.memory_space<hbm>> -> memref<80x128xf32, #tpu.memory_space<hbm>>
        tpu.wait_dma2 semaphore(%run_scoped3A : memref<!tpu.dma_semaphore, #tpu.memory_space<semaphore_mem>>) src(%dma_wait3A_65 : memref<80x128xf32, #tpu.memory_space<hbm>>) dst(%arg10 : memref<80x128xf32, #tpu.memory_space<vmem>>)
        tpu.yield
      }) : () -> ()
      "tpu.region"() ({
        %run_scoped3A = tpu.sem_alloc : memref<!tpu.dma_semaphore, #tpu.memory_space<semaphore_mem>>
        %dma_start3A_58 = arith.constant 0 : i32
        %dma_start3A_59 = tpu.memref_slice %arg12[%add3A_56, %dma_start3A_58] : memref<10240x128xf32, #tpu.memory_space<vmem_shared>> -> memref<80x128xf32, #tpu.memory_space<vmem_shared>>
        %dma_start3A_60 = arith.constant 0 : i32
        %dma_start3A_61 = tpu.memref_slice %arg12[%add3A_56, %dma_start3A_60] : memref<10240x128xf32, #tpu.memory_space<vmem_shared>> -> memref<80x128xf32, #tpu.memory_space<vmem_shared>>
        tpu.enqueue_dma source(%arg10 : memref<80x128xf32, #tpu.memory_space<vmem>>) target(%dma_start3A_61 : memref<80x128xf32, #tpu.memory_space<vmem_shared>>) target_semaphore(%run_scoped3A : memref<!tpu.dma_semaphore, #tpu.memory_space<semaphore_mem>>)
        %dma_wait3A_62 = arith.constant 0 : i32
        %dma_wait3A_63 = tpu.memref_slice %arg12[%add3A_56, %dma_wait3A_62] : memref<10240x128xf32, #tpu.memory_space<vmem_shared>> -> memref<80x128xf32, #tpu.memory_space<vmem_shared>>
        %dma_wait3A_64 = arith.constant 0 : i32
        %dma_wait3A_65 = tpu.memref_slice %arg12[%add3A_56, %dma_wait3A_64] : memref<10240x128xf32, #tpu.memory_space<vmem_shared>> -> memref<80x128xf32, #tpu.memory_space<vmem_shared>>
        tpu.wait_dma2 semaphore(%run_scoped3A : memref<!tpu.dma_semaphore, #tpu.memory_space<semaphore_mem>>) src(%arg10 : memref<80x128xf32, #tpu.memory_space<vmem>>) dst(%dma_wait3A_65 : memref<80x128xf32, #tpu.memory_space<vmem_shared>>)
        tpu.yield
      }) : () -> ()
      %scan3A_57 = arith.constant 0 : i32
      scf.yield %scan3A_57 : i32
    }
    %scan3A_12 = arith.constant 8 : i32
    "tpu.region"() ({
      %run_scoped3A = tpu.sem_alloc : memref<!tpu.dma_semaphore, #tpu.memory_space<semaphore_mem>>
      %dma_start3A_52 = tpu.memref_slice %arg3[%mul3A_6] : memref<320000xi32, #tpu.memory_space<hbm>> -> memref<80xi32, #tpu.memory_space<hbm>>
      %dma_start3A_53 = tpu.memref_slice %arg3[%mul3A_6] : memref<320000xi32, #tpu.memory_space<hbm>> -> memref<80xi32, #tpu.memory_space<hbm>>
      tpu.enqueue_dma source(%dma_start3A_53 : memref<80xi32, #tpu.memory_space<hbm>>) target(%arg6 : memref<80xi32, #tpu.memory_space<vmem>>) target_semaphore(%run_scoped3A : memref<!tpu.dma_semaphore, #tpu.memory_space<semaphore_mem>>)
      %dma_wait3A_54 = tpu.memref_slice %arg3[%mul3A_6] : memref<320000xi32, #tpu.memory_space<hbm>> -> memref<80xi32, #tpu.memory_space<hbm>>
      %dma_wait3A_55 = tpu.memref_slice %arg3[%mul3A_6] : memref<320000xi32, #tpu.memory_space<hbm>> -> memref<80xi32, #tpu.memory_space<hbm>>
      tpu.wait_dma2 semaphore(%run_scoped3A : memref<!tpu.dma_semaphore, #tpu.memory_space<semaphore_mem>>) src(%dma_wait3A_55 : memref<80xi32, #tpu.memory_space<hbm>>) dst(%arg6 : memref<80xi32, #tpu.memory_space<vmem>>)
      tpu.yield
    }) : () -> ()
    %dma_start3A = arith.constant 0 : i32
    %dma_start3A_13 = arith.constant 0 : i32
    %dma_start3A_14 = tpu.memref_slice %arg2[%dma_start3A, %dma_start3A_13] : memref<10240x128xf32, #tpu.memory_space<hbm>> -> memref<10240x128xf32, #tpu.memory_space<hbm>>
    tpu.enqueue_indirect_dma source(%dma_start3A_14 : memref<10240x128xf32, #tpu.memory_space<hbm>>) target(%arg10 : memref<80x128xf32, #tpu.memory_space<vmem>>) offsets(%arg6 : memref<80xi32, #tpu.memory_space<vmem>>) semaphore(%arg13 : memref<!tpu.dma_semaphore, #tpu.memory_space<semaphore_mem>>)
    %barrier3A = arith.constant 0 : index
    tpu.barrier barrier_id(%barrier3A)
    %scan3A_15 = arith.constant 0 : i32
    %scan3A_16 = arith.constant 0 : i32
    %scan3A_17 = arith.constant 62 : i32
    %scan3A_18 = arith.addi %scan3A_16, %scan3A_17 : i32
    %scan3A_19 = arith.constant 1 : i32
    %scan3A_20 = scf.for %scan3A_52 = %scan3A_16 to %scan3A_18 step %scan3A_19 iter_args(%scan3A_53 = %scan3A_15) -> (i32)  : i32 {
      %mul3A_54 = arith.constant 2 : i32
      %mul3A_55 = arith.muli %mul3A_54, %scan3A_52 : i32
      %mul3A_56 = arith.constant 80 : i32
      %mul3A_57 = arith.muli %mul3A_55, %mul3A_56 : i32
      %add3A_58 = arith.addi %mul3A_6, %mul3A_57 : i32
      "tpu.region"() ({
        %run_scoped3A = tpu.sem_alloc : memref<!tpu.dma_semaphore, #tpu.memory_space<semaphore_mem>>
        %dma_start3A_107 = tpu.memref_slice %arg4[%add3A_58] : memref<320000xi32, #tpu.memory_space<hbm>> -> memref<80xi32, #tpu.memory_space<hbm>>
        %dma_start3A_108 = tpu.memref_slice %arg4[%add3A_58] : memref<320000xi32, #tpu.memory_space<hbm>> -> memref<80xi32, #tpu.memory_space<hbm>>
        tpu.enqueue_dma source(%dma_start3A_108 : memref<80xi32, #tpu.memory_space<hbm>>) target(%arg8 : memref<80xi32, #tpu.memory_space<vmem>>) target_semaphore(%run_scoped3A : memref<!tpu.dma_semaphore, #tpu.memory_space<semaphore_mem>>)
        %dma_wait3A_109 = tpu.memref_slice %arg4[%add3A_58] : memref<320000xi32, #tpu.memory_space<hbm>> -> memref<80xi32, #tpu.memory_space<hbm>>
        %dma_wait3A_110 = tpu.memref_slice %arg4[%add3A_58] : memref<320000xi32, #tpu.memory_space<hbm>> -> memref<80xi32, #tpu.memory_space<hbm>>
        tpu.wait_dma2 semaphore(%run_scoped3A : memref<!tpu.dma_semaphore, #tpu.memory_space<semaphore_mem>>) src(%dma_wait3A_110 : memref<80xi32, #tpu.memory_space<hbm>>) dst(%arg8 : memref<80xi32, #tpu.memory_space<vmem>>)
        tpu.yield
      }) : () -> ()
      %gt3A = arith.constant 0 : i32
      %gt3A_59 = arith.cmpi sgt, %scan3A_52, %gt3A : i32
      %convert_element_type3A = arith.extui %gt3A_59 : i1 to i32
      %cond3A = arith.constant 0 : i32
      %cond3A_60 = arith.cmpi ne, %convert_element_type3A, %cond3A : i32
      scf.if %cond3A_60 {
        %dma_wait3A_107 = arith.constant 0 : i32
        %dma_wait3A_108 = arith.constant 0 : i32
        %dma_wait3A_109 = tpu.memref_slice %arg2[%dma_wait3A_107, %dma_wait3A_108] : memref<10240x128xf32, #tpu.memory_space<hbm>> -> memref<80x128xf32, #tpu.memory_space<hbm>>
        %dma_wait3A_110 = arith.constant 0 : i32
        %dma_wait3A_111 = arith.constant 0 : i32
        %dma_wait3A_112 = tpu.memref_slice %arg2[%dma_wait3A_110, %dma_wait3A_111] : memref<10240x128xf32, #tpu.memory_space<hbm>> -> memref<80x128xf32, #tpu.memory_space<hbm>>
        tpu.wait_dma2 semaphore(%arg14 : memref<!tpu.dma_semaphore, #tpu.memory_space<semaphore_mem>>) src(%dma_wait3A_112 : memref<80x128xf32, #tpu.memory_space<hbm>>) dst(%arg10 : memref<80x128xf32, #tpu.memory_space<vmem>>)
      } else {
      }
      %add3A_61 = arith.constant 1 : i32
      %add3A_62 = arith.addi %mul3A_55, %add3A_61 : i32
      %mul3A_63 = arith.constant 80 : i32
      %mul3A_64 = arith.muli %add3A_62, %mul3A_63 : i32
      %add3A_65 = arith.addi %mul3A_6, %mul3A_64 : i32
      "tpu.region"() ({
        %run_scoped3A = tpu.sem_alloc : memref<!tpu.dma_semaphore, #tpu.memory_space<semaphore_mem>>
        %dma_start3A_107 = tpu.memref_slice %arg3[%add3A_65] : memref<320000xi32, #tpu.memory_space<hbm>> -> memref<80xi32, #tpu.memory_space<hbm>>
        %dma_start3A_108 = tpu.memref_slice %arg3[%add3A_65] : memref<320000xi32, #tpu.memory_space<hbm>> -> memref<80xi32, #tpu.memory_space<hbm>>
        tpu.enqueue_dma source(%dma_start3A_108 : memref<80xi32, #tpu.memory_space<hbm>>) target(%arg7 : memref<80xi32, #tpu.memory_space<vmem>>) target_semaphore(%run_scoped3A : memref<!tpu.dma_semaphore, #tpu.memory_space<semaphore_mem>>)
        %dma_wait3A_109 = tpu.memref_slice %arg3[%add3A_65] : memref<320000xi32, #tpu.memory_space<hbm>> -> memref<80xi32, #tpu.memory_space<hbm>>
        %dma_wait3A_110 = tpu.memref_slice %arg3[%add3A_65] : memref<320000xi32, #tpu.memory_space<hbm>> -> memref<80xi32, #tpu.memory_space<hbm>>
        tpu.wait_dma2 semaphore(%run_scoped3A : memref<!tpu.dma_semaphore, #tpu.memory_space<semaphore_mem>>) src(%dma_wait3A_110 : memref<80xi32, #tpu.memory_space<hbm>>) dst(%arg7 : memref<80xi32, #tpu.memory_space<vmem>>)
        tpu.yield
      }) : () -> ()
      %dma_start3A_66 = arith.constant 0 : i32
      %dma_start3A_67 = arith.constant 0 : i32
      %dma_start3A_68 = tpu.memref_slice %arg2[%dma_start3A_66, %dma_start3A_67] : memref<10240x128xf32, #tpu.memory_space<hbm>> -> memref<10240x128xf32, #tpu.memory_space<hbm>>
      tpu.enqueue_indirect_dma source(%dma_start3A_68 : memref<10240x128xf32, #tpu.memory_space<hbm>>) target(%arg11 : memref<80x128xf32, #tpu.memory_space<vmem>>) offsets(%arg7 : memref<80xi32, #tpu.memory_space<vmem>>) semaphore(%arg13 : memref<!tpu.dma_semaphore, #tpu.memory_space<semaphore_mem>>)
      %dma_wait3A_69 = arith.constant 0 : i32
      %dma_wait3A_70 = arith.constant 0 : i32
      %dma_wait3A_71 = tpu.memref_slice %arg2[%dma_wait3A_69, %dma_wait3A_70] : memref<10240x128xf32, #tpu.memory_space<hbm>> -> memref<80x128xf32, #tpu.memory_space<hbm>>
      %dma_wait3A_72 = arith.constant 0 : i32
      %dma_wait3A_73 = arith.constant 0 : i32
      %dma_wait3A_74 = tpu.memref_slice %arg2[%dma_wait3A_72, %dma_wait3A_73] : memref<10240x128xf32, #tpu.memory_space<hbm>> -> memref<80x128xf32, #tpu.memory_space<hbm>>
      tpu.wait_dma2 semaphore(%arg13 : memref<!tpu.dma_semaphore, #tpu.memory_space<semaphore_mem>>) src(%dma_wait3A_74 : memref<80x128xf32, #tpu.memory_space<hbm>>) dst(%arg10 : memref<80x128xf32, #tpu.memory_space<vmem>>)
      %dma_start3A_75 = arith.constant 0 : i32
      %dma_start3A_76 = arith.constant 0 : i32
      %dma_start3A_77 = tpu.memref_slice %arg12[%dma_start3A_75, %dma_start3A_76] : memref<10240x128xf32, #tpu.memory_space<vmem_shared>> -> memref<10240x128xf32, #tpu.memory_space<vmem_shared>>
      tpu.enqueue_indirect_dma source(%arg10 : memref<80x128xf32, #tpu.memory_space<vmem>>) target(%dma_start3A_77 : memref<10240x128xf32, #tpu.memory_space<vmem_shared>>) offsets(%arg8 : memref<80xi32, #tpu.memory_space<vmem>>) semaphore(%arg14 : memref<!tpu.dma_semaphore, #tpu.memory_space<semaphore_mem>>) {add = true}
      %add3A_78 = arith.constant 1 : i32
      %add3A_79 = arith.addi %mul3A_55, %add3A_78 : i32
      %mul3A_80 = arith.constant 80 : i32
      %mul3A_81 = arith.muli %add3A_79, %mul3A_80 : i32
      %add3A_82 = arith.addi %mul3A_6, %mul3A_81 : i32
      "tpu.region"() ({
        %run_scoped3A = tpu.sem_alloc : memref<!tpu.dma_semaphore, #tpu.memory_space<semaphore_mem>>
        %dma_start3A_107 = tpu.memref_slice %arg4[%add3A_82] : memref<320000xi32, #tpu.memory_space<hbm>> -> memref<80xi32, #tpu.memory_space<hbm>>
        %dma_start3A_108 = tpu.memref_slice %arg4[%add3A_82] : memref<320000xi32, #tpu.memory_space<hbm>> -> memref<80xi32, #tpu.memory_space<hbm>>
        tpu.enqueue_dma source(%dma_start3A_108 : memref<80xi32, #tpu.memory_space<hbm>>) target(%arg9 : memref<80xi32, #tpu.memory_space<vmem>>) target_semaphore(%run_scoped3A : memref<!tpu.dma_semaphore, #tpu.memory_space<semaphore_mem>>)
        %dma_wait3A_109 = tpu.memref_slice %arg4[%add3A_82] : memref<320000xi32, #tpu.memory_space<hbm>> -> memref<80xi32, #tpu.memory_space<hbm>>
        %dma_wait3A_110 = tpu.memref_slice %arg4[%add3A_82] : memref<320000xi32, #tpu.memory_space<hbm>> -> memref<80xi32, #tpu.memory_space<hbm>>
        tpu.wait_dma2 semaphore(%run_scoped3A : memref<!tpu.dma_semaphore, #tpu.memory_space<semaphore_mem>>) src(%dma_wait3A_110 : memref<80xi32, #tpu.memory_space<hbm>>) dst(%arg9 : memref<80xi32, #tpu.memory_space<vmem>>)
        tpu.yield
      }) : () -> ()
      %add3A_83 = arith.constant 2 : i32
      %add3A_84 = arith.addi %mul3A_55, %add3A_83 : i32
      %mul3A_85 = arith.constant 80 : i32
      %mul3A_86 = arith.muli %add3A_84, %mul3A_85 : i32
      %add3A_87 = arith.addi %mul3A_6, %mul3A_86 : i32
      "tpu.region"() ({
        %run_scoped3A = tpu.sem_alloc : memref<!tpu.dma_semaphore, #tpu.memory_space<semaphore_mem>>
        %dma_start3A_107 = tpu.memref_slice %arg3[%add3A_87] : memref<320000xi32, #tpu.memory_space<hbm>> -> memref<80xi32, #tpu.memory_space<hbm>>
        %dma_start3A_108 = tpu.memref_slice %arg3[%add3A_87] : memref<320000xi32, #tpu.memory_space<hbm>> -> memref<80xi32, #tpu.memory_space<hbm>>
        tpu.enqueue_dma source(%dma_start3A_108 : memref<80xi32, #tpu.memory_space<hbm>>) target(%arg6 : memref<80xi32, #tpu.memory_space<vmem>>) target_semaphore(%run_scoped3A : memref<!tpu.dma_semaphore, #tpu.memory_space<semaphore_mem>>)
        %dma_wait3A_109 = tpu.memref_slice %arg3[%add3A_87] : memref<320000xi32, #tpu.memory_space<hbm>> -> memref<80xi32, #tpu.memory_space<hbm>>
        %dma_wait3A_110 = tpu.memref_slice %arg3[%add3A_87] : memref<320000xi32, #tpu.memory_space<hbm>> -> memref<80xi32, #tpu.memory_space<hbm>>
        tpu.wait_dma2 semaphore(%run_scoped3A : memref<!tpu.dma_semaphore, #tpu.memory_space<semaphore_mem>>) src(%dma_wait3A_110 : memref<80xi32, #tpu.memory_space<hbm>>) dst(%arg6 : memref<80xi32, #tpu.memory_space<vmem>>)
        tpu.yield
      }) : () -> ()
      %dma_wait3A_88 = arith.constant 0 : i32
      %dma_wait3A_89 = arith.constant 0 : i32
      %dma_wait3A_90 = tpu.memref_slice %arg2[%dma_wait3A_88, %dma_wait3A_89] : memref<10240x128xf32, #tpu.memory_space<hbm>> -> memref<80x128xf32, #tpu.memory_space<hbm>>
      %dma_wait3A_91 = arith.constant 0 : i32
      %dma_wait3A_92 = arith.constant 0 : i32
      %dma_wait3A_93 = tpu.memref_slice %arg2[%dma_wait3A_91, %dma_wait3A_92] : memref<10240x128xf32, #tpu.memory_space<hbm>> -> memref<80x128xf32, #tpu.memory_space<hbm>>
      tpu.wait_dma2 semaphore(%arg14 : memref<!tpu.dma_semaphore, #tpu.memory_space<semaphore_mem>>) src(%dma_wait3A_93 : memref<80x128xf32, #tpu.memory_space<hbm>>) dst(%arg10 : memref<80x128xf32, #tpu.memory_space<vmem>>)
      %dma_start3A_94 = arith.constant 0 : i32
      %dma_start3A_95 = arith.constant 0 : i32
      %dma_start3A_96 = tpu.memref_slice %arg2[%dma_start3A_94, %dma_start3A_95] : memref<10240x128xf32, #tpu.memory_space<hbm>> -> memref<10240x128xf32, #tpu.memory_space<hbm>>
      tpu.enqueue_indirect_dma source(%dma_start3A_96 : memref<10240x128xf32, #tpu.memory_space<hbm>>) target(%arg10 : memref<80x128xf32, #tpu.memory_space<vmem>>) offsets(%arg6 : memref<80xi32, #tpu.memory_space<vmem>>) semaphore(%arg13 : memref<!tpu.dma_semaphore, #tpu.memory_space<semaphore_mem>>)
      %dma_wait3A_97 = arith.constant 0 : i32
      %dma_wait3A_98 = arith.constant 0 : i32
      %dma_wait3A_99 = tpu.memref_slice %arg2[%dma_wait3A_97, %dma_wait3A_98] : memref<10240x128xf32, #tpu.memory_space<hbm>> -> memref<80x128xf32, #tpu.memory_space<hbm>>
      %dma_wait3A_100 = arith.constant 0 : i32
      %dma_wait3A_101 = arith.constant 0 : i32
      %dma_wait3A_102 = tpu.memref_slice %arg2[%dma_wait3A_100, %dma_wait3A_101] : memref<10240x128xf32, #tpu.memory_space<hbm>> -> memref<80x128xf32, #tpu.memory_space<hbm>>
      tpu.wait_dma2 semaphore(%arg13 : memref<!tpu.dma_semaphore, #tpu.memory_space<semaphore_mem>>) src(%dma_wait3A_102 : memref<80x128xf32, #tpu.memory_space<hbm>>) dst(%arg10 : memref<80x128xf32, #tpu.memory_space<vmem>>)
      %dma_start3A_103 = arith.constant 0 : i32
      %dma_start3A_104 = arith.constant 0 : i32
      %dma_start3A_105 = tpu.memref_slice %arg12[%dma_start3A_103, %dma_start3A_104] : memref<10240x128xf32, #tpu.memory_space<vmem_shared>> -> memref<10240x128xf32, #tpu.memory_space<vmem_shared>>
      tpu.enqueue_indirect_dma source(%arg11 : memref<80x128xf32, #tpu.memory_space<vmem>>) target(%dma_start3A_105 : memref<10240x128xf32, #tpu.memory_space<vmem_shared>>) offsets(%arg9 : memref<80xi32, #tpu.memory_space<vmem>>) semaphore(%arg14 : memref<!tpu.dma_semaphore, #tpu.memory_space<semaphore_mem>>) {add = true}
      %scan3A_106 = arith.constant 0 : i32
      scf.yield %scan3A_106 : i32
    }
    %scan3A_21 = arith.constant 62 : i32
    %add3A_22 = arith.constant 9920 : i32
    %add3A_23 = arith.addi %mul3A_6, %add3A_22 : i32
    "tpu.region"() ({
      %run_scoped3A = tpu.sem_alloc : memref<!tpu.dma_semaphore, #tpu.memory_space<semaphore_mem>>
      %dma_start3A_52 = tpu.memref_slice %arg4[%add3A_23] : memref<320000xi32, #tpu.memory_space<hbm>> -> memref<80xi32, #tpu.memory_space<hbm>>
      %dma_start3A_53 = tpu.memref_slice %arg4[%add3A_23] : memref<320000xi32, #tpu.memory_space<hbm>> -> memref<80xi32, #tpu.memory_space<hbm>>
      tpu.enqueue_dma source(%dma_start3A_53 : memref<80xi32, #tpu.memory_space<hbm>>) target(%arg8 : memref<80xi32, #tpu.memory_space<vmem>>) target_semaphore(%run_scoped3A : memref<!tpu.dma_semaphore, #tpu.memory_space<semaphore_mem>>)
      %dma_wait3A_54 = tpu.memref_slice %arg4[%add3A_23] : memref<320000xi32, #tpu.memory_space<hbm>> -> memref<80xi32, #tpu.memory_space<hbm>>
      %dma_wait3A_55 = tpu.memref_slice %arg4[%add3A_23] : memref<320000xi32, #tpu.memory_space<hbm>> -> memref<80xi32, #tpu.memory_space<hbm>>
      tpu.wait_dma2 semaphore(%run_scoped3A : memref<!tpu.dma_semaphore, #tpu.memory_space<semaphore_mem>>) src(%dma_wait3A_55 : memref<80xi32, #tpu.memory_space<hbm>>) dst(%arg8 : memref<80xi32, #tpu.memory_space<vmem>>)
      tpu.yield
    }) : () -> ()
    %dma_wait3A = arith.constant 0 : i32
    %dma_wait3A_24 = arith.constant 0 : i32
    %dma_wait3A_25 = tpu.memref_slice %arg2[%dma_wait3A, %dma_wait3A_24] : memref<10240x128xf32, #tpu.memory_space<hbm>> -> memref<80x128xf32, #tpu.memory_space<hbm>>
    %dma_wait3A_26 = arith.constant 0 : i32
    %dma_wait3A_27 = arith.constant 0 : i32
    %dma_wait3A_28 = tpu.memref_slice %arg2[%dma_wait3A_26, %dma_wait3A_27] : memref<10240x128xf32, #tpu.memory_space<hbm>> -> memref<80x128xf32, #tpu.memory_space<hbm>>
    tpu.wait_dma2 semaphore(%arg14 : memref<!tpu.dma_semaphore, #tpu.memory_space<semaphore_mem>>) src(%dma_wait3A_28 : memref<80x128xf32, #tpu.memory_space<hbm>>) dst(%arg10 : memref<80x128xf32, #tpu.memory_space<vmem>>)
    %dma_wait3A_29 = arith.constant 0 : i32
    %dma_wait3A_30 = arith.constant 0 : i32
    %dma_wait3A_31 = tpu.memref_slice %arg2[%dma_wait3A_29, %dma_wait3A_30] : memref<10240x128xf32, #tpu.memory_space<hbm>> -> memref<80x128xf32, #tpu.memory_space<hbm>>
    %dma_wait3A_32 = arith.constant 0 : i32
    %dma_wait3A_33 = arith.constant 0 : i32
    %dma_wait3A_34 = tpu.memref_slice %arg2[%dma_wait3A_32, %dma_wait3A_33] : memref<10240x128xf32, #tpu.memory_space<hbm>> -> memref<80x128xf32, #tpu.memory_space<hbm>>
    tpu.wait_dma2 semaphore(%arg13 : memref<!tpu.dma_semaphore, #tpu.memory_space<semaphore_mem>>) src(%dma_wait3A_34 : memref<80x128xf32, #tpu.memory_space<hbm>>) dst(%arg10 : memref<80x128xf32, #tpu.memory_space<vmem>>)
    %dma_start3A_35 = arith.constant 0 : i32
    %dma_start3A_36 = arith.constant 0 : i32
    %dma_start3A_37 = tpu.memref_slice %arg12[%dma_start3A_35, %dma_start3A_36] : memref<10240x128xf32, #tpu.memory_space<vmem_shared>> -> memref<10240x128xf32, #tpu.memory_space<vmem_shared>>
    tpu.enqueue_indirect_dma source(%arg10 : memref<80x128xf32, #tpu.memory_space<vmem>>) target(%dma_start3A_37 : memref<10240x128xf32, #tpu.memory_space<vmem_shared>>) offsets(%arg8 : memref<80xi32, #tpu.memory_space<vmem>>) semaphore(%arg14 : memref<!tpu.dma_semaphore, #tpu.memory_space<semaphore_mem>>) {add = true}
    %dma_wait3A_38 = arith.constant 0 : i32
    %dma_wait3A_39 = arith.constant 0 : i32
    %dma_wait3A_40 = tpu.memref_slice %arg2[%dma_wait3A_38, %dma_wait3A_39] : memref<10240x128xf32, #tpu.memory_space<hbm>> -> memref<80x128xf32, #tpu.memory_space<hbm>>
    %dma_wait3A_41 = arith.constant 0 : i32
    %dma_wait3A_42 = arith.constant 0 : i32
    %dma_wait3A_43 = tpu.memref_slice %arg2[%dma_wait3A_41, %dma_wait3A_42] : memref<10240x128xf32, #tpu.memory_space<hbm>> -> memref<80x128xf32, #tpu.memory_space<hbm>>
    tpu.wait_dma2 semaphore(%arg14 : memref<!tpu.dma_semaphore, #tpu.memory_space<semaphore_mem>>) src(%dma_wait3A_43 : memref<80x128xf32, #tpu.memory_space<hbm>>) dst(%arg10 : memref<80x128xf32, #tpu.memory_space<vmem>>)
    %barrier3A_44 = arith.constant 0 : index
    tpu.barrier barrier_id(%barrier3A_44)
    %scan3A_45 = arith.constant 0 : i32
    %scan3A_46 = arith.constant 0 : i32
    %scan3A_47 = arith.constant 8 : i32
    %scan3A_48 = arith.addi %scan3A_46, %scan3A_47 : i32
    %scan3A_49 = arith.constant 1 : i32
    %scan3A_50 = scf.for %scan3A_52 = %scan3A_46 to %scan3A_48 step %scan3A_49 iter_args(%scan3A_53 = %scan3A_45) -> (i32)  : i32 {
      %mul3A_54 = arith.constant 80 : i32
      %mul3A_55 = arith.muli %scan3A_52, %mul3A_54 : i32
      %add3A_56 = arith.addi %mul3A_2, %mul3A_55 : i32
      "tpu.region"() ({
        %run_scoped3A = tpu.sem_alloc : memref<!tpu.dma_semaphore, #tpu.memory_space<semaphore_mem>>
        %dma_start3A_59 = arith.constant 0 : i32
        %dma_start3A_60 = tpu.memref_slice %arg12[%add3A_56, %dma_start3A_59] : memref<10240x128xf32, #tpu.memory_space<vmem_shared>> -> memref<80x128xf32, #tpu.memory_space<vmem_shared>>
        %dma_start3A_61 = arith.constant 0 : i32
        %dma_start3A_62 = tpu.memref_slice %arg12[%add3A_56, %dma_start3A_61] : memref<10240x128xf32, #tpu.memory_space<vmem_shared>> -> memref<80x128xf32, #tpu.memory_space<vmem_shared>>
        tpu.enqueue_dma source(%dma_start3A_62 : memref<80x128xf32, #tpu.memory_space<vmem_shared>>) target(%arg10 : memref<80x128xf32, #tpu.memory_space<vmem>>) target_semaphore(%run_scoped3A : memref<!tpu.dma_semaphore, #tpu.memory_space<semaphore_mem>>)
        %dma_wait3A_63 = arith.constant 0 : i32
        %dma_wait3A_64 = tpu.memref_slice %arg12[%add3A_56, %dma_wait3A_63] : memref<10240x128xf32, #tpu.memory_space<vmem_shared>> -> memref<80x128xf32, #tpu.memory_space<vmem_shared>>
        %dma_wait3A_65 = arith.constant 0 : i32
        %dma_wait3A_66 = tpu.memref_slice %arg12[%add3A_56, %dma_wait3A_65] : memref<10240x128xf32, #tpu.memory_space<vmem_shared>> -> memref<80x128xf32, #tpu.memory_space<vmem_shared>>
        tpu.wait_dma2 semaphore(%run_scoped3A : memref<!tpu.dma_semaphore, #tpu.memory_space<semaphore_mem>>) src(%dma_wait3A_66 : memref<80x128xf32, #tpu.memory_space<vmem_shared>>) dst(%arg10 : memref<80x128xf32, #tpu.memory_space<vmem>>)
        tpu.yield
      }) : () -> ()
      %add3A_57 = arith.addi %mul3A_4, %add3A_56 : i32
      "tpu.region"() ({
        %run_scoped3A = tpu.sem_alloc : memref<!tpu.dma_semaphore, #tpu.memory_space<semaphore_mem>>
        %dma_start3A_59 = arith.constant 0 : i32
        %dma_start3A_60 = tpu.memref_slice %arg5[%add3A_57, %dma_start3A_59] : memref<20480x128xf32, #tpu.memory_space<hbm>> -> memref<80x128xf32, #tpu.memory_space<hbm>>
        %dma_start3A_61 = arith.constant 0 : i32
        %dma_start3A_62 = tpu.memref_slice %arg5[%add3A_57, %dma_start3A_61] : memref<20480x128xf32, #tpu.memory_space<hbm>> -> memref<80x128xf32, #tpu.memory_space<hbm>>
        tpu.enqueue_dma source(%arg10 : memref<80x128xf32, #tpu.memory_space<vmem>>) target(%dma_start3A_62 : memref<80x128xf32, #tpu.memory_space<hbm>>) target_semaphore(%run_scoped3A : memref<!tpu.dma_semaphore, #tpu.memory_space<semaphore_mem>>)
        %dma_wait3A_63 = arith.constant 0 : i32
        %dma_wait3A_64 = tpu.memref_slice %arg5[%add3A_57, %dma_wait3A_63] : memref<20480x128xf32, #tpu.memory_space<hbm>> -> memref<80x128xf32, #tpu.memory_space<hbm>>
        %dma_wait3A_65 = arith.constant 0 : i32
        %dma_wait3A_66 = tpu.memref_slice %arg5[%add3A_57, %dma_wait3A_65] : memref<20480x128xf32, #tpu.memory_space<hbm>> -> memref<80x128xf32, #tpu.memory_space<hbm>>
        tpu.wait_dma2 semaphore(%run_scoped3A : memref<!tpu.dma_semaphore, #tpu.memory_space<semaphore_mem>>) src(%arg10 : memref<80x128xf32, #tpu.memory_space<vmem>>) dst(%dma_wait3A_66 : memref<80x128xf32, #tpu.memory_space<hbm>>)
        tpu.yield
      }) : () -> ()
      %scan3A_58 = arith.constant 0 : i32
      scf.yield %scan3A_58 : i32
    }
    %scan3A_51 = arith.constant 8 : i32
    return
  }
}

#map = affine_map<(d0, d1) -> (0, 0)>
#map1 = affine_map<(d0, d1) -> (0)>
module attributes {stable_mosaic.version = 14 : i64} {
  func.func @_deg(%arg0: i32, %arg1: i32, %arg2: memref<80x128xf32, #tpu.memory_space<hbm>>, %arg3: memref<320000xi32, #tpu.memory_space<hbm>>, %arg4: memref<20480x128xf32, #tpu.memory_space<hbm>>, %arg5: memref<80xi32, #tpu.memory_space<vmem>>, %arg6: memref<80xi32, #tpu.memory_space<vmem>>, %arg7: memref<80x128xf32, #tpu.memory_space<vmem>>, %arg8: memref<10240x128xf32, #tpu.memory_space<vmem_shared>>, %arg9: memref<!tpu.dma_semaphore, #tpu.memory_space<semaphore_mem>>) attributes {dimension_semantics = [#tpu.dimension_semantics<core_parallel>, #tpu.dimension_semantics<subcore_parallel>], iteration_bounds = array<i64: 2, 16>, scalar_prefetch = 0 : i64, scratch_operands = 5 : i64, tpu.core_type = #tpu.core_type<sc_vector_subcore>, window_params = [{transform_indices = #map}, {transform_indices = #map1}, {transform_indices = #map}]} {
    %mul3A = arith.constant 2 : i32
    %mul3A_0 = arith.muli %arg1, %mul3A : i32
    %add3A = arith.addi %mul3A_0, %arg0 : i32
    %mul3A_1 = arith.constant 640 : i32
    %mul3A_2 = arith.muli %arg1, %mul3A_1 : i32
    %mul3A_3 = arith.constant 10240 : i32
    %mul3A_4 = arith.muli %arg0, %mul3A_3 : i32
    %mul3A_5 = arith.constant 10000 : i32
    %mul3A_6 = arith.muli %add3A, %mul3A_5 : i32
    "tpu.region"() ({
      %run_scoped3A = tpu.sem_alloc : memref<!tpu.dma_semaphore, #tpu.memory_space<semaphore_mem>>
      tpu.enqueue_dma source(%arg2 : memref<80x128xf32, #tpu.memory_space<hbm>>) target(%arg7 : memref<80x128xf32, #tpu.memory_space<vmem>>) target_semaphore(%run_scoped3A : memref<!tpu.dma_semaphore, #tpu.memory_space<semaphore_mem>>)
      tpu.wait_dma2 semaphore(%run_scoped3A : memref<!tpu.dma_semaphore, #tpu.memory_space<semaphore_mem>>) src(%arg2 : memref<80x128xf32, #tpu.memory_space<hbm>>) dst(%arg7 : memref<80x128xf32, #tpu.memory_space<vmem>>)
      tpu.yield
    }) : () -> ()
    %scan3A = arith.constant 0 : i32
    %scan3A_7 = arith.constant 0 : i32
    %scan3A_8 = arith.constant 8 : i32
    %scan3A_9 = arith.addi %scan3A_7, %scan3A_8 : i32
    %scan3A_10 = arith.constant 1 : i32
    %scan3A_11 = scf.for %scan3A_30 = %scan3A_7 to %scan3A_9 step %scan3A_10 iter_args(%scan3A_31 = %scan3A) -> (i32)  : i32 {
      %mul3A_32 = arith.constant 80 : i32
      %mul3A_33 = arith.muli %scan3A_30, %mul3A_32 : i32
      %add3A_34 = arith.addi %mul3A_2, %mul3A_33 : i32
      "tpu.region"() ({
        %run_scoped3A = tpu.sem_alloc : memref<!tpu.dma_semaphore, #tpu.memory_space<semaphore_mem>>
        %dma_start3A_36 = arith.constant 0 : i32
        %dma_start3A_37 = tpu.memref_slice %arg8[%add3A_34, %dma_start3A_36] : memref<10240x128xf32, #tpu.memory_space<vmem_shared>> -> memref<80x128xf32, #tpu.memory_space<vmem_shared>>
        %dma_start3A_38 = arith.constant 0 : i32
        %dma_start3A_39 = tpu.memref_slice %arg8[%add3A_34, %dma_start3A_38] : memref<10240x128xf32, #tpu.memory_space<vmem_shared>> -> memref<80x128xf32, #tpu.memory_space<vmem_shared>>
        tpu.enqueue_dma source(%arg7 : memref<80x128xf32, #tpu.memory_space<vmem>>) target(%dma_start3A_39 : memref<80x128xf32, #tpu.memory_space<vmem_shared>>) target_semaphore(%run_scoped3A : memref<!tpu.dma_semaphore, #tpu.memory_space<semaphore_mem>>)
        %dma_wait3A = arith.constant 0 : i32
        %dma_wait3A_40 = tpu.memref_slice %arg8[%add3A_34, %dma_wait3A] : memref<10240x128xf32, #tpu.memory_space<vmem_shared>> -> memref<80x128xf32, #tpu.memory_space<vmem_shared>>
        %dma_wait3A_41 = arith.constant 0 : i32
        %dma_wait3A_42 = tpu.memref_slice %arg8[%add3A_34, %dma_wait3A_41] : memref<10240x128xf32, #tpu.memory_space<vmem_shared>> -> memref<80x128xf32, #tpu.memory_space<vmem_shared>>
        tpu.wait_dma2 semaphore(%run_scoped3A : memref<!tpu.dma_semaphore, #tpu.memory_space<semaphore_mem>>) src(%arg7 : memref<80x128xf32, #tpu.memory_space<vmem>>) dst(%dma_wait3A_42 : memref<80x128xf32, #tpu.memory_space<vmem_shared>>)
        tpu.yield
      }) : () -> ()
      %scan3A_35 = arith.constant 0 : i32
      scf.yield %scan3A_35 : i32
    }
    %scan3A_12 = arith.constant 8 : i32
    "tpu.region"() ({
      %run_scoped3A = tpu.sem_alloc : memref<!tpu.dma_semaphore, #tpu.memory_space<semaphore_mem>>
      %dma_start3A_30 = tpu.memref_slice %arg3[%mul3A_6] : memref<320000xi32, #tpu.memory_space<hbm>> -> memref<80xi32, #tpu.memory_space<hbm>>
      %dma_start3A_31 = tpu.memref_slice %arg3[%mul3A_6] : memref<320000xi32, #tpu.memory_space<hbm>> -> memref<80xi32, #tpu.memory_space<hbm>>
      tpu.enqueue_dma source(%dma_start3A_31 : memref<80xi32, #tpu.memory_space<hbm>>) target(%arg5 : memref<80xi32, #tpu.memory_space<vmem>>) target_semaphore(%run_scoped3A : memref<!tpu.dma_semaphore, #tpu.memory_space<semaphore_mem>>)
      %dma_wait3A = tpu.memref_slice %arg3[%mul3A_6] : memref<320000xi32, #tpu.memory_space<hbm>> -> memref<80xi32, #tpu.memory_space<hbm>>
      %dma_wait3A_32 = tpu.memref_slice %arg3[%mul3A_6] : memref<320000xi32, #tpu.memory_space<hbm>> -> memref<80xi32, #tpu.memory_space<hbm>>
      tpu.wait_dma2 semaphore(%run_scoped3A : memref<!tpu.dma_semaphore, #tpu.memory_space<semaphore_mem>>) src(%dma_wait3A_32 : memref<80xi32, #tpu.memory_space<hbm>>) dst(%arg5 : memref<80xi32, #tpu.memory_space<vmem>>)
      tpu.yield
    }) : () -> ()
    %barrier3A = arith.constant 0 : index
    tpu.barrier barrier_id(%barrier3A)
    %scan3A_13 = arith.constant 0 : i32
    %scan3A_14 = arith.constant 0 : i32
    %scan3A_15 = arith.constant 62 : i32
    %scan3A_16 = arith.addi %scan3A_14, %scan3A_15 : i32
    %scan3A_17 = arith.constant 1 : i32
    %scan3A_18 = scf.for %scan3A_30 = %scan3A_14 to %scan3A_16 step %scan3A_17 iter_args(%scan3A_31 = %scan3A_13) -> (i32)  : i32 {
      %mul3A_32 = arith.constant 2 : i32
      %mul3A_33 = arith.muli %mul3A_32, %scan3A_30 : i32
      %dma_start3A_34 = arith.constant 0 : i32
      %dma_start3A_35 = arith.constant 0 : i32
      %dma_start3A_36 = tpu.memref_slice %arg8[%dma_start3A_34, %dma_start3A_35] : memref<10240x128xf32, #tpu.memory_space<vmem_shared>> -> memref<10240x128xf32, #tpu.memory_space<vmem_shared>>
      tpu.enqueue_indirect_dma source(%arg7 : memref<80x128xf32, #tpu.memory_space<vmem>>) target(%dma_start3A_36 : memref<10240x128xf32, #tpu.memory_space<vmem_shared>>) offsets(%arg5 : memref<80xi32, #tpu.memory_space<vmem>>) semaphore(%arg9 : memref<!tpu.dma_semaphore, #tpu.memory_space<semaphore_mem>>) {add = true}
      %gt3A = arith.constant 0 : i32
      %gt3A_37 = arith.cmpi sgt, %scan3A_30, %gt3A : i32
      %convert_element_type3A = arith.extui %gt3A_37 : i1 to i32
      %cond3A = arith.constant 0 : i32
      %cond3A_38 = arith.cmpi ne, %convert_element_type3A, %cond3A : i32
      scf.if %cond3A_38 {
        tpu.wait_dma2 semaphore(%arg9 : memref<!tpu.dma_semaphore, #tpu.memory_space<semaphore_mem>>) src(%arg2 : memref<80x128xf32, #tpu.memory_space<hbm>>) dst(%arg7 : memref<80x128xf32, #tpu.memory_space<vmem>>)
      } else {
      }
      %add3A_39 = arith.constant 1 : i32
      %add3A_40 = arith.addi %mul3A_33, %add3A_39 : i32
      %mul3A_41 = arith.constant 80 : i32
      %mul3A_42 = arith.muli %add3A_40, %mul3A_41 : i32
      %add3A_43 = arith.addi %mul3A_6, %mul3A_42 : i32
      "tpu.region"() ({
        %run_scoped3A = tpu.sem_alloc : memref<!tpu.dma_semaphore, #tpu.memory_space<semaphore_mem>>
        %dma_start3A_53 = tpu.memref_slice %arg3[%add3A_43] : memref<320000xi32, #tpu.memory_space<hbm>> -> memref<80xi32, #tpu.memory_space<hbm>>
        %dma_start3A_54 = tpu.memref_slice %arg3[%add3A_43] : memref<320000xi32, #tpu.memory_space<hbm>> -> memref<80xi32, #tpu.memory_space<hbm>>
        tpu.enqueue_dma source(%dma_start3A_54 : memref<80xi32, #tpu.memory_space<hbm>>) target(%arg6 : memref<80xi32, #tpu.memory_space<vmem>>) target_semaphore(%run_scoped3A : memref<!tpu.dma_semaphore, #tpu.memory_space<semaphore_mem>>)
        %dma_wait3A = tpu.memref_slice %arg3[%add3A_43] : memref<320000xi32, #tpu.memory_space<hbm>> -> memref<80xi32, #tpu.memory_space<hbm>>
        %dma_wait3A_55 = tpu.memref_slice %arg3[%add3A_43] : memref<320000xi32, #tpu.memory_space<hbm>> -> memref<80xi32, #tpu.memory_space<hbm>>
        tpu.wait_dma2 semaphore(%run_scoped3A : memref<!tpu.dma_semaphore, #tpu.memory_space<semaphore_mem>>) src(%dma_wait3A_55 : memref<80xi32, #tpu.memory_space<hbm>>) dst(%arg6 : memref<80xi32, #tpu.memory_space<vmem>>)
        tpu.yield
      }) : () -> ()
      %dma_start3A_44 = arith.constant 0 : i32
      %dma_start3A_45 = arith.constant 0 : i32
      %dma_start3A_46 = tpu.memref_slice %arg8[%dma_start3A_44, %dma_start3A_45] : memref<10240x128xf32, #tpu.memory_space<vmem_shared>> -> memref<10240x128xf32, #tpu.memory_space<vmem_shared>>
      tpu.enqueue_indirect_dma source(%arg7 : memref<80x128xf32, #tpu.memory_space<vmem>>) target(%dma_start3A_46 : memref<10240x128xf32, #tpu.memory_space<vmem_shared>>) offsets(%arg6 : memref<80xi32, #tpu.memory_space<vmem>>) semaphore(%arg9 : memref<!tpu.dma_semaphore, #tpu.memory_space<semaphore_mem>>) {add = true}
      tpu.wait_dma2 semaphore(%arg9 : memref<!tpu.dma_semaphore, #tpu.memory_space<semaphore_mem>>) src(%arg2 : memref<80x128xf32, #tpu.memory_space<hbm>>) dst(%arg7 : memref<80x128xf32, #tpu.memory_space<vmem>>)
      %add3A_47 = arith.constant 2 : i32
      %add3A_48 = arith.addi %mul3A_33, %add3A_47 : i32
      %mul3A_49 = arith.constant 80 : i32
      %mul3A_50 = arith.muli %add3A_48, %mul3A_49 : i32
      %add3A_51 = arith.addi %mul3A_6, %mul3A_50 : i32
      "tpu.region"() ({
        %run_scoped3A = tpu.sem_alloc : memref<!tpu.dma_semaphore, #tpu.memory_space<semaphore_mem>>
        %dma_start3A_53 = tpu.memref_slice %arg3[%add3A_51] : memref<320000xi32, #tpu.memory_space<hbm>> -> memref<80xi32, #tpu.memory_space<hbm>>
        %dma_start3A_54 = tpu.memref_slice %arg3[%add3A_51] : memref<320000xi32, #tpu.memory_space<hbm>> -> memref<80xi32, #tpu.memory_space<hbm>>
        tpu.enqueue_dma source(%dma_start3A_54 : memref<80xi32, #tpu.memory_space<hbm>>) target(%arg5 : memref<80xi32, #tpu.memory_space<vmem>>) target_semaphore(%run_scoped3A : memref<!tpu.dma_semaphore, #tpu.memory_space<semaphore_mem>>)
        %dma_wait3A = tpu.memref_slice %arg3[%add3A_51] : memref<320000xi32, #tpu.memory_space<hbm>> -> memref<80xi32, #tpu.memory_space<hbm>>
        %dma_wait3A_55 = tpu.memref_slice %arg3[%add3A_51] : memref<320000xi32, #tpu.memory_space<hbm>> -> memref<80xi32, #tpu.memory_space<hbm>>
        tpu.wait_dma2 semaphore(%run_scoped3A : memref<!tpu.dma_semaphore, #tpu.memory_space<semaphore_mem>>) src(%dma_wait3A_55 : memref<80xi32, #tpu.memory_space<hbm>>) dst(%arg5 : memref<80xi32, #tpu.memory_space<vmem>>)
        tpu.yield
      }) : () -> ()
      %scan3A_52 = arith.constant 0 : i32
      scf.yield %scan3A_52 : i32
    }
    %scan3A_19 = arith.constant 62 : i32
    %dma_start3A = arith.constant 0 : i32
    %dma_start3A_20 = arith.constant 0 : i32
    %dma_start3A_21 = tpu.memref_slice %arg8[%dma_start3A, %dma_start3A_20] : memref<10240x128xf32, #tpu.memory_space<vmem_shared>> -> memref<10240x128xf32, #tpu.memory_space<vmem_shared>>
    tpu.enqueue_indirect_dma source(%arg7 : memref<80x128xf32, #tpu.memory_space<vmem>>) target(%dma_start3A_21 : memref<10240x128xf32, #tpu.memory_space<vmem_shared>>) offsets(%arg5 : memref<80xi32, #tpu.memory_space<vmem>>) semaphore(%arg9 : memref<!tpu.dma_semaphore, #tpu.memory_space<semaphore_mem>>) {add = true}
    tpu.wait_dma2 semaphore(%arg9 : memref<!tpu.dma_semaphore, #tpu.memory_space<semaphore_mem>>) src(%arg2 : memref<80x128xf32, #tpu.memory_space<hbm>>) dst(%arg7 : memref<80x128xf32, #tpu.memory_space<vmem>>)
    tpu.wait_dma2 semaphore(%arg9 : memref<!tpu.dma_semaphore, #tpu.memory_space<semaphore_mem>>) src(%arg2 : memref<80x128xf32, #tpu.memory_space<hbm>>) dst(%arg7 : memref<80x128xf32, #tpu.memory_space<vmem>>)
    %barrier3A_22 = arith.constant 0 : index
    tpu.barrier barrier_id(%barrier3A_22)
    %scan3A_23 = arith.constant 0 : i32
    %scan3A_24 = arith.constant 0 : i32
    %scan3A_25 = arith.constant 8 : i32
    %scan3A_26 = arith.addi %scan3A_24, %scan3A_25 : i32
    %scan3A_27 = arith.constant 1 : i32
    %scan3A_28 = scf.for %scan3A_30 = %scan3A_24 to %scan3A_26 step %scan3A_27 iter_args(%scan3A_31 = %scan3A_23) -> (i32)  : i32 {
      %mul3A_32 = arith.constant 80 : i32
      %mul3A_33 = arith.muli %scan3A_30, %mul3A_32 : i32
      %add3A_34 = arith.addi %mul3A_2, %mul3A_33 : i32
      "tpu.region"() ({
        %run_scoped3A = tpu.sem_alloc : memref<!tpu.dma_semaphore, #tpu.memory_space<semaphore_mem>>
        %dma_start3A_37 = arith.constant 0 : i32
        %dma_start3A_38 = tpu.memref_slice %arg8[%add3A_34, %dma_start3A_37] : memref<10240x128xf32, #tpu.memory_space<vmem_shared>> -> memref<80x128xf32, #tpu.memory_space<vmem_shared>>
        %dma_start3A_39 = arith.constant 0 : i32
        %dma_start3A_40 = tpu.memref_slice %arg8[%add3A_34, %dma_start3A_39] : memref<10240x128xf32, #tpu.memory_space<vmem_shared>> -> memref<80x128xf32, #tpu.memory_space<vmem_shared>>
        tpu.enqueue_dma source(%dma_start3A_40 : memref<80x128xf32, #tpu.memory_space<vmem_shared>>) target(%arg7 : memref<80x128xf32, #tpu.memory_space<vmem>>) target_semaphore(%run_scoped3A : memref<!tpu.dma_semaphore, #tpu.memory_space<semaphore_mem>>)
        %dma_wait3A = arith.constant 0 : i32
        %dma_wait3A_41 = tpu.memref_slice %arg8[%add3A_34, %dma_wait3A] : memref<10240x128xf32, #tpu.memory_space<vmem_shared>> -> memref<80x128xf32, #tpu.memory_space<vmem_shared>>
        %dma_wait3A_42 = arith.constant 0 : i32
        %dma_wait3A_43 = tpu.memref_slice %arg8[%add3A_34, %dma_wait3A_42] : memref<10240x128xf32, #tpu.memory_space<vmem_shared>> -> memref<80x128xf32, #tpu.memory_space<vmem_shared>>
        tpu.wait_dma2 semaphore(%run_scoped3A : memref<!tpu.dma_semaphore, #tpu.memory_space<semaphore_mem>>) src(%dma_wait3A_43 : memref<80x128xf32, #tpu.memory_space<vmem_shared>>) dst(%arg7 : memref<80x128xf32, #tpu.memory_space<vmem>>)
        tpu.yield
      }) : () -> ()
      %add3A_35 = arith.addi %mul3A_4, %add3A_34 : i32
      "tpu.region"() ({
        %run_scoped3A = tpu.sem_alloc : memref<!tpu.dma_semaphore, #tpu.memory_space<semaphore_mem>>
        %dma_start3A_37 = arith.constant 0 : i32
        %dma_start3A_38 = tpu.memref_slice %arg4[%add3A_35, %dma_start3A_37] : memref<20480x128xf32, #tpu.memory_space<hbm>> -> memref<80x128xf32, #tpu.memory_space<hbm>>
        %dma_start3A_39 = arith.constant 0 : i32
        %dma_start3A_40 = tpu.memref_slice %arg4[%add3A_35, %dma_start3A_39] : memref<20480x128xf32, #tpu.memory_space<hbm>> -> memref<80x128xf32, #tpu.memory_space<hbm>>
        tpu.enqueue_dma source(%arg7 : memref<80x128xf32, #tpu.memory_space<vmem>>) target(%dma_start3A_40 : memref<80x128xf32, #tpu.memory_space<hbm>>) target_semaphore(%run_scoped3A : memref<!tpu.dma_semaphore, #tpu.memory_space<semaphore_mem>>)
        %dma_wait3A = arith.constant 0 : i32
        %dma_wait3A_41 = tpu.memref_slice %arg4[%add3A_35, %dma_wait3A] : memref<20480x128xf32, #tpu.memory_space<hbm>> -> memref<80x128xf32, #tpu.memory_space<hbm>>
        %dma_wait3A_42 = arith.constant 0 : i32
        %dma_wait3A_43 = tpu.memref_slice %arg4[%add3A_35, %dma_wait3A_42] : memref<20480x128xf32, #tpu.memory_space<hbm>> -> memref<80x128xf32, #tpu.memory_space<hbm>>
        tpu.wait_dma2 semaphore(%run_scoped3A : memref<!tpu.dma_semaphore, #tpu.memory_space<semaphore_mem>>) src(%arg7 : memref<80x128xf32, #tpu.memory_space<vmem>>) dst(%dma_wait3A_43 : memref<80x128xf32, #tpu.memory_space<hbm>>)
        tpu.yield
      }) : () -> ()
      %scan3A_36 = arith.constant 0 : i32
      scf.yield %scan3A_36 : i32
    }
    %scan3A_29 = arith.constant 8 : i32
    return
  }
}

#map = affine_map<(d0, d1) -> (0, 0)>
#map1 = affine_map<(d0, d1) -> (0)>
module attributes {stable_mosaic.version = 14 : i64} {
  func.func @_agg(%arg0: i32, %arg1: i32, %arg2: memref<10240x128xf32, #tpu.memory_space<hbm>>, %arg3: memref<320000xi32, #tpu.memory_space<hbm>>, %arg4: memref<320000xi32, #tpu.memory_space<hbm>>, %arg5: memref<20480x128xf32, #tpu.memory_space<hbm>>, %arg6: memref<80xi32, #tpu.memory_space<vmem>>, %arg7: memref<80xi32, #tpu.memory_space<vmem>>, %arg8: memref<80xi32, #tpu.memory_space<vmem>>, %arg9: memref<80xi32, #tpu.memory_space<vmem>>, %arg10: memref<80x128xf32, #tpu.memory_space<vmem>>, %arg11: memref<80x128xf32, #tpu.memory_space<vmem>>, %arg12: memref<10240x128xf32, #tpu.memory_space<vmem_shared>>, %arg13: memref<!tpu.dma_semaphore, #tpu.memory_space<semaphore_mem>>, %arg14: memref<!tpu.dma_semaphore, #tpu.memory_space<semaphore_mem>>) attributes {dimension_semantics = [#tpu.dimension_semantics<core_parallel>, #tpu.dimension_semantics<subcore_parallel>], iteration_bounds = array<i64: 2, 16>, scalar_prefetch = 0 : i64, scratch_operands = 9 : i64, tpu.core_type = #tpu.core_type<sc_vector_subcore>, window_params = [{transform_indices = #map}, {transform_indices = #map1}, {transform_indices = #map1}, {transform_indices = #map}]} {
    %mul3A = arith.constant 2 : i32
    %mul3A_0 = arith.muli %arg1, %mul3A : i32
    %add3A = arith.addi %mul3A_0, %arg0 : i32
    %mul3A_1 = arith.constant 640 : i32
    %mul3A_2 = arith.muli %arg1, %mul3A_1 : i32
    %mul3A_3 = arith.constant 10240 : i32
    %mul3A_4 = arith.muli %arg0, %mul3A_3 : i32
    %mul3A_5 = arith.constant 10000 : i32
    %mul3A_6 = arith.muli %add3A, %mul3A_5 : i32
    %scan3A = arith.constant 0 : i32
    %scan3A_7 = arith.constant 0 : i32
    %scan3A_8 = arith.constant 8 : i32
    %scan3A_9 = arith.addi %scan3A_7, %scan3A_8 : i32
    %scan3A_10 = arith.constant 1 : i32
    %scan3A_11 = scf.for %scan3A_52 = %scan3A_7 to %scan3A_9 step %scan3A_10 iter_args(%scan3A_53 = %scan3A) -> (i32)  : i32 {
      %mul3A_54 = arith.constant 80 : i32
      %mul3A_55 = arith.muli %scan3A_52, %mul3A_54 : i32
      %add3A_56 = arith.addi %mul3A_2, %mul3A_55 : i32
      "tpu.region"() ({
        %run_scoped3A = tpu.sem_alloc : memref<!tpu.dma_semaphore, #tpu.memory_space<semaphore_mem>>
        %dma_start3A_58 = arith.constant 0 : i32
        %dma_start3A_59 = tpu.memref_slice %arg2[%add3A_56, %dma_start3A_58] : memref<10240x128xf32, #tpu.memory_space<hbm>> -> memref<80x128xf32, #tpu.memory_space<hbm>>
        %dma_start3A_60 = arith.constant 0 : i32
        %dma_start3A_61 = tpu.memref_slice %arg2[%add3A_56, %dma_start3A_60] : memref<10240x128xf32, #tpu.memory_space<hbm>> -> memref<80x128xf32, #tpu.memory_space<hbm>>
        tpu.enqueue_dma source(%dma_start3A_61 : memref<80x128xf32, #tpu.memory_space<hbm>>) target(%arg10 : memref<80x128xf32, #tpu.memory_space<vmem>>) target_semaphore(%run_scoped3A : memref<!tpu.dma_semaphore, #tpu.memory_space<semaphore_mem>>)
        %dma_wait3A_62 = arith.constant 0 : i32
        %dma_wait3A_63 = tpu.memref_slice %arg2[%add3A_56, %dma_wait3A_62] : memref<10240x128xf32, #tpu.memory_space<hbm>> -> memref<80x128xf32, #tpu.memory_space<hbm>>
        %dma_wait3A_64 = arith.constant 0 : i32
        %dma_wait3A_65 = tpu.memref_slice %arg2[%add3A_56, %dma_wait3A_64] : memref<10240x128xf32, #tpu.memory_space<hbm>> -> memref<80x128xf32, #tpu.memory_space<hbm>>
        tpu.wait_dma2 semaphore(%run_scoped3A : memref<!tpu.dma_semaphore, #tpu.memory_space<semaphore_mem>>) src(%dma_wait3A_65 : memref<80x128xf32, #tpu.memory_space<hbm>>) dst(%arg10 : memref<80x128xf32, #tpu.memory_space<vmem>>)
        tpu.yield
      }) : () -> ()
      "tpu.region"() ({
        %run_scoped3A = tpu.sem_alloc : memref<!tpu.dma_semaphore, #tpu.memory_space<semaphore_mem>>
        %dma_start3A_58 = arith.constant 0 : i32
        %dma_start3A_59 = tpu.memref_slice %arg12[%add3A_56, %dma_start3A_58] : memref<10240x128xf32, #tpu.memory_space<vmem_shared>> -> memref<80x128xf32, #tpu.memory_space<vmem_shared>>
        %dma_start3A_60 = arith.constant 0 : i32
        %dma_start3A_61 = tpu.memref_slice %arg12[%add3A_56, %dma_start3A_60] : memref<10240x128xf32, #tpu.memory_space<vmem_shared>> -> memref<80x128xf32, #tpu.memory_space<vmem_shared>>
        tpu.enqueue_dma source(%arg10 : memref<80x128xf32, #tpu.memory_space<vmem>>) target(%dma_start3A_61 : memref<80x128xf32, #tpu.memory_space<vmem_shared>>) target_semaphore(%run_scoped3A : memref<!tpu.dma_semaphore, #tpu.memory_space<semaphore_mem>>)
        %dma_wait3A_62 = arith.constant 0 : i32
        %dma_wait3A_63 = tpu.memref_slice %arg12[%add3A_56, %dma_wait3A_62] : memref<10240x128xf32, #tpu.memory_space<vmem_shared>> -> memref<80x128xf32, #tpu.memory_space<vmem_shared>>
        %dma_wait3A_64 = arith.constant 0 : i32
        %dma_wait3A_65 = tpu.memref_slice %arg12[%add3A_56, %dma_wait3A_64] : memref<10240x128xf32, #tpu.memory_space<vmem_shared>> -> memref<80x128xf32, #tpu.memory_space<vmem_shared>>
        tpu.wait_dma2 semaphore(%run_scoped3A : memref<!tpu.dma_semaphore, #tpu.memory_space<semaphore_mem>>) src(%arg10 : memref<80x128xf32, #tpu.memory_space<vmem>>) dst(%dma_wait3A_65 : memref<80x128xf32, #tpu.memory_space<vmem_shared>>)
        tpu.yield
      }) : () -> ()
      %scan3A_57 = arith.constant 0 : i32
      scf.yield %scan3A_57 : i32
    }
    %scan3A_12 = arith.constant 8 : i32
    "tpu.region"() ({
      %run_scoped3A = tpu.sem_alloc : memref<!tpu.dma_semaphore, #tpu.memory_space<semaphore_mem>>
      %dma_start3A_52 = tpu.memref_slice %arg3[%mul3A_6] : memref<320000xi32, #tpu.memory_space<hbm>> -> memref<80xi32, #tpu.memory_space<hbm>>
      %dma_start3A_53 = tpu.memref_slice %arg3[%mul3A_6] : memref<320000xi32, #tpu.memory_space<hbm>> -> memref<80xi32, #tpu.memory_space<hbm>>
      tpu.enqueue_dma source(%dma_start3A_53 : memref<80xi32, #tpu.memory_space<hbm>>) target(%arg6 : memref<80xi32, #tpu.memory_space<vmem>>) target_semaphore(%run_scoped3A : memref<!tpu.dma_semaphore, #tpu.memory_space<semaphore_mem>>)
      %dma_wait3A_54 = tpu.memref_slice %arg3[%mul3A_6] : memref<320000xi32, #tpu.memory_space<hbm>> -> memref<80xi32, #tpu.memory_space<hbm>>
      %dma_wait3A_55 = tpu.memref_slice %arg3[%mul3A_6] : memref<320000xi32, #tpu.memory_space<hbm>> -> memref<80xi32, #tpu.memory_space<hbm>>
      tpu.wait_dma2 semaphore(%run_scoped3A : memref<!tpu.dma_semaphore, #tpu.memory_space<semaphore_mem>>) src(%dma_wait3A_55 : memref<80xi32, #tpu.memory_space<hbm>>) dst(%arg6 : memref<80xi32, #tpu.memory_space<vmem>>)
      tpu.yield
    }) : () -> ()
    %dma_start3A = arith.constant 0 : i32
    %dma_start3A_13 = arith.constant 0 : i32
    %dma_start3A_14 = tpu.memref_slice %arg2[%dma_start3A, %dma_start3A_13] : memref<10240x128xf32, #tpu.memory_space<hbm>> -> memref<10240x128xf32, #tpu.memory_space<hbm>>
    tpu.enqueue_indirect_dma source(%dma_start3A_14 : memref<10240x128xf32, #tpu.memory_space<hbm>>) target(%arg10 : memref<80x128xf32, #tpu.memory_space<vmem>>) offsets(%arg6 : memref<80xi32, #tpu.memory_space<vmem>>) semaphore(%arg13 : memref<!tpu.dma_semaphore, #tpu.memory_space<semaphore_mem>>)
    %barrier3A = arith.constant 0 : index
    tpu.barrier barrier_id(%barrier3A)
    %scan3A_15 = arith.constant 0 : i32
    %scan3A_16 = arith.constant 0 : i32
    %scan3A_17 = arith.constant 62 : i32
    %scan3A_18 = arith.addi %scan3A_16, %scan3A_17 : i32
    %scan3A_19 = arith.constant 1 : i32
    %scan3A_20 = scf.for %scan3A_52 = %scan3A_16 to %scan3A_18 step %scan3A_19 iter_args(%scan3A_53 = %scan3A_15) -> (i32)  : i32 {
      %mul3A_54 = arith.constant 2 : i32
      %mul3A_55 = arith.muli %mul3A_54, %scan3A_52 : i32
      %mul3A_56 = arith.constant 80 : i32
      %mul3A_57 = arith.muli %mul3A_55, %mul3A_56 : i32
      %add3A_58 = arith.addi %mul3A_6, %mul3A_57 : i32
      "tpu.region"() ({
        %run_scoped3A = tpu.sem_alloc : memref<!tpu.dma_semaphore, #tpu.memory_space<semaphore_mem>>
        %dma_start3A_107 = tpu.memref_slice %arg4[%add3A_58] : memref<320000xi32, #tpu.memory_space<hbm>> -> memref<80xi32, #tpu.memory_space<hbm>>
        %dma_start3A_108 = tpu.memref_slice %arg4[%add3A_58] : memref<320000xi32, #tpu.memory_space<hbm>> -> memref<80xi32, #tpu.memory_space<hbm>>
        tpu.enqueue_dma source(%dma_start3A_108 : memref<80xi32, #tpu.memory_space<hbm>>) target(%arg8 : memref<80xi32, #tpu.memory_space<vmem>>) target_semaphore(%run_scoped3A : memref<!tpu.dma_semaphore, #tpu.memory_space<semaphore_mem>>)
        %dma_wait3A_109 = tpu.memref_slice %arg4[%add3A_58] : memref<320000xi32, #tpu.memory_space<hbm>> -> memref<80xi32, #tpu.memory_space<hbm>>
        %dma_wait3A_110 = tpu.memref_slice %arg4[%add3A_58] : memref<320000xi32, #tpu.memory_space<hbm>> -> memref<80xi32, #tpu.memory_space<hbm>>
        tpu.wait_dma2 semaphore(%run_scoped3A : memref<!tpu.dma_semaphore, #tpu.memory_space<semaphore_mem>>) src(%dma_wait3A_110 : memref<80xi32, #tpu.memory_space<hbm>>) dst(%arg8 : memref<80xi32, #tpu.memory_space<vmem>>)
        tpu.yield
      }) : () -> ()
      %gt3A = arith.constant 0 : i32
      %gt3A_59 = arith.cmpi sgt, %scan3A_52, %gt3A : i32
      %convert_element_type3A = arith.extui %gt3A_59 : i1 to i32
      %cond3A = arith.constant 0 : i32
      %cond3A_60 = arith.cmpi ne, %convert_element_type3A, %cond3A : i32
      scf.if %cond3A_60 {
        %dma_wait3A_107 = arith.constant 0 : i32
        %dma_wait3A_108 = arith.constant 0 : i32
        %dma_wait3A_109 = tpu.memref_slice %arg2[%dma_wait3A_107, %dma_wait3A_108] : memref<10240x128xf32, #tpu.memory_space<hbm>> -> memref<80x128xf32, #tpu.memory_space<hbm>>
        %dma_wait3A_110 = arith.constant 0 : i32
        %dma_wait3A_111 = arith.constant 0 : i32
        %dma_wait3A_112 = tpu.memref_slice %arg2[%dma_wait3A_110, %dma_wait3A_111] : memref<10240x128xf32, #tpu.memory_space<hbm>> -> memref<80x128xf32, #tpu.memory_space<hbm>>
        tpu.wait_dma2 semaphore(%arg14 : memref<!tpu.dma_semaphore, #tpu.memory_space<semaphore_mem>>) src(%dma_wait3A_112 : memref<80x128xf32, #tpu.memory_space<hbm>>) dst(%arg10 : memref<80x128xf32, #tpu.memory_space<vmem>>)
      } else {
      }
      %add3A_61 = arith.constant 1 : i32
      %add3A_62 = arith.addi %mul3A_55, %add3A_61 : i32
      %mul3A_63 = arith.constant 80 : i32
      %mul3A_64 = arith.muli %add3A_62, %mul3A_63 : i32
      %add3A_65 = arith.addi %mul3A_6, %mul3A_64 : i32
      "tpu.region"() ({
        %run_scoped3A = tpu.sem_alloc : memref<!tpu.dma_semaphore, #tpu.memory_space<semaphore_mem>>
        %dma_start3A_107 = tpu.memref_slice %arg3[%add3A_65] : memref<320000xi32, #tpu.memory_space<hbm>> -> memref<80xi32, #tpu.memory_space<hbm>>
        %dma_start3A_108 = tpu.memref_slice %arg3[%add3A_65] : memref<320000xi32, #tpu.memory_space<hbm>> -> memref<80xi32, #tpu.memory_space<hbm>>
        tpu.enqueue_dma source(%dma_start3A_108 : memref<80xi32, #tpu.memory_space<hbm>>) target(%arg7 : memref<80xi32, #tpu.memory_space<vmem>>) target_semaphore(%run_scoped3A : memref<!tpu.dma_semaphore, #tpu.memory_space<semaphore_mem>>)
        %dma_wait3A_109 = tpu.memref_slice %arg3[%add3A_65] : memref<320000xi32, #tpu.memory_space<hbm>> -> memref<80xi32, #tpu.memory_space<hbm>>
        %dma_wait3A_110 = tpu.memref_slice %arg3[%add3A_65] : memref<320000xi32, #tpu.memory_space<hbm>> -> memref<80xi32, #tpu.memory_space<hbm>>
        tpu.wait_dma2 semaphore(%run_scoped3A : memref<!tpu.dma_semaphore, #tpu.memory_space<semaphore_mem>>) src(%dma_wait3A_110 : memref<80xi32, #tpu.memory_space<hbm>>) dst(%arg7 : memref<80xi32, #tpu.memory_space<vmem>>)
        tpu.yield
      }) : () -> ()
      %dma_start3A_66 = arith.constant 0 : i32
      %dma_start3A_67 = arith.constant 0 : i32
      %dma_start3A_68 = tpu.memref_slice %arg2[%dma_start3A_66, %dma_start3A_67] : memref<10240x128xf32, #tpu.memory_space<hbm>> -> memref<10240x128xf32, #tpu.memory_space<hbm>>
      tpu.enqueue_indirect_dma source(%dma_start3A_68 : memref<10240x128xf32, #tpu.memory_space<hbm>>) target(%arg11 : memref<80x128xf32, #tpu.memory_space<vmem>>) offsets(%arg7 : memref<80xi32, #tpu.memory_space<vmem>>) semaphore(%arg13 : memref<!tpu.dma_semaphore, #tpu.memory_space<semaphore_mem>>)
      %dma_wait3A_69 = arith.constant 0 : i32
      %dma_wait3A_70 = arith.constant 0 : i32
      %dma_wait3A_71 = tpu.memref_slice %arg2[%dma_wait3A_69, %dma_wait3A_70] : memref<10240x128xf32, #tpu.memory_space<hbm>> -> memref<80x128xf32, #tpu.memory_space<hbm>>
      %dma_wait3A_72 = arith.constant 0 : i32
      %dma_wait3A_73 = arith.constant 0 : i32
      %dma_wait3A_74 = tpu.memref_slice %arg2[%dma_wait3A_72, %dma_wait3A_73] : memref<10240x128xf32, #tpu.memory_space<hbm>> -> memref<80x128xf32, #tpu.memory_space<hbm>>
      tpu.wait_dma2 semaphore(%arg13 : memref<!tpu.dma_semaphore, #tpu.memory_space<semaphore_mem>>) src(%dma_wait3A_74 : memref<80x128xf32, #tpu.memory_space<hbm>>) dst(%arg10 : memref<80x128xf32, #tpu.memory_space<vmem>>)
      %dma_start3A_75 = arith.constant 0 : i32
      %dma_start3A_76 = arith.constant 0 : i32
      %dma_start3A_77 = tpu.memref_slice %arg12[%dma_start3A_75, %dma_start3A_76] : memref<10240x128xf32, #tpu.memory_space<vmem_shared>> -> memref<10240x128xf32, #tpu.memory_space<vmem_shared>>
      tpu.enqueue_indirect_dma source(%arg10 : memref<80x128xf32, #tpu.memory_space<vmem>>) target(%dma_start3A_77 : memref<10240x128xf32, #tpu.memory_space<vmem_shared>>) offsets(%arg8 : memref<80xi32, #tpu.memory_space<vmem>>) semaphore(%arg14 : memref<!tpu.dma_semaphore, #tpu.memory_space<semaphore_mem>>) {add = true}
      %add3A_78 = arith.constant 1 : i32
      %add3A_79 = arith.addi %mul3A_55, %add3A_78 : i32
      %mul3A_80 = arith.constant 80 : i32
      %mul3A_81 = arith.muli %add3A_79, %mul3A_80 : i32
      %add3A_82 = arith.addi %mul3A_6, %mul3A_81 : i32
      "tpu.region"() ({
        %run_scoped3A = tpu.sem_alloc : memref<!tpu.dma_semaphore, #tpu.memory_space<semaphore_mem>>
        %dma_start3A_107 = tpu.memref_slice %arg4[%add3A_82] : memref<320000xi32, #tpu.memory_space<hbm>> -> memref<80xi32, #tpu.memory_space<hbm>>
        %dma_start3A_108 = tpu.memref_slice %arg4[%add3A_82] : memref<320000xi32, #tpu.memory_space<hbm>> -> memref<80xi32, #tpu.memory_space<hbm>>
        tpu.enqueue_dma source(%dma_start3A_108 : memref<80xi32, #tpu.memory_space<hbm>>) target(%arg9 : memref<80xi32, #tpu.memory_space<vmem>>) target_semaphore(%run_scoped3A : memref<!tpu.dma_semaphore, #tpu.memory_space<semaphore_mem>>)
        %dma_wait3A_109 = tpu.memref_slice %arg4[%add3A_82] : memref<320000xi32, #tpu.memory_space<hbm>> -> memref<80xi32, #tpu.memory_space<hbm>>
        %dma_wait3A_110 = tpu.memref_slice %arg4[%add3A_82] : memref<320000xi32, #tpu.memory_space<hbm>> -> memref<80xi32, #tpu.memory_space<hbm>>
        tpu.wait_dma2 semaphore(%run_scoped3A : memref<!tpu.dma_semaphore, #tpu.memory_space<semaphore_mem>>) src(%dma_wait3A_110 : memref<80xi32, #tpu.memory_space<hbm>>) dst(%arg9 : memref<80xi32, #tpu.memory_space<vmem>>)
        tpu.yield
      }) : () -> ()
      %add3A_83 = arith.constant 2 : i32
      %add3A_84 = arith.addi %mul3A_55, %add3A_83 : i32
      %mul3A_85 = arith.constant 80 : i32
      %mul3A_86 = arith.muli %add3A_84, %mul3A_85 : i32
      %add3A_87 = arith.addi %mul3A_6, %mul3A_86 : i32
      "tpu.region"() ({
        %run_scoped3A = tpu.sem_alloc : memref<!tpu.dma_semaphore, #tpu.memory_space<semaphore_mem>>
        %dma_start3A_107 = tpu.memref_slice %arg3[%add3A_87] : memref<320000xi32, #tpu.memory_space<hbm>> -> memref<80xi32, #tpu.memory_space<hbm>>
        %dma_start3A_108 = tpu.memref_slice %arg3[%add3A_87] : memref<320000xi32, #tpu.memory_space<hbm>> -> memref<80xi32, #tpu.memory_space<hbm>>
        tpu.enqueue_dma source(%dma_start3A_108 : memref<80xi32, #tpu.memory_space<hbm>>) target(%arg6 : memref<80xi32, #tpu.memory_space<vmem>>) target_semaphore(%run_scoped3A : memref<!tpu.dma_semaphore, #tpu.memory_space<semaphore_mem>>)
        %dma_wait3A_109 = tpu.memref_slice %arg3[%add3A_87] : memref<320000xi32, #tpu.memory_space<hbm>> -> memref<80xi32, #tpu.memory_space<hbm>>
        %dma_wait3A_110 = tpu.memref_slice %arg3[%add3A_87] : memref<320000xi32, #tpu.memory_space<hbm>> -> memref<80xi32, #tpu.memory_space<hbm>>
        tpu.wait_dma2 semaphore(%run_scoped3A : memref<!tpu.dma_semaphore, #tpu.memory_space<semaphore_mem>>) src(%dma_wait3A_110 : memref<80xi32, #tpu.memory_space<hbm>>) dst(%arg6 : memref<80xi32, #tpu.memory_space<vmem>>)
        tpu.yield
      }) : () -> ()
      %dma_wait3A_88 = arith.constant 0 : i32
      %dma_wait3A_89 = arith.constant 0 : i32
      %dma_wait3A_90 = tpu.memref_slice %arg2[%dma_wait3A_88, %dma_wait3A_89] : memref<10240x128xf32, #tpu.memory_space<hbm>> -> memref<80x128xf32, #tpu.memory_space<hbm>>
      %dma_wait3A_91 = arith.constant 0 : i32
      %dma_wait3A_92 = arith.constant 0 : i32
      %dma_wait3A_93 = tpu.memref_slice %arg2[%dma_wait3A_91, %dma_wait3A_92] : memref<10240x128xf32, #tpu.memory_space<hbm>> -> memref<80x128xf32, #tpu.memory_space<hbm>>
      tpu.wait_dma2 semaphore(%arg14 : memref<!tpu.dma_semaphore, #tpu.memory_space<semaphore_mem>>) src(%dma_wait3A_93 : memref<80x128xf32, #tpu.memory_space<hbm>>) dst(%arg10 : memref<80x128xf32, #tpu.memory_space<vmem>>)
      %dma_start3A_94 = arith.constant 0 : i32
      %dma_start3A_95 = arith.constant 0 : i32
      %dma_start3A_96 = tpu.memref_slice %arg2[%dma_start3A_94, %dma_start3A_95] : memref<10240x128xf32, #tpu.memory_space<hbm>> -> memref<10240x128xf32, #tpu.memory_space<hbm>>
      tpu.enqueue_indirect_dma source(%dma_start3A_96 : memref<10240x128xf32, #tpu.memory_space<hbm>>) target(%arg10 : memref<80x128xf32, #tpu.memory_space<vmem>>) offsets(%arg6 : memref<80xi32, #tpu.memory_space<vmem>>) semaphore(%arg13 : memref<!tpu.dma_semaphore, #tpu.memory_space<semaphore_mem>>)
      %dma_wait3A_97 = arith.constant 0 : i32
      %dma_wait3A_98 = arith.constant 0 : i32
      %dma_wait3A_99 = tpu.memref_slice %arg2[%dma_wait3A_97, %dma_wait3A_98] : memref<10240x128xf32, #tpu.memory_space<hbm>> -> memref<80x128xf32, #tpu.memory_space<hbm>>
      %dma_wait3A_100 = arith.constant 0 : i32
      %dma_wait3A_101 = arith.constant 0 : i32
      %dma_wait3A_102 = tpu.memref_slice %arg2[%dma_wait3A_100, %dma_wait3A_101] : memref<10240x128xf32, #tpu.memory_space<hbm>> -> memref<80x128xf32, #tpu.memory_space<hbm>>
      tpu.wait_dma2 semaphore(%arg13 : memref<!tpu.dma_semaphore, #tpu.memory_space<semaphore_mem>>) src(%dma_wait3A_102 : memref<80x128xf32, #tpu.memory_space<hbm>>) dst(%arg10 : memref<80x128xf32, #tpu.memory_space<vmem>>)
      %dma_start3A_103 = arith.constant 0 : i32
      %dma_start3A_104 = arith.constant 0 : i32
      %dma_start3A_105 = tpu.memref_slice %arg12[%dma_start3A_103, %dma_start3A_104] : memref<10240x128xf32, #tpu.memory_space<vmem_shared>> -> memref<10240x128xf32, #tpu.memory_space<vmem_shared>>
      tpu.enqueue_indirect_dma source(%arg11 : memref<80x128xf32, #tpu.memory_space<vmem>>) target(%dma_start3A_105 : memref<10240x128xf32, #tpu.memory_space<vmem_shared>>) offsets(%arg9 : memref<80xi32, #tpu.memory_space<vmem>>) semaphore(%arg14 : memref<!tpu.dma_semaphore, #tpu.memory_space<semaphore_mem>>) {add = true}
      %scan3A_106 = arith.constant 0 : i32
      scf.yield %scan3A_106 : i32
    }
    %scan3A_21 = arith.constant 62 : i32
    %add3A_22 = arith.constant 9920 : i32
    %add3A_23 = arith.addi %mul3A_6, %add3A_22 : i32
    "tpu.region"() ({
      %run_scoped3A = tpu.sem_alloc : memref<!tpu.dma_semaphore, #tpu.memory_space<semaphore_mem>>
      %dma_start3A_52 = tpu.memref_slice %arg4[%add3A_23] : memref<320000xi32, #tpu.memory_space<hbm>> -> memref<80xi32, #tpu.memory_space<hbm>>
      %dma_start3A_53 = tpu.memref_slice %arg4[%add3A_23] : memref<320000xi32, #tpu.memory_space<hbm>> -> memref<80xi32, #tpu.memory_space<hbm>>
      tpu.enqueue_dma source(%dma_start3A_53 : memref<80xi32, #tpu.memory_space<hbm>>) target(%arg8 : memref<80xi32, #tpu.memory_space<vmem>>) target_semaphore(%run_scoped3A : memref<!tpu.dma_semaphore, #tpu.memory_space<semaphore_mem>>)
      %dma_wait3A_54 = tpu.memref_slice %arg4[%add3A_23] : memref<320000xi32, #tpu.memory_space<hbm>> -> memref<80xi32, #tpu.memory_space<hbm>>
      %dma_wait3A_55 = tpu.memref_slice %arg4[%add3A_23] : memref<320000xi32, #tpu.memory_space<hbm>> -> memref<80xi32, #tpu.memory_space<hbm>>
      tpu.wait_dma2 semaphore(%run_scoped3A : memref<!tpu.dma_semaphore, #tpu.memory_space<semaphore_mem>>) src(%dma_wait3A_55 : memref<80xi32, #tpu.memory_space<hbm>>) dst(%arg8 : memref<80xi32, #tpu.memory_space<vmem>>)
      tpu.yield
    }) : () -> ()
    %dma_wait3A = arith.constant 0 : i32
    %dma_wait3A_24 = arith.constant 0 : i32
    %dma_wait3A_25 = tpu.memref_slice %arg2[%dma_wait3A, %dma_wait3A_24] : memref<10240x128xf32, #tpu.memory_space<hbm>> -> memref<80x128xf32, #tpu.memory_space<hbm>>
    %dma_wait3A_26 = arith.constant 0 : i32
    %dma_wait3A_27 = arith.constant 0 : i32
    %dma_wait3A_28 = tpu.memref_slice %arg2[%dma_wait3A_26, %dma_wait3A_27] : memref<10240x128xf32, #tpu.memory_space<hbm>> -> memref<80x128xf32, #tpu.memory_space<hbm>>
    tpu.wait_dma2 semaphore(%arg14 : memref<!tpu.dma_semaphore, #tpu.memory_space<semaphore_mem>>) src(%dma_wait3A_28 : memref<80x128xf32, #tpu.memory_space<hbm>>) dst(%arg10 : memref<80x128xf32, #tpu.memory_space<vmem>>)
    %dma_wait3A_29 = arith.constant 0 : i32
    %dma_wait3A_30 = arith.constant 0 : i32
    %dma_wait3A_31 = tpu.memref_slice %arg2[%dma_wait3A_29, %dma_wait3A_30] : memref<10240x128xf32, #tpu.memory_space<hbm>> -> memref<80x128xf32, #tpu.memory_space<hbm>>
    %dma_wait3A_32 = arith.constant 0 : i32
    %dma_wait3A_33 = arith.constant 0 : i32
    %dma_wait3A_34 = tpu.memref_slice %arg2[%dma_wait3A_32, %dma_wait3A_33] : memref<10240x128xf32, #tpu.memory_space<hbm>> -> memref<80x128xf32, #tpu.memory_space<hbm>>
    tpu.wait_dma2 semaphore(%arg13 : memref<!tpu.dma_semaphore, #tpu.memory_space<semaphore_mem>>) src(%dma_wait3A_34 : memref<80x128xf32, #tpu.memory_space<hbm>>) dst(%arg10 : memref<80x128xf32, #tpu.memory_space<vmem>>)
    %dma_start3A_35 = arith.constant 0 : i32
    %dma_start3A_36 = arith.constant 0 : i32
    %dma_start3A_37 = tpu.memref_slice %arg12[%dma_start3A_35, %dma_start3A_36] : memref<10240x128xf32, #tpu.memory_space<vmem_shared>> -> memref<10240x128xf32, #tpu.memory_space<vmem_shared>>
    tpu.enqueue_indirect_dma source(%arg10 : memref<80x128xf32, #tpu.memory_space<vmem>>) target(%dma_start3A_37 : memref<10240x128xf32, #tpu.memory_space<vmem_shared>>) offsets(%arg8 : memref<80xi32, #tpu.memory_space<vmem>>) semaphore(%arg14 : memref<!tpu.dma_semaphore, #tpu.memory_space<semaphore_mem>>) {add = true}
    %dma_wait3A_38 = arith.constant 0 : i32
    %dma_wait3A_39 = arith.constant 0 : i32
    %dma_wait3A_40 = tpu.memref_slice %arg2[%dma_wait3A_38, %dma_wait3A_39] : memref<10240x128xf32, #tpu.memory_space<hbm>> -> memref<80x128xf32, #tpu.memory_space<hbm>>
    %dma_wait3A_41 = arith.constant 0 : i32
    %dma_wait3A_42 = arith.constant 0 : i32
    %dma_wait3A_43 = tpu.memref_slice %arg2[%dma_wait3A_41, %dma_wait3A_42] : memref<10240x128xf32, #tpu.memory_space<hbm>> -> memref<80x128xf32, #tpu.memory_space<hbm>>
    tpu.wait_dma2 semaphore(%arg14 : memref<!tpu.dma_semaphore, #tpu.memory_space<semaphore_mem>>) src(%dma_wait3A_43 : memref<80x128xf32, #tpu.memory_space<hbm>>) dst(%arg10 : memref<80x128xf32, #tpu.memory_space<vmem>>)
    %barrier3A_44 = arith.constant 0 : index
    tpu.barrier barrier_id(%barrier3A_44)
    %scan3A_45 = arith.constant 0 : i32
    %scan3A_46 = arith.constant 0 : i32
    %scan3A_47 = arith.constant 8 : i32
    %scan3A_48 = arith.addi %scan3A_46, %scan3A_47 : i32
    %scan3A_49 = arith.constant 1 : i32
    %scan3A_50 = scf.for %scan3A_52 = %scan3A_46 to %scan3A_48 step %scan3A_49 iter_args(%scan3A_53 = %scan3A_45) -> (i32)  : i32 {
      %mul3A_54 = arith.constant 80 : i32
      %mul3A_55 = arith.muli %scan3A_52, %mul3A_54 : i32
      %add3A_56 = arith.addi %mul3A_2, %mul3A_55 : i32
      "tpu.region"() ({
        %run_scoped3A = tpu.sem_alloc : memref<!tpu.dma_semaphore, #tpu.memory_space<semaphore_mem>>
        %dma_start3A_59 = arith.constant 0 : i32
        %dma_start3A_60 = tpu.memref_slice %arg12[%add3A_56, %dma_start3A_59] : memref<10240x128xf32, #tpu.memory_space<vmem_shared>> -> memref<80x128xf32, #tpu.memory_space<vmem_shared>>
        %dma_start3A_61 = arith.constant 0 : i32
        %dma_start3A_62 = tpu.memref_slice %arg12[%add3A_56, %dma_start3A_61] : memref<10240x128xf32, #tpu.memory_space<vmem_shared>> -> memref<80x128xf32, #tpu.memory_space<vmem_shared>>
        tpu.enqueue_dma source(%dma_start3A_62 : memref<80x128xf32, #tpu.memory_space<vmem_shared>>) target(%arg10 : memref<80x128xf32, #tpu.memory_space<vmem>>) target_semaphore(%run_scoped3A : memref<!tpu.dma_semaphore, #tpu.memory_space<semaphore_mem>>)
        %dma_wait3A_63 = arith.constant 0 : i32
        %dma_wait3A_64 = tpu.memref_slice %arg12[%add3A_56, %dma_wait3A_63] : memref<10240x128xf32, #tpu.memory_space<vmem_shared>> -> memref<80x128xf32, #tpu.memory_space<vmem_shared>>
        %dma_wait3A_65 = arith.constant 0 : i32
        %dma_wait3A_66 = tpu.memref_slice %arg12[%add3A_56, %dma_wait3A_65] : memref<10240x128xf32, #tpu.memory_space<vmem_shared>> -> memref<80x128xf32, #tpu.memory_space<vmem_shared>>
        tpu.wait_dma2 semaphore(%run_scoped3A : memref<!tpu.dma_semaphore, #tpu.memory_space<semaphore_mem>>) src(%dma_wait3A_66 : memref<80x128xf32, #tpu.memory_space<vmem_shared>>) dst(%arg10 : memref<80x128xf32, #tpu.memory_space<vmem>>)
        tpu.yield
      }) : () -> ()
      %add3A_57 = arith.addi %mul3A_4, %add3A_56 : i32
      "tpu.region"() ({
        %run_scoped3A = tpu.sem_alloc : memref<!tpu.dma_semaphore, #tpu.memory_space<semaphore_mem>>
        %dma_start3A_59 = arith.constant 0 : i32
        %dma_start3A_60 = tpu.memref_slice %arg5[%add3A_57, %dma_start3A_59] : memref<20480x128xf32, #tpu.memory_space<hbm>> -> memref<80x128xf32, #tpu.memory_space<hbm>>
        %dma_start3A_61 = arith.constant 0 : i32
        %dma_start3A_62 = tpu.memref_slice %arg5[%add3A_57, %dma_start3A_61] : memref<20480x128xf32, #tpu.memory_space<hbm>> -> memref<80x128xf32, #tpu.memory_space<hbm>>
        tpu.enqueue_dma source(%arg10 : memref<80x128xf32, #tpu.memory_space<vmem>>) target(%dma_start3A_62 : memref<80x128xf32, #tpu.memory_space<hbm>>) target_semaphore(%run_scoped3A : memref<!tpu.dma_semaphore, #tpu.memory_space<semaphore_mem>>)
        %dma_wait3A_63 = arith.constant 0 : i32
        %dma_wait3A_64 = tpu.memref_slice %arg5[%add3A_57, %dma_wait3A_63] : memref<20480x128xf32, #tpu.memory_space<hbm>> -> memref<80x128xf32, #tpu.memory_space<hbm>>
        %dma_wait3A_65 = arith.constant 0 : i32
        %dma_wait3A_66 = tpu.memref_slice %arg5[%add3A_57, %dma_wait3A_65] : memref<20480x128xf32, #tpu.memory_space<hbm>> -> memref<80x128xf32, #tpu.memory_space<hbm>>
        tpu.wait_dma2 semaphore(%run_scoped3A : memref<!tpu.dma_semaphore, #tpu.memory_space<semaphore_mem>>) src(%arg10 : memref<80x128xf32, #tpu.memory_space<vmem>>) dst(%dma_wait3A_66 : memref<80x128xf32, #tpu.memory_space<hbm>>)
        tpu.yield
      }) : () -> ()
      %scan3A_58 = arith.constant 0 : i32
      scf.yield %scan3A_58 : i32
    }
    %scan3A_51 = arith.constant 8 : i32
    return
  }
}

module attributes {stable_mosaic.version = 14 : i64} {
  func.func @_scale1_body(%arg0: i32, %arg1: memref<1024x128xf32, #tpu.memory_space<vmem>>, %arg2: memref<1024x128xf32, #tpu.memory_space<vmem>>, %arg3: memref<1024x128xf32, #tpu.memory_space<vmem>>, %arg4: memref<128x128xf32, #tpu.memory_space<vmem>>, %arg5: memref<1024x128xf32, #tpu.memory_space<vmem>>) attributes {dimension_semantics = [#tpu.dimension_semantics<arbitrary>], iteration_bounds = array<i64: 10>, scalar_prefetch = 0 : i64, scratch_operands = 0 : i64, tpu.core_type = #tpu.core_type<tc>, window_params = [{transform_indices = @transform_0, window_bounds = array<i64: 1024, 128>}, {transform_indices = @transform_1, window_bounds = array<i64: 1024, 128>}, {transform_indices = @transform_2, window_bounds = array<i64: 1024, 128>}, {pipeline_mode = #tpu.pipeline_mode<synchronous>, transform_indices = @transform_3, window_bounds = array<i64: 128, 128>}, {transform_indices = @transform_4, window_bounds = array<i64: 1024, 128>}]} {
    %get3A = arith.constant 0 : index
    %get3A_0 = arith.constant 0 : index
    %get3A_1 = vector.load %arg1[%get3A, %get3A_0] : memref<1024x128xf32, #tpu.memory_space<vmem>>, vector<1024x128xf32>
    %get3A_2 = arith.constant 0 : index
    %get3A_3 = arith.constant 0 : index
    %get3A_4 = vector.load %arg2[%get3A_2, %get3A_3] : memref<1024x128xf32, #tpu.memory_space<vmem>>, vector<1024x128xf32>
    %add3A = arith.addf %get3A_1, %get3A_4 : vector<1024x128xf32>
    %sub3A = arith.constant 1.000000e+00 : f32
    %sub3A_5 = vector.broadcast %sub3A : f32 to vector<1024x128xf32>
    %sub3A_6 = arith.subf %add3A, %sub3A_5 : vector<1024x128xf32>
    %rsqrt3A = math.rsqrt %sub3A_6 : vector<1024x128xf32>
    %slice3A = vector.extract_strided_slice %rsqrt3A {offsets = [0, 0], sizes = [1024, 1], strides = [1, 1]} : vector<1024x128xf32> to vector<1024x1xf32>
    %get3A_7 = arith.constant 0 : index
    %get3A_8 = arith.constant 0 : index
    %get3A_9 = vector.load %arg3[%get3A_7, %get3A_8] : memref<1024x128xf32, #tpu.memory_space<vmem>>, vector<1024x128xf32>
    %get3A_10 = arith.constant 0 : index
    %get3A_11 = arith.constant 0 : index
    %get3A_12 = vector.load %arg4[%get3A_10, %get3A_11] : memref<128x128xf32, #tpu.memory_space<vmem>>, vector<128x128xf32>
    %dot_general3A = arith.constant dense<0.000000e+00> : vector<1024x128xf32>
    %dot_general3A_13 = tpu.matmul %get3A_9, %get3A_12, %dot_general3A {dimension_numbers = #tpu.dot_dimension_numbers<[1], [0], [0], [1], [0, 0, 1, 1], [], []>, transpose_lhs_hint = false} : vector<1024x128xf32>, vector<128x128xf32>, vector<1024x128xf32> -> vector<1024x128xf32>
    %mul3A = vector.broadcast %slice3A : vector<1024x1xf32> to vector<1024x128xf32>
    %mul3A_14 = arith.mulf %dot_general3A_13, %mul3A : vector<1024x128xf32>
    %swap3A = arith.constant 0 : index
    %swap3A_15 = arith.constant 0 : index
    %swap3A_16 = vector.load %arg5[%swap3A, %swap3A_15] : memref<1024x128xf32, #tpu.memory_space<vmem>>, vector<1024x128xf32>
    tpu.vector_store %arg5[%swap3A, %swap3A_15], %mul3A_14 {strides = array<i32>} : memref<1024x128xf32, #tpu.memory_space<vmem>>, vector<1024x128xf32>,
    return
  }
  func.func @transform_0(%arg0: i32) -> (i32, i32) {
    %c0_i32 = arith.constant 0 : i32
    %c0_i32_0 = arith.constant 0 : i32
    return %arg0, %c0_i32 : i32, i32
  }
  func.func @transform_1(%arg0: i32) -> (i32, i32) {
    %add3A = arith.constant 10 : i32
    %add3A_0 = arith.addi %arg0, %add3A : i32
    %c0_i32 = arith.constant 0 : i32
    %c0_i32_1 = arith.constant 0 : i32
    return %add3A_0, %c0_i32 : i32, i32
  }
  func.func @transform_2(%arg0: i32) -> (i32, i32) {
    %c0_i32 = arith.constant 0 : i32
    %c0_i32_0 = arith.constant 0 : i32
    return %arg0, %c0_i32 : i32, i32
  }
  func.func @transform_3(%arg0: i32) -> (i32, i32) {
    %c0_i32 = arith.constant 0 : i32
    %c0_i32_0 = arith.constant 0 : i32
    %c0_i32_1 = arith.constant 0 : i32
    return %c0_i32, %c0_i32_0 : i32, i32
  }
  func.func @transform_4(%arg0: i32) -> (i32, i32) {
    %c0_i32 = arith.constant 0 : i32
    %c0_i32_0 = arith.constant 0 : i32
    return %arg0, %c0_i32 : i32, i32
  }
}

module attributes {stable_mosaic.version = 14 : i64} {
  func.func @_mid_body(%arg0: i32, %arg1: memref<1024x128xf32, #tpu.memory_space<vmem>>, %arg2: memref<1024x128xf32, #tpu.memory_space<vmem>>, %arg3: memref<1024x128xf32, #tpu.memory_space<vmem>>, %arg4: memref<1024x128xf32, #tpu.memory_space<vmem>>, %arg5: memref<1024x128xf32, #tpu.memory_space<vmem>>, %arg6: memref<1x128xf32, #tpu.memory_space<vmem>>, %arg7: memref<128x128xf32, #tpu.memory_space<vmem>>, %arg8: memref<1024x128xf32, #tpu.memory_space<vmem>>) attributes {dimension_semantics = [#tpu.dimension_semantics<arbitrary>], iteration_bounds = array<i64: 10>, scalar_prefetch = 0 : i64, scratch_operands = 0 : i64, tpu.core_type = #tpu.core_type<tc>, window_params = [{transform_indices = @transform_0, window_bounds = array<i64: 1024, 128>}, {transform_indices = @transform_1, window_bounds = array<i64: 1024, 128>}, {transform_indices = @transform_2, window_bounds = array<i64: 1024, 128>}, {transform_indices = @transform_3, window_bounds = array<i64: 1024, 128>}, {transform_indices = @transform_4, window_bounds = array<i64: 1024, 128>}, {pipeline_mode = #tpu.pipeline_mode<synchronous>, transform_indices = @transform_5, window_bounds = array<i64: 1, 128>}, {pipeline_mode = #tpu.pipeline_mode<synchronous>, transform_indices = @transform_6, window_bounds = array<i64: 128, 128>}, {transform_indices = @transform_7, window_bounds = array<i64: 1024, 128>}]} {
    %get3A = arith.constant 0 : index
    %get3A_0 = arith.constant 0 : index
    %get3A_1 = vector.load %arg1[%get3A, %get3A_0] : memref<1024x128xf32, #tpu.memory_space<vmem>>, vector<1024x128xf32>
    %get3A_2 = arith.constant 0 : index
    %get3A_3 = arith.constant 0 : index
    %get3A_4 = vector.load %arg2[%get3A_2, %get3A_3] : memref<1024x128xf32, #tpu.memory_space<vmem>>, vector<1024x128xf32>
    %add3A = arith.addf %get3A_1, %get3A_4 : vector<1024x128xf32>
    %sub3A = arith.constant 1.000000e+00 : f32
    %sub3A_5 = vector.broadcast %sub3A : f32 to vector<1024x128xf32>
    %sub3A_6 = arith.subf %add3A, %sub3A_5 : vector<1024x128xf32>
    %rsqrt3A = math.rsqrt %sub3A_6 : vector<1024x128xf32>
    %slice3A = vector.extract_strided_slice %rsqrt3A {offsets = [0, 0], sizes = [1024, 1], strides = [1, 1]} : vector<1024x128xf32> to vector<1024x1xf32>
    %get3A_7 = arith.constant 0 : index
    %get3A_8 = arith.constant 0 : index
    %get3A_9 = vector.load %arg3[%get3A_7, %get3A_8] : memref<1024x128xf32, #tpu.memory_space<vmem>>, vector<1024x128xf32>
    %get3A_10 = arith.constant 0 : index
    %get3A_11 = arith.constant 0 : index
    %get3A_12 = vector.load %arg4[%get3A_10, %get3A_11] : memref<1024x128xf32, #tpu.memory_space<vmem>>, vector<1024x128xf32>
    %add3A_13 = arith.addf %get3A_9, %get3A_12 : vector<1024x128xf32>
    %get3A_14 = arith.constant 0 : index
    %get3A_15 = arith.constant 0 : index
    %get3A_16 = vector.load %arg5[%get3A_14, %get3A_15] : memref<1024x128xf32, #tpu.memory_space<vmem>>, vector<1024x128xf32>
    %sub3A_17 = arith.subf %add3A_13, %get3A_16 : vector<1024x128xf32>
    %mul3A = vector.broadcast %slice3A : vector<1024x1xf32> to vector<1024x128xf32>
    %mul3A_18 = arith.mulf %sub3A_17, %mul3A : vector<1024x128xf32>
    %get3A_19 = arith.constant 0 : index
    %get3A_20 = arith.constant 0 : index
    %get3A_21 = vector.load %arg6[%get3A_19, %get3A_20] : memref<1x128xf32, #tpu.memory_space<vmem>>, vector<1x128xf32>
    %add3A_22 = vector.broadcast %get3A_21 : vector<1x128xf32> to vector<1024x128xf32>
    %add3A_23 = arith.addf %mul3A_18, %add3A_22 : vector<1024x128xf32>
    %max3A = arith.constant 0.000000e+00 : f32
    %max3A_24 = vector.broadcast %max3A : f32 to vector<1024x128xf32>
    %max3A_25 = arith.maximumf %add3A_23, %max3A_24 : vector<1024x128xf32>
    %get3A_26 = arith.constant 0 : index
    %get3A_27 = arith.constant 0 : index
    %get3A_28 = vector.load %arg7[%get3A_26, %get3A_27] : memref<128x128xf32, #tpu.memory_space<vmem>>, vector<128x128xf32>
    %dot_general3A = arith.constant dense<0.000000e+00> : vector<1024x128xf32>
    %dot_general3A_29 = tpu.matmul %max3A_25, %get3A_28, %dot_general3A {dimension_numbers = #tpu.dot_dimension_numbers<[1], [0], [0], [1], [0, 0, 1, 1], [], []>, transpose_lhs_hint = false} : vector<1024x128xf32>, vector<128x128xf32>, vector<1024x128xf32> -> vector<1024x128xf32>
    %mul3A_30 = vector.broadcast %slice3A : vector<1024x1xf32> to vector<1024x128xf32>
    %mul3A_31 = arith.mulf %dot_general3A_29, %mul3A_30 : vector<1024x128xf32>
    %swap3A = arith.constant 0 : index
    %swap3A_32 = arith.constant 0 : index
    %swap3A_33 = vector.load %arg8[%swap3A, %swap3A_32] : memref<1024x128xf32, #tpu.memory_space<vmem>>, vector<1024x128xf32>
    tpu.vector_store %arg8[%swap3A, %swap3A_32], %mul3A_31 {strides = array<i32>} : memref<1024x128xf32, #tpu.memory_space<vmem>>, vector<1024x128xf32>,
    return
  }
  func.func @transform_0(%arg0: i32) -> (i32, i32) {
    %c0_i32 = arith.constant 0 : i32
    %c0_i32_0 = arith.constant 0 : i32
    return %arg0, %c0_i32 : i32, i32
  }
  func.func @transform_1(%arg0: i32) -> (i32, i32) {
    %add3A = arith.constant 10 : i32
    %add3A_0 = arith.addi %arg0, %add3A : i32
    %c0_i32 = arith.constant 0 : i32
    %c0_i32_1 = arith.constant 0 : i32
    return %add3A_0, %c0_i32 : i32, i32
  }
  func.func @transform_2(%arg0: i32) -> (i32, i32) {
    %c0_i32 = arith.constant 0 : i32
    %c0_i32_0 = arith.constant 0 : i32
    return %arg0, %c0_i32 : i32, i32
  }
  func.func @transform_3(%arg0: i32) -> (i32, i32) {
    %add3A = arith.constant 10 : i32
    %add3A_0 = arith.addi %arg0, %add3A : i32
    %c0_i32 = arith.constant 0 : i32
    %c0_i32_1 = arith.constant 0 : i32
    return %add3A_0, %c0_i32 : i32, i32
  }
  func.func @transform_4(%arg0: i32) -> (i32, i32) {
    %c0_i32 = arith.constant 0 : i32
    %c0_i32_0 = arith.constant 0 : i32
    return %arg0, %c0_i32 : i32, i32
  }
  func.func @transform_5(%arg0: i32) -> (i32, i32) {
    %c0_i32 = arith.constant 0 : i32
    %c0_i32_0 = arith.constant 0 : i32
    %c0_i32_1 = arith.constant 0 : i32
    return %c0_i32, %c0_i32_0 : i32, i32
  }
  func.func @transform_6(%arg0: i32) -> (i32, i32) {
    %c0_i32 = arith.constant 0 : i32
    %c0_i32_0 = arith.constant 0 : i32
    %c0_i32_1 = arith.constant 0 : i32
    return %c0_i32, %c0_i32_0 : i32, i32
  }
  func.func @transform_7(%arg0: i32) -> (i32, i32) {
    %c0_i32 = arith.constant 0 : i32
    %c0_i32_0 = arith.constant 0 : i32
    return %arg0, %c0_i32 : i32, i32
  }
}

module attributes {stable_mosaic.version = 14 : i64} {
  func.func @_head_body(%arg0: i32, %arg1: memref<1024x128xf32, #tpu.memory_space<vmem>>, %arg2: memref<1024x128xf32, #tpu.memory_space<vmem>>, %arg3: memref<1024x128xf32, #tpu.memory_space<vmem>>, %arg4: memref<1024x128xf32, #tpu.memory_space<vmem>>, %arg5: memref<1024x128xf32, #tpu.memory_space<vmem>>, %arg6: memref<1x128xf32, #tpu.memory_space<vmem>>, %arg7: memref<128x1xf32, #tpu.memory_space<vmem>>, %arg8: memref<1x1xf32, #tpu.memory_space<vmem>>, %arg9: memref<1024x1xf32, #tpu.memory_space<vmem>>) attributes {dimension_semantics = [#tpu.dimension_semantics<arbitrary>], iteration_bounds = array<i64: 10>, scalar_prefetch = 0 : i64, scratch_operands = 0 : i64, tpu.core_type = #tpu.core_type<tc>, window_params = [{transform_indices = @transform_0, window_bounds = array<i64: 1024, 128>}, {transform_indices = @transform_1, window_bounds = array<i64: 1024, 128>}, {transform_indices = @transform_2, window_bounds = array<i64: 1024, 128>}, {transform_indices = @transform_3, window_bounds = array<i64: 1024, 128>}, {transform_indices = @transform_4, window_bounds = array<i64: 1024, 128>}, {pipeline_mode = #tpu.pipeline_mode<synchronous>, transform_indices = @transform_5, window_bounds = array<i64: 1, 128>}, {pipeline_mode = #tpu.pipeline_mode<synchronous>, transform_indices = @transform_6, window_bounds = array<i64: 128, 1>}, {pipeline_mode = #tpu.pipeline_mode<synchronous>, transform_indices = @transform_7, window_bounds = array<i64: 1, 1>}, {transform_indices = @transform_8, window_bounds = array<i64: 1024, 1>}]} {
    %get3A = arith.constant 0 : index
    %get3A_0 = arith.constant 0 : index
    %get3A_1 = vector.load %arg1[%get3A, %get3A_0] : memref<1024x128xf32, #tpu.memory_space<vmem>>, vector<1024x128xf32>
    %get3A_2 = arith.constant 0 : index
    %get3A_3 = arith.constant 0 : index
    %get3A_4 = vector.load %arg2[%get3A_2, %get3A_3] : memref<1024x128xf32, #tpu.memory_space<vmem>>, vector<1024x128xf32>
    %add3A = arith.addf %get3A_1, %get3A_4 : vector<1024x128xf32>
    %sub3A = arith.constant 1.000000e+00 : f32
    %sub3A_5 = vector.broadcast %sub3A : f32 to vector<1024x128xf32>
    %sub3A_6 = arith.subf %add3A, %sub3A_5 : vector<1024x128xf32>
    %rsqrt3A = math.rsqrt %sub3A_6 : vector<1024x128xf32>
    %slice3A = vector.extract_strided_slice %rsqrt3A {offsets = [0, 0], sizes = [1024, 1], strides = [1, 1]} : vector<1024x128xf32> to vector<1024x1xf32>
    %get3A_7 = arith.constant 0 : index
    %get3A_8 = arith.constant 0 : index
    %get3A_9 = vector.load %arg3[%get3A_7, %get3A_8] : memref<1024x128xf32, #tpu.memory_space<vmem>>, vector<1024x128xf32>
    %get3A_10 = arith.constant 0 : index
    %get3A_11 = arith.constant 0 : index
    %get3A_12 = vector.load %arg4[%get3A_10, %get3A_11] : memref<1024x128xf32, #tpu.memory_space<vmem>>, vector<1024x128xf32>
    %add3A_13 = arith.addf %get3A_9, %get3A_12 : vector<1024x128xf32>
    %get3A_14 = arith.constant 0 : index
    %get3A_15 = arith.constant 0 : index
    %get3A_16 = vector.load %arg5[%get3A_14, %get3A_15] : memref<1024x128xf32, #tpu.memory_space<vmem>>, vector<1024x128xf32>
    %sub3A_17 = arith.subf %add3A_13, %get3A_16 : vector<1024x128xf32>
    %mul3A = vector.broadcast %slice3A : vector<1024x1xf32> to vector<1024x128xf32>
    %mul3A_18 = arith.mulf %sub3A_17, %mul3A : vector<1024x128xf32>
    %get3A_19 = arith.constant 0 : index
    %get3A_20 = arith.constant 0 : index
    %get3A_21 = vector.load %arg6[%get3A_19, %get3A_20] : memref<1x128xf32, #tpu.memory_space<vmem>>, vector<1x128xf32>
    %add3A_22 = vector.broadcast %get3A_21 : vector<1x128xf32> to vector<1024x128xf32>
    %add3A_23 = arith.addf %mul3A_18, %add3A_22 : vector<1024x128xf32>
    %max3A = arith.constant 0.000000e+00 : f32
    %max3A_24 = vector.broadcast %max3A : f32 to vector<1024x128xf32>
    %max3A_25 = arith.maximumf %add3A_23, %max3A_24 : vector<1024x128xf32>
    %get3A_26 = arith.constant 0 : index
    %get3A_27 = arith.constant 0 : index
    %get3A_28 = vector.load %arg7[%get3A_26, %get3A_27] : memref<128x1xf32, #tpu.memory_space<vmem>>, vector<128x1xf32>
    %dot_general3A = arith.constant dense<0.000000e+00> : vector<1024x1xf32>
    %dot_general3A_29 = tpu.matmul %max3A_25, %get3A_28, %dot_general3A {dimension_numbers = #tpu.dot_dimension_numbers<[1], [0], [0], [1], [0, 0, 1, 1], [], []>, transpose_lhs_hint = false} : vector<1024x128xf32>, vector<128x1xf32>, vector<1024x1xf32> -> vector<1024x1xf32>
    %get3A_30 = arith.constant 0 : index
    %get3A_31 = arith.constant 0 : index
    %get3A_32 = vector.load %arg8[%get3A_30, %get3A_31] : memref<1x1xf32, #tpu.memory_space<vmem>>, vector<1x1xf32>
    %add3A_33 = vector.broadcast %get3A_32 : vector<1x1xf32> to vector<1024x1xf32>
    %add3A_34 = arith.addf %dot_general3A_29, %add3A_33 : vector<1024x1xf32>
    %swap3A = arith.constant 0 : index
    %swap3A_35 = arith.constant 0 : index
    %swap3A_36 = vector.load %arg9[%swap3A, %swap3A_35] : memref<1024x1xf32, #tpu.memory_space<vmem>>, vector<1024x1xf32>
    tpu.vector_store %arg9[%swap3A, %swap3A_35], %add3A_34 {strides = array<i32>} : memref<1024x1xf32, #tpu.memory_space<vmem>>, vector<1024x1xf32>,
    return
  }
  func.func @transform_0(%arg0: i32) -> (i32, i32) {
    %c0_i32 = arith.constant 0 : i32
    %c0_i32_0 = arith.constant 0 : i32
    return %arg0, %c0_i32 : i32, i32
  }
  func.func @transform_1(%arg0: i32) -> (i32, i32) {
    %add3A = arith.constant 10 : i32
    %add3A_0 = arith.addi %arg0, %add3A : i32
    %c0_i32 = arith.constant 0 : i32
    %c0_i32_1 = arith.constant 0 : i32
    return %add3A_0, %c0_i32 : i32, i32
  }
  func.func @transform_2(%arg0: i32) -> (i32, i32) {
    %c0_i32 = arith.constant 0 : i32
    %c0_i32_0 = arith.constant 0 : i32
    return %arg0, %c0_i32 : i32, i32
  }
  func.func @transform_3(%arg0: i32) -> (i32, i32) {
    %add3A = arith.constant 10 : i32
    %add3A_0 = arith.addi %arg0, %add3A : i32
    %c0_i32 = arith.constant 0 : i32
    %c0_i32_1 = arith.constant 0 : i32
    return %add3A_0, %c0_i32 : i32, i32
  }
  func.func @transform_4(%arg0: i32) -> (i32, i32) {
    %c0_i32 = arith.constant 0 : i32
    %c0_i32_0 = arith.constant 0 : i32
    return %arg0, %c0_i32 : i32, i32
  }
  func.func @transform_5(%arg0: i32) -> (i32, i32) {
    %c0_i32 = arith.constant 0 : i32
    %c0_i32_0 = arith.constant 0 : i32
    %c0_i32_1 = arith.constant 0 : i32
    return %c0_i32, %c0_i32_0 : i32, i32
  }
  func.func @transform_6(%arg0: i32) -> (i32, i32) {
    %c0_i32 = arith.constant 0 : i32
    %c0_i32_0 = arith.constant 0 : i32
    %c0_i32_1 = arith.constant 0 : i32
    return %c0_i32, %c0_i32_0 : i32, i32
  }
  func.func @transform_7(%arg0: i32) -> (i32, i32) {
    %c0_i32 = arith.constant 0 : i32
    %c0_i32_0 = arith.constant 0 : i32
    %c0_i32_1 = arith.constant 0 : i32
    return %c0_i32, %c0_i32_0 : i32, i32
  }
  func.func @transform_8(%arg0: i32) -> (i32, i32) {
    %c0_i32 = arith.constant 0 : i32
    %c0_i32_0 = arith.constant 0 : i32
    return %arg0, %c0_i32 : i32, i32
  }
}

</mosaic_0001>

<sc_bundles>
// kernel: kernel.11.cloned.1.call-start
scs
__scs_entry_jumppad:
0x0: {  	(pc) =	sbr.rel $0x88, $3  }
0x1: {  	(tag) =	ssettag $0x0;
	lr =	simm.s32 $0x1  }
0x2: {  	[smem:$0x3F99] =	sst lr;
	_ =	strace $0xD0000000  }
0x3: {  	_ = 	snop  }
0x4: {  	_ = 	snop  }
0x5: {  	_ = 	snop  }
0x6: {  	_ = 	snop  }
0x7: {  	_ = 	snop  }
__scs_overlays_trampoline_lowered:
0x8: {  	[smem:$0x3FA8] =	sst s0  }
0x9: {  	[smem:$0x3FA9] =	sst s1  }
0xa: {  	[smem:$0x3FAA] =	sst s2  }
0xb: {  	[smem:$0x3FAB] =	sst s3  }
0xc: {  	[smem:$0x3FAC] =	sst s4  }
0xd: {  	[smem:$0x3FAD] =	sst s5  }
0xe: {  	[smem:$0x3FAE] =	sst s6  }
0xf: {  	[smem:$0x3FAF] =	sst s7  }
0x10: {  	[smem:$0x3FB0] =	sst s8  }
0x11: {  	[smem:$0x3FB1] =	sst s9;
	s0 =	simm.s32 @!p0 $0x0  }
0x12: {  	s1 =	sld [smem:$0x3F97];
	s0 =	simm.s32 @p0 $0x1  }
0x13: {  	[smem:$0x3FB2] =	sst s0;
	s0 =	simm.s32 @!p1 $0x0  }
0x14: {  	s2 =	sld [smem:$0x3F96];
	s0 =	simm.s32 @p1 $0x1  }
0x15: {  	[smem:$0x3FB3] =	sst s0;
	s0 =	simm.s32 @!p2 $0x0  }
0x16: {  	s3 =	sld [smem:$0x3FDB];
	s0 =	simm.s32 @p2 $0x1  }
0x17: {  	s4 =	simm.s32 $0x1BF5;
	[smem:$0x3FB5] =	sst s0  }
0x18: {  	s0 =	sld [smem:$0x3F98];
	_ =	swait.ge [sflag:s4], $0x0  }
0x19: {  	s7 =	sld [smem:$0x3F99]  }
0x1a: {  	s8 =	sadd.s32 $0xFFFFE003, lr  }
0x1b: {  	s9 =	sadd.s32 $0xFFFFFEF7, lr;
	s5 =	simm.s32 $0xFFFFFFFF;
	p2 =	slt.u32 s8, $0xFFFFF086  }
0x1c: {  	p1 =	slt.u32 s9, $0xF7A;
	s5 =	simm.s32 @!p2 $0x0  }
0x1d: {  	s5 =	simm.s32 @p1 $0x1;
	p0 =	seq.s32 s7, s2  }
0x1e: {  	s7 =	smul.u32 @!p0 $0xF7A, s2;
	p2 =	seq.s32 @!p0 s5, $0x0  }
0x1f: {  	s9 =	smul.u32 $0xF7A, s1;
	s8 =	simm.s32 @!p0 $0x1BF5;
	p2 =	por !p2, p0  }
0x20: {  	[sflag:s8] =	ssyncset.s32 @!p0 $0xFFFFF086;
	s6 =	sadd.s32 @!p0 s3, s7;
	s7 =	simm.s32 @!p0 $0x108  }
0x21: {  	s3 =	sadd.s32 s3, s9;
	s6 =	sadd.s32 @!p0 $0x88, s6;
	s7 =	simm.s32 @p2 $0x1082  }
0x22: {  	[simem:s7], [sflag:s8] =	dma.local @!p0 [hbm:s6], $0xF7A  }
0x23: {  	s9 =	sor.u32 $0xD0000000, s2;
	s6 =	simm.s32 $0x108;
	_ =	swait.ge @!p0 [sflag:s8], $0x0  }
0x24: {  	s3 =	sadd.s32 $0x88, s3;
	s6 =	simm.s32 @!p1 $0x1082;
	[sflag:s4] =	ssyncset.s32 $0xFFFFF086  }
0x25: {  	[simem:s6], [sflag:s4] =	dma.local [hbm:s3], $0xF7A  }
0x26: {  	[smem:$0x3F99] =	sst s1;
	(tag) =	ssettag s2;
	_ =	strace s9  }
0x27: {  	s1 =	sld [smem:$0x3FA9]  }
0x28: {  	s2 =	sld [smem:$0x3FAA]  }
0x29: {  	s4 =	sld [smem:$0x3FAC]  }
0x2a: {  	p0 =	seq.s32 s5, $0x0;
	s5 =	sld [smem:$0x3FAD]  }
0x2b: {  	s6 =	sld [smem:$0x3FAE]  }
0x2c: {  	s7 =	sld [smem:$0x3FAF]  }
0x2d: {  	s3 =	simm.s32 $0x108;
	s8 =	sld [smem:$0x3FB0]  }
0x2e: {  	s3 =	simm.s32 @!p0 $0x1082;
	s9 =	sld [smem:$0x3FB1]  }
0x2f: {  	lr =	sadd.s32 s0, s3;
	s0 =	sld [smem:$0x3FA8]  }
0x30: {  	s3 =	sld [smem:$0x3FAB]  }
0x31: {  	[smem:$0x3FB4] =	sst s10  }
0x32: {  	s10 =	sld [smem:$0x3FB2];
	_ =	sdelay $0x3  }
0x33: {  	p0 =	seq.s32 s10, $0x1;
	s10 =	sld [smem:$0x3FB4];
	_ =	sdelay $0x3  }
0x34: {  	[smem:$0x3FB4] =	sst s10  }
0x35: {  	s10 =	sld [smem:$0x3FB3];
	_ =	sdelay $0x3  }
0x36: {  	p1 =	seq.s32 s10, $0x1;
	s10 =	sld [smem:$0x3FB4];
	_ =	sdelay $0x3  }
0x37: {  	[smem:$0x3FB4] =	sst s10  }
0x38: {  	s10 =	sld [smem:$0x3FB5]  }
0x39: {  	_ = 	snop;
	(pc) =	sbr.ind lr, $3  }
0x3a: {  	_ = 	snop  }
0x3b: {  	_ = 	snop  }
0x3c: {  	p2 =	seq.s32 s10, $0x1;
	s10 =	sld [smem:$0x3FB4]  }
0x3d: {  	_ =	shalt  }
0x3e: {  	_ =	shalt  }
0x3f: {  	_ =	shalt  }
0x40: {  	_ =	shalt  }
0x41: {  	_ =	shalt  }
0x42: {  	_ =	shalt  }
0x43: {  	_ =	shalt  }
0x44: {  	_ =	shalt  }
0x45: {  	_ =	shalt  }
0x46: {  	_ =	shalt  }
0x47: {  	_ =	shalt  }
0x48: {  	_ =	shalt  }
0x49: {  	_ =	shalt  }
0x4a: {  	_ =	shalt  }
0x4b: {  	_ =	shalt  }
0x4c: {  	_ =	shalt  }
0x4d: {  	_ =	shalt  }
0x4e: {  	_ =	shalt  }
0x4f: {  	_ =	shalt  }
0x50: {  	_ =	shalt  }
0x51: {  	_ =	shalt  }
0x52: {  	_ =	shalt  }
0x53: {  	_ =	shalt  }
0x54: {  	_ =	shalt  }
0x55: {  	_ =	shalt  }
0x56: {  	_ =	shalt  }
0x57: {  	_ =	shalt  }
0x58: {  	_ =	shalt  }
0x59: {  	_ =	shalt  }
0x5a: {  	_ =	shalt  }
0x5b: {  	_ =	shalt  }
0x5c: {  	_ =	shalt  }
0x5d: {  	_ =	shalt  }
0x5e: {  	_ =	shalt  }
0x5f: {  	_ =	shalt  }
0x60: {  	_ =	shalt  }
0x61: {  	_ =	shalt  }
0x62: {  	_ =	shalt  }
0x63: {  	_ =	shalt  }
0x64: {  	_ =	shalt  }
0x65: {  	_ =	shalt  }
0x66: {  	_ =	shalt  }
0x67: {  	_ =	shalt  }
0x68: {  	_ =	shalt  }
0x69: {  	_ =	shalt  }
0x6a: {  	_ =	shalt  }
0x6b: {  	_ =	shalt  }
0x6c: {  	_ =	shalt  }
0x6d: {  	_ =	shalt  }
0x6e: {  	_ =	shalt  }
0x6f: {  	_ =	shalt  }
0x70: {  	_ =	shalt  }
0x71: {  	_ =	shalt  }
0x72: {  	_ =	shalt  }
0x73: {  	_ =	shalt  }
0x74: {  	_ =	shalt  }
0x75: {  	_ =	shalt  }
0x76: {  	_ =	shalt  }
0x77: {  	_ =	shalt  }
0x78: {  	_ =	shalt  }
0x79: {  	_ =	shalt  }
0x7a: {  	_ =	shalt  }
0x7b: {  	_ =	shalt  }
0x7c: {  	_ =	shalt  }
0x7d: {  	_ =	shalt  }
0x7e: {  	_ =	shalt  }
0x7f: {  	_ =	shalt  }
0x80: {  	_ =	shalt  }
0x81: {  	_ =	shalt  }
0x82: {  	_ =	shalt  }
0x83: {  	_ =	shalt  }
0x84: {  	_ =	shalt  }
0x85: {  	_ =	shalt  }
0x86: {  	_ =	shalt  }
0x87: {  	_ =	shalt  }
.Lfunc_end0:
.L_simem_size_0:
called_computation.1_lowered:
.L_overlay_start_0:
0x88: {  	s2 =	sld [smem:$0x3FD9]  }
0x89: {  	s3 =	sld [smem:$0x3FFE];
	_ =	sdelay $0x1  }
0x8a: {  	s1 =	srdreg.scid  }
0x8b: {  	s0 =	sand.u32 $0x1, s1  }
0x8c: {  	s16 =	sshll.u32 s0, $0xA;
	s2 =	sadd.s32 s3, s2  }
0x8d: {  	s2 =	sadd.s32 s2, s16  }
0x8e: {  	[smem:$0x3FC0] =	sst s2  }
0x8f: {  	_ = 	snop  }
0x90: {  	(tm) =	ssettm $0x1  }
0x91: {  	s17 =	sld [smem:$0x3FFB];
	_ =	sdelay $0x3  }
0x92: {  	_ =	strace s17  }
0x93: {  	s2 =	sld [smem:$0x3FFC];
	_ =	sdelay $0x3  }
0x94: {  	_ =	strace s2  }
0x95: {  	s2 =	sld [smem:$0x3FFD];
	_ =	sdelay $0x3  }
0x96: {  	_ =	strace s2  }
0x97: {  	_ =	strace $0x8FFFFFFF  }
0x98: {  	s18 =	sld [smem:$0x3FDB];
	_ =	sdelay $0x1  }
0x99: {  	s19 =	simm.s32 $_scs_section_size  }
0x9a: {  	s4 =	simm.s32 $_size__tile_overlayer_lowered;
	s5 =	simm.s32 $_tile_overlayer_lowered  }
0x9b: {  	s22 =	simm.s32 $0x1BFF;
	s21 =	sshll.u32 s5, $0x1;
	s2 =	sadd.s32 s19, s18  }
0x9c: {  	s6 =	simm.s32 $0x0;
	s20 =	sshll.u32 s4, $0x1;
	s4 =	sadd.s32 s21, s2  }
0x9d: {  	[timem:s6], [sflag:s22] =	dma.local [hbm:s4], s20  }
0x9e: {  	_ =	swait.ge [sflag:s22], s20  }
0x9f: {  	s3 =	ssub.s32 $0x0, s20;
	[sflag:s22] =	ssyncset.done $0x0  }
0xa0: {  	[sflag:s22] =	ssyncadd.s32 s3;
	_ =	sdelay $0x1  }
0xa1: {  	s23 =	simm.s32 $0x1B8B  }
0xa2: {  	_ =	swait.ge [sflag:s23], $0x1  }
0xa3: {  	[sflag:s23] =	ssyncset.done $0x0  }
0xa4: {  	s25 =	simm.s32 $0x1B8E;
	s24 =	sld [smem:$0x3FFE];
	[sflag:s23] =	ssyncadd.s32 $0xFFFFFFFF  }
0xa5: {  	s26 =	simm.s32 $execute0_lowered;
	[smem:$0x3FD2] =	sst s25  }
0xa6: {  	s4 =	sshll.u32 s26, $0x1;
	_ =	strace $0x80000049;
	[dreg:$0x1] =	wrdreg $0xFFFFFFFF  }
0xa7: {  	s28 =	simm.s32 $_size_execute0_lowered;
	s2 =	sadd.s32 s2, s4;
	[dreg:$0x0] =	wrdreg $0x0  }
0xa8: {  	s4 =	sshll.u32 s28, $0x1;
	[dreg:$0x2] =	wrdreg s2  }
0xa9: {  	[dreg:$0x3] =	wrdreg s4  }
0xaa: {  	[dreg:$0x4] =	wrdreg $0xC0  }
0xab: {  	_ =	task [dreg:s6], $0x5FFFF  }
0xac: {  	[dreg:$0x1] =	wrdreg $0xFFFFFFFF  }
0xad: {  	[dreg:$0x0] =	wrdreg $0x60  }
0xae: {  	[dreg:$0x2] =	wrdreg s24  }
0xaf: {  	[dreg:$0x3] =	wrdreg $0x52000  }
0xb0: {  	[dreg:$0x4] =	wrdreg $0x9  }
0xb1: {  	_ =	task.clear_ibuf [dreg:s6], $0x5FFFF;
	_ =	strace $0x90000049  }
0xb2: {  	s29 =	simm.s32 $0x9;
	_ =	strace $0x8000004B  }
0xb3: {  	_ =	swait.ge [sflag:s29], $0x1  }
0xb4: {  	[sflag:s29] =	ssyncadd.s32 $0xFFFFFFFF  }
0xb5: {  	_ =	strace $0x9000004B  }
0xb6: {  	_ =	sfence  }
0xb7: {  	s30 =	sld [smem:$0x0];
	_ =	sdelay $0x2  }
0xb8: {  	s31 =	sshll.u32 s1, $0xD;
	s1 =	sshrl.u32 s1, $0x2  }
0xb9: {  	s3 =	sand.u32 $0x4000, s31;
	s1 =	sadd.s32 s1, s30  }
0xba: {  	s0 =	sor.u32 s3, s0;
	s1 =	sshll.u32 s1, $0x11  }
0xbb: {  	s0 =	sor.u32 s1, s0  }
0xbc: {  	s0 =	sadd.s32 $0x8F2B, s0  }
0xbd: {  	[sflag:s0] =	ssyncadd.remote.s32 $0x1  }
0xbe: {  	_ =	sfence.sel $0xFFFF  }
0xbf: {  	[dreg:$0x0] =	wrdreg $0xFFFFFFFF;
	(pc) =	sbr.abs _section_cstart, $3  }
0xc0: {  	[dreg:$0x1] =	wrdreg $0xFFFFFFFF  }
0xc1: {  	_ =	task.clear_ibuf [dreg:s6], $0x2FFFF;
	_ =	strace $0x9FFFFFFF  }
0xc2: {  	(tm) =	ssettm $0x7FFFFFFF  }
0xc3: {  	_ =	shalt  }
tec
execute0_lowered:
.L_overlay_start_1:
0x0: {  	(tag) =	ssettag $0x1  }
0x1: {  	s3 =	rddreg [dreg:$0x0]  }
0x2: {  	s1 =	rddreg [dreg:$0x1];
	s2 =	simm.s32 $0x0;
	s0 =	srdreg.scid  }
0x3: {  	s18 =	stileid.u32;
	s28 =	simm.s32 $0x180;
	s30 =	simm.s32 $0x2  }
0x4: {  	[smem:$0x7FF] =	sst s2;
	s5 =	sand.u32 $0x1, s0;
	s7 =	smul.u32 $0x280, s18  }
0x5: {  	s4 =	sadd.s32 $0x15600, s3;
	s8 =	sadd.s32 $0x3D600, s3;
	s31 =	smul.u32 $0x4E20, s18  }
0x6: {  	s12 =	sshll.u32 s18, $0x1;
	_ =	strace $0x8000004A;
	s10 =	smul.u32 $0x2800, s5  }
0x7: {  	s0 =	ssub.s32 $0x2, s5;
	s9 =	sor.u32 s5, s12;
	s5 =	smul.u32 $0x2710, s5  }
0x8: {  	s6 =	sshrl.u32 s0, $0x1;
	s11 =	sor.u32 $0x50, s7;
	s12 =	sadd.s32 $0xA0, s7  }
0x9: {  	s15 =	sadd.s32 $0xF0, s7;
	s16 =	sadd.s32 $0x140, s7;
	s17 =	sadd.s32 $0x190, s7  }
0xa: {  	s19 =	sadd.s32 $0x1E0, s7;
	s9 =	smul.u32 $0x2710, s9;
	s6 =	ssub.s32 s0, s6  }
0xb: {  	s0 =	sadd.s32 $0x230, s7;
	s7 =	sadd.s32 s10, s7;
	s13 =	sadd.s32 s10, s11  }
0xc: {  	s14 =	sadd.s32 s10, s12;
	s21 =	sadd.s32 s10, s15;
	s22 =	sadd.s32 s10, s16  }
0xd: {  	s23 =	sadd.s32 s10, s17;
	s26 =	sadd.s32 s10, s19;
	s5 =	sadd.s32 s5, s31  }
0xe: {  	s31 =	sshll.u32 s12, $0x4;
	s7 =	sshll.u32 s7, $0x4;
	s13 =	sshll.u32 s13, $0x4  }
0xf: {  	s14 =	sshll.u32 s14, $0x4;
	s10 =	sadd.s32 s10, s0;
	s9 =	sshrl.u32 s9, $0x3  }
0x10: {  	s7 =	sadd.s32 s8, s7;
	s13 =	sadd.s32 s8, s13;
	s20 =	sadd.s32 s8, s14  }
0x11: {  	s14 =	sshll.u32 s23, $0x4;
	s10 =	sshll.u32 s10, $0x4;
	[dreg:$0x3] =	wrdreg s7  }
0x12: {  	s23 =	smax.u32 s6, $0x1;
	s6 =	sshll.u32 s12, $0x7;
	[dreg:$0x4] =	wrdreg s13  }
0x13: {  	[dreg:$0x5] =	wrdreg s20;
	s7 =	sshll.u32 s21, $0x4;
	s13 =	sshll.u32 s22, $0x4  }
0x14: {  	s25 =	sadd.s32 s8, s14;
	s14 =	sadd.s32 s8, s10;
	s20 =	smul.u32 $0x50000, s18  }
0x15: {  	s22 =	smul.u32 $0x2800, s18;
	[dreg:$0xb] =	wrdreg s23;
	s12 =	sadd.s32 s6, s1  }
0x16: {  	s18 =	sshll.u32 s16, $0x4;
	s23 =	sshll.u32 s19, $0x4;
	[dreg:$0x8] =	wrdreg s25  }
0x17: {  	s7 =	sadd.s32 s8, s7;
	s24 =	sadd.s32 s8, s13;
	[dreg:$0xa] =	wrdreg s14  }
0x18: {  	s13 =	sadd.s32 $0xB800, s3;
	s25 =	sshll.u32 s11, $0x4;
	[dreg:$0x6] =	wrdreg s7  }
0x19: {  	[dreg:$0x7] =	wrdreg s24;
	s7 =	sshll.u32 s26, $0x4;
	s21 =	sshrl.u32 s20, $0x2  }
0x1a: {  	s24 =	sadd.s32 s4, s22;
	s26 =	sshll.u32 s11, $0x7;
	s20 =	sshll.u32 s16, $0x7  }
0x1b: {  	s22 =	sshll.u32 s17, $0x7;
	s7 =	sadd.s32 s8, s7;
	s8 =	sadd.s32 $0x1A00, s3  }
0x1c: {  	s14 =	sadd.s32 s21, s1;
	[dreg:$0xc] =	wrdreg s24;
	s3 =	sadd.s32 s4, s25  }
0x1d: {  	s11 =	sadd.s32 s26, s1;
	s21 =	sshll.u32 s17, $0x4;
	s29 =	sadd.s32 s22, s1  }
0x1e: {  	s24 =	sadd.s32 s4, s23;
	s25 =	sshll.u32 s19, $0x7;
	s26 =	sshll.u32 s0, $0x4  }
0x1f: {  	s0 =	sshll.u32 s0, $0x7;
	s19 =	sadd.s32 $0xA, s9;
	[dreg:$0x9] =	wrdreg s7  }
0x20: {  	s23 =	sadd.s32 $0xF0, s5;
	s17 =	simm.s32 $0x50;
	[dreg:$0xd] =	wrdreg s3  }
0x21: {  	s3 =	sadd.s32 s4, s31;
	s7 =	sshll.u32 s15, $0x4;
	[dreg:$0x12] =	wrdreg s24  }
0x22: {  	s15 =	sshll.u32 s15, $0x7;
	s16 =	sadd.s32 s8, s9;
	[dreg:$0x15] =	wrdreg s11  }
0x23: {  	s31 =	sadd.s32 s13, s9;
	s22 =	sadd.s32 s8, s19;
	[dreg:$0xe] =	wrdreg s3  }
0x24: {  	s24 =	sshrl.u32 s23, $0x3;
	s23 =	simm.s32 $0x2A00;
	[dreg:$0x18] =	wrdreg s22  }
0x25: {  	s10 =	sadd.s32 s4, s7;
	s3 =	sadd.s32 s4, s18;
	[dreg:$0x17] =	wrdreg s31  }
0x26: {  	s18 =	sadd.s32 s25, s1;
	s9 =	sadd.s32 s24, s13;
	[dreg:$0x16] =	wrdreg s16  }
0x27: {  	s25 =	sadd.s32 $0xA0, s5;
	[dreg:$0xf] =	wrdreg s10;
	s10 =	sadd.s32 s15, s1  }
0x28: {  	[dreg:$0x10] =	wrdreg s3;
	s15 =	sadd.s32 s20, s1;
	s3 =	sadd.s32 s4, s21  }
0x29: {  	s20 =	sadd.s32 s0, s1;
	s21 =	sadd.s32 $0x140, s5;
	[dreg:$0x1a] =	wrdreg s25  }
0x2a: {  	s0 =	sadd.s32 s13, s19;
	s19 =	simm.s32 $0x100;
	[dreg:$0x13] =	wrdreg s18  }
0x2b: {  	s25 =	simm.s32 $0x1;
	s5 =	simm.s32 $0x0;
	[dreg:$0x11] =	wrdreg s3  }
0x2c: {  	s3 =	sadd.s32 s4, s26;
	[dreg:$0x19] =	wrdreg s0;
	s6 =	smov.u32 s15  }
0x2d: {  	s26 =	sadd.s32 $0x4D8, s31;
	s31 =	sadd.s32 $0x14, s16;
	[dreg:$0x14] =	wrdreg s3  }
0x2e: {  	s15 =	simm.s32 $0x200;
	s16 =	simm.s32 $0x3;
	[dreg:$0x1b] =	wrdreg s26  }
0x2f: {  	s3 =	sshrl.u32 s21, $0x3;
	[dreg:$0x1c] =	wrdreg s31;
	s21 =	simm.s32 $0x80  }
0x30: {  	s7 =	sadd.s32 s3, s8;
	s3 =	smov.u32 s10;
	s8 =	sadd.s32 s24, s8  }
.LBB2_1:
0x31: {  	s0 =	rddreg [dreg:$0xc]  }
0x32: {  	[tilespmem:s15], [sflag:$0x3] =	stream.linear.gather [hbm4b:s0+s2], $0x2800, $0x38;
	[tilespmem:$0x19200] =	vst v63  }
0x33: {  	_ =	swait.ge [sflag:s16], $0x2800  }
0x34: {  	[sflag:s16] =	ssyncset.done $0x0  }
0x35: {  	[sflag:s16] =	ssyncadd.s32 $0xFFFFD800  }
0x36: {  	[spmem:s14] =	stream.linear.scatter [tilespmem:s15], [sflag:$0x3], $0x2800, $0x38;
	[tilespmem:$0x19200] =	vst v63  }
0x37: {  	_ =	swait.ge [sflag:s16], $0x2800  }
0x38: {  	s10 =	smov.u32 s18;
	[sflag:s16] =	ssyncset.done $0x0  }
0x39: {  	s18 =	smov.u32 s14;
	s14 =	rddreg [dreg:$0xd];
	[sflag:s16] =	ssyncadd.s32 $0xFFFFD800  }
0x3a: {  	[tilespmem:s15], [sflag:$0x3] =	stream.linear.gather [hbm4b:s14+s2], $0x2800, $0x38;
	[tilespmem:$0x19200] =	vst v63  }
0x3b: {  	_ =	swait.ge [sflag:s16], $0x2800  }
0x3c: {  	[sflag:s16] =	ssyncset.done $0x0  }
0x3d: {  	[sflag:s16] =	ssyncadd.s32 $0xFFFFD800  }
0x3e: {  	[spmem:s11] =	stream.linear.scatter [tilespmem:s15], [sflag:$0x3], $0x2800, $0x38;
	[tilespmem:$0x19200] =	vst v63  }
0x3f: {  	_ =	swait.ge [sflag:s16], $0x2800  }
0x40: {  	[sflag:s16] =	ssyncset.done $0x0  }
0x41: {  	s22 =	rddreg [dreg:$0xe];
	[sflag:s16] =	ssyncadd.s32 $0xFFFFD800  }
0x42: {  	[tilespmem:s15], [sflag:$0x3] =	stream.linear.gather [hbm4b:s22+s2], $0x2800, $0x38;
	[tilespmem:$0x19200] =	vst v63  }
0x43: {  	_ =	swait.ge [sflag:s16], $0x2800  }
0x44: {  	[sflag:s16] =	ssyncset.done $0x0  }
0x45: {  	[sflag:s16] =	ssyncadd.s32 $0xFFFFD800  }
0x46: {  	[spmem:s12] =	stream.linear.scatter [tilespmem:s15], [sflag:$0x3], $0x2800, $0x38;
	[tilespmem:$0x19200] =	vst v63  }
0x47: {  	_ =	swait.ge [sflag:s16], $0x2800  }
0x48: {  	[sflag:s16] =	ssyncset.done $0x0  }
0x49: {  	s24 =	rddreg [dreg:$0xf];
	[sflag:s16] =	ssyncadd.s32 $0xFFFFD800  }
0x4a: {  	[tilespmem:s15], [sflag:$0x3] =	stream.linear.gather [hbm4b:s24+s2], $0x2800, $0x38;
	[tilespmem:$0x19200] =	vst v63  }
0x4b: {  	_ =	swait.ge [sflag:s16], $0x2800  }
0x4c: {  	[sflag:s16] =	ssyncset.done $0x0  }
0x4d: {  	[sflag:s16] =	ssyncadd.s32 $0xFFFFD800  }
0x4e: {  	[spmem:s3] =	stream.linear.scatter [tilespmem:s15], [sflag:$0x3], $0x2800, $0x38;
	[tilespmem:$0x19200] =	vst v63  }
0x4f: {  	_ =	swait.ge [sflag:s16], $0x2800  }
0x50: {  	[sflag:s16] =	ssyncset.done $0x0  }
0x51: {  	s26 =	rddreg [dreg:$0x10];
	[sflag:s16] =	ssyncadd.s32 $0xFFFFD800  }
0x52: {  	[tilespmem:s15], [sflag:$0x3] =	stream.linear.gather [hbm4b:s26+s2], $0x2800, $0x38;
	[tilespmem:$0x19200] =	vst v63  }
0x53: {  	_ =	swait.ge [sflag:s16], $0x2800  }
0x54: {  	[sflag:s16] =	ssyncset.done $0x0  }
0x55: {  	[sflag:s16] =	ssyncadd.s32 $0xFFFFD800  }
0x56: {  	[spmem:s6] =	stream.linear.scatter [tilespmem:s15], [sflag:$0x3], $0x2800, $0x38;
	[tilespmem:$0x19200] =	vst v63  }
0x57: {  	_ =	swait.ge [sflag:s16], $0x2800  }
0x58: {  	[sflag:s16] =	ssyncset.done $0x0  }
0x59: {  	s24 =	smov.u32 s3;
	s3 =	rddreg [dreg:$0x11];
	[sflag:s16] =	ssyncadd.s32 $0xFFFFD800  }
0x5a: {  	[tilespmem:s15], [sflag:$0x3] =	stream.linear.gather [hbm4b:s3+s2], $0x2800, $0x38;
	[tilespmem:$0x19200] =	vst v63  }
0x5b: {  	_ =	swait.ge [sflag:s16], $0x2800  }
0x5c: {  	[sflag:s16] =	ssyncset.done $0x0  }
0x5d: {  	[sflag:s16] =	ssyncadd.s32 $0xFFFFD800  }
0x5e: {  	[spmem:s29] =	stream.linear.scatter [tilespmem:s15], [sflag:$0x3], $0x2800, $0x38;
	[tilespmem:$0x19200] =	vst v63  }
0x5f: {  	_ =	swait.ge [sflag:s16], $0x2800  }
0x60: {  	[sflag:s16] =	ssyncset.done $0x0  }
0x61: {  	s26 =	smov.u32 s6;
	s6 =	rddreg [dreg:$0x12];
	[sflag:s16] =	ssyncadd.s32 $0xFFFFD800  }
0x62: {  	[tilespmem:s15], [sflag:$0x3] =	stream.linear.gather [hbm4b:s6+s2], $0x2800, $0x38;
	[tilespmem:$0x19200] =	vst v63  }
0x63: {  	_ =	swait.ge [sflag:s16], $0x2800  }
0x64: {  	[sflag:s16] =	ssyncset.done $0x0  }
0x65: {  	[sflag:s16] =	ssyncadd.s32 $0xFFFFD800  }
0x66: {  	[spmem:s10] =	stream.linear.scatter [tilespmem:s15], [sflag:$0x3], $0x2800, $0x38;
	[tilespmem:$0x19200] =	vst v63  }
0x67: {  	_ =	swait.ge [sflag:s16], $0x2800  }
0x68: {  	[sflag:s16] =	ssyncset.done $0x0  }
0x69: {  	s10 =	rddreg [dreg:$0x14];
	[sflag:s16] =	ssyncadd.s32 $0xFFFFD800  }
0x6a: {  	[tilespmem:s15], [sflag:$0x3] =	stream.linear.gather [hbm4b:s10+s2], $0x2800, $0x38;
	[tilespmem:$0x19200] =	vst v63  }
0x6b: {  	_ =	swait.ge [sflag:s16], $0x2800  }
0x6c: {  	[sflag:s16] =	ssyncset.done $0x0  }
0x6d: {  	[sflag:s16] =	ssyncadd.s32 $0xFFFFD800  }
0x6e: {  	[spmem:s20] =	stream.linear.scatter [tilespmem:s15], [sflag:$0x3], $0x2800, $0x38;
	[tilespmem:$0x19200] =	vst v63  }
0x6f: {  	_ =	swait.ge [sflag:s16], $0x2800  }
0x70: {  	[sflag:s16] =	ssyncset.done $0x0  }
0x71: {  	s11 =	rddreg [dreg:$0x16];
	[sflag:s16] =	ssyncadd.s32 $0xFFFFD800  }
0x72: {  	[tilespmem:s2], [sflag:$0x3] =	stream.linear.gather [hbm4b:s11+s2], $0x50, $0x38;
	[tilespmem:$0x19200] =	vst v63  }
0x73: {  	_ =	swait.ge [sflag:s16], $0x50  }
0x74: {  	[sflag:s16] =	ssyncset.done $0x0  }
0x75: {  	[sflag:s16] =	ssyncadd.s32 $0xFFFFFFB0  }
0x76: {  	[tilespmem:s15], [sflag:$0x1] =	stream.indirect.gather [hbm4b:s4+s17], $0x80, s2, s17, $0xb8;
	[tilespmem:$0x19200] =	vst v63  }
0x77: {  	[bflag:$0x0] =	sbarrier.arrive $0xFFFF  }
0x78: {  	s22 =	smov.u32 s12;
	s12 =	rddreg [dreg:$0x17]  }
0x79: {  	[tilespmem:s19], [sflag:$0x3] =	stream.linear.gather [hbm4b:s12+s2], $0x50, $0x38;
	[tilespmem:$0x19200] =	vst v63  }
0x7a: {  	_ =	swait.ge [sflag:s16], $0x50  }
0x7b: {  	[sflag:s16] =	ssyncset.done $0x0  }
0x7c: {  	s14 =	rddreg [dreg:$0x18];
	[sflag:s16] =	ssyncadd.s32 $0xFFFFFFB0  }
0x7d: {  	[tilespmem:s21], [sflag:$0x3] =	stream.linear.gather [hbm4b:s14+s2], $0x50, $0x38;
	[tilespmem:$0x19200] =	vst v63  }
0x7e: {  	_ =	swait.ge [sflag:s16], $0x50  }
0x7f: {  	[sflag:s16] =	ssyncset.done $0x0  }
0x80: {  	[sflag:s16] =	ssyncadd.s32 $0xFFFFFFB0  }
0x81: {  	[tilespmem:s23], [sflag:$0x1] =	stream.indirect.gather [hbm4b:s4+s17], $0x80, s21, s17, $0xb8;
	[tilespmem:$0x19200] =	vst v63  }
0x82: {  	_ =	swait.ge [sflag:s25], $0x2800  }
0x83: {  	[sflag:s25] =	ssyncset.done $0x0  }
0x84: {  	[sflag:s25] =	ssyncadd.s32 $0xFFFFD800  }
0x85: {  	[spmem:s1] =	stream.indirect.scatter.add.f32 [tilespmem:s15], [sflag:$0x2], $0x80, s19, s17, $0xb8;
	[tilespmem:$0x19200] =	vst v63  }
0x86: {  	s31 =	smov.u32 s29;
	s29 =	rddreg [dreg:$0x19]  }
0x87: {  	[tilespmem:s28], [sflag:$0x3] =	stream.linear.gather [hbm4b:s29+s2], $0x50, $0x38;
	[tilespmem:$0x19200] =	vst v63  }
0x88: {  	_ =	swait.ge [sflag:s16], $0x50  }
0x89: {  	[sflag:s16] =	ssyncset.done $0x0  }
0x8a: {  	s3 =	rddreg [dreg:$0x1c];
	[sflag:s16] =	ssyncadd.s32 $0xFFFFFFB0  }
0x8b: {  	[tilespmem:s2], [sflag:$0x3] =	stream.linear.gather [hbm4b:s3+s2], $0x50, $0x38;
	[tilespmem:$0x19200] =	vst v63  }
0x8c: {  	_ =	swait.ge [sflag:s16], $0x50  }
0x8d: {  	[sflag:s16] =	ssyncset.done $0x0  }
0x8e: {  	[sflag:s16] =	ssyncadd.s32 $0xFFFFFFB0  }
0x8f: {  	_ =	swait.ge [sflag:s30], $0x2800  }
0x90: {  	[sflag:s30] =	ssyncset.done $0x0  }
0x91: {  	[sflag:s30] =	ssyncadd.s32 $0xFFFFD800  }
0x92: {  	[tilespmem:s15], [sflag:$0x1] =	stream.indirect.gather [hbm4b:s4+s17], $0x80, s2, s17, $0xb8;
	[tilespmem:$0x19200] =	vst v63  }
0x93: {  	_ =	swait.ge [sflag:s25], $0x2800  }
0x94: {  	[sflag:s25] =	ssyncset.done $0x0;
	s6 =	rddreg [dreg:$0x1a]  }
0x95: {  	[sflag:s25] =	ssyncadd.s32 $0xFFFFD800;
	s10 =	sshrl.u32 s6, $0x3  }
0x96: {  	[spmem:s1] =	stream.indirect.scatter.add.f32 [tilespmem:s23], [sflag:$0x2], $0x80, s28, s17, $0xb8;
	[tilespmem:$0x19200] =	vst v63  }
0x97: {  	s0 =	sadd.s32 s13, s10  }
0x98: {  	[tilespmem:s19], [sflag:$0x3] =	stream.linear.gather [hbm4b:s0+s2], $0x50, $0x38;
	[tilespmem:$0x19200] =	vst v63  }
0x99: {  	_ =	swait.ge [sflag:s16], $0x50  }
0x9a: {  	[sflag:s16] =	ssyncset.done $0x0  }
0x9b: {  	[sflag:s16] =	ssyncadd.s32 $0xFFFFFFB0  }
0x9c: {  	_ =	swait.ge [sflag:s30], $0x2800  }
0x9d: {  	[sflag:s30] =	ssyncset.done $0x0  }
0x9e: {  	s11 =	sadd.s32 $0x0, s8;
	[sflag:s30] =	ssyncadd.s32 $0xFFFFD800  }
0x9f: {  	[tilespmem:s21], [sflag:$0x3] =	stream.linear.gather [hbm4b:s11+s2], $0x50, $0x38;
	[tilespmem:$0x19200] =	vst v63  }
0xa0: {  	_ =	swait.ge [sflag:s16], $0x50  }
0xa1: {  	[sflag:s16] =	ssyncset.done $0x0  }
0xa2: {  	[sflag:s16] =	ssyncadd.s32 $0xFFFFFFB0  }
0xa3: {  	[tilespmem:s23], [sflag:$0x1] =	stream.indirect.gather [hbm4b:s4+s17], $0x80, s21, s17, $0xb8;
	[tilespmem:$0x19200] =	vst v63  }
0xa4: {  	_ =	swait.ge [sflag:s25], $0x2800  }
0xa5: {  	[sflag:s25] =	ssyncset.done $0x0  }
0xa6: {  	[sflag:s25] =	ssyncadd.s32 $0xFFFFD800  }
0xa7: {  	[spmem:s1] =	stream.indirect.scatter.add.f32 [tilespmem:s15], [sflag:$0x2], $0x80, s19, s17, $0xb8;
	[tilespmem:$0x19200] =	vst v63  }
0xa8: {  	s12 =	sadd.s32 $0x0, s9  }
0xa9: {  	[tilespmem:s28], [sflag:$0x3] =	stream.linear.gather [hbm4b:s12+s2], $0x50, $0x38;
	[tilespmem:$0x19200] =	vst v63  }
0xaa: {  	_ =	swait.ge [sflag:s16], $0x50  }
0xab: {  	[sflag:s16] =	ssyncset.done $0x0  }
0xac: {  	s14 =	sadd.s32 $0x0, s7;
	[sflag:s16] =	ssyncadd.s32 $0xFFFFFFB0  }
0xad: {  	[tilespmem:s2], [sflag:$0x3] =	stream.linear.gather [hbm4b:s14+s2], $0x50, $0x38;
	[tilespmem:$0x19200] =	vst v63  }
0xae: {  	_ =	swait.ge [sflag:s16], $0x50  }
0xaf: {  	[sflag:s16] =	ssyncset.done $0x0  }
0xb0: {  	[sflag:s16] =	ssyncadd.s32 $0xFFFFFFB0  }
0xb1: {  	_ =	swait.ge [sflag:s30], $0x2800  }
0xb2: {  	[sflag:s30] =	ssyncset.done $0x0  }
0xb3: {  	[sflag:s30] =	ssyncadd.s32 $0xFFFFD800  }
0xb4: {  	[tilespmem:s15], [sflag:$0x1] =	stream.indirect.gather [hbm4b:s4+s17], $0x80, s2, s17, $0xb8;
	[tilespmem:$0x19200] =	vst v63  }
0xb5: {  	s3 =	simm.s32 $0x28;
	_ =	swait.ge [sflag:s25], $0x2800  }
0xb6: {  	s29 =	sadd.s32 $0xA0, s6;
	s6 =	simm.s32 $0x14;
	[sflag:s25] =	ssyncset.done $0x0  }
0xb7: {  	s0 =	sshrl.u32 s29, $0x3;
	s11 =	sadd.s32 $0xA0, s29;
	[sflag:s25] =	ssyncadd.s32 $0xFFFFD800  }
.LBB2_2:
0xb8: {  	[spmem:s1] =	stream.indirect.scatter.add.f32 [tilespmem:s23], [sflag:$0x2], $0x80, s28, s17, $0xb8;
	[tilespmem:$0x19200] =	vst v63  }
0xb9: {  	p0 =	sne.s32 s3, $0x4B0;
	s12 =	sadd.s32 s13, s0;
	s0 =	sshrl.u32 s11, $0x3  }
0xba: {  	[tilespmem:s19], [sflag:$0x3] =	stream.linear.gather [hbm4b:s12+s2], $0x50, $0x38;
	[tilespmem:$0x19200] =	vst v63  }
0xbb: {  	s12 =	smov.u32 s3;
	s3 =	sadd.s32 $0x14, s3;
	_ =	swait.ge [sflag:s16], $0x50  }
0xbc: {  	[sflag:s16] =	ssyncset.done $0x0  }
0xbd: {  	[sflag:s16] =	ssyncadd.s32 $0xFFFFFFB0  }
0xbe: {  	_ =	swait.ge [sflag:s30], $0x2800  }
0xbf: {  	[sflag:s30] =	ssyncset.done $0x0  }
0xc0: {  	s14 =	sadd.s32 s6, s8;
	[sflag:s30] =	ssyncadd.s32 $0xFFFFD800  }
0xc1: {  	[tilespmem:s21], [sflag:$0x3] =	stream.linear.gather [hbm4b:s14+s2], $0x50, $0x38;
	[tilespmem:$0x19200] =	vst v63  }
0xc2: {  	_ =	swait.ge [sflag:s16], $0x50  }
0xc3: {  	[sflag:s16] =	ssyncset.done $0x0  }
0xc4: {  	[sflag:s16] =	ssyncadd.s32 $0xFFFFFFB0  }
0xc5: {  	[tilespmem:s23], [sflag:$0x1] =	stream.indirect.gather [hbm4b:s4+s17], $0x80, s21, s17, $0xb8;
	[tilespmem:$0x19200] =	vst v63  }
0xc6: {  	_ =	swait.ge [sflag:s25], $0x2800  }
0xc7: {  	[sflag:s25] =	ssyncset.done $0x0  }
0xc8: {  	[sflag:s25] =	ssyncadd.s32 $0xFFFFD800  }
0xc9: {  	[spmem:s1] =	stream.indirect.scatter.add.f32 [tilespmem:s15], [sflag:$0x2], $0x80, s19, s17, $0xb8;
	[tilespmem:$0x19200] =	vst v63  }
0xca: {  	s14 =	sadd.s32 s6, s9  }
0xcb: {  	[tilespmem:s28], [sflag:$0x3] =	stream.linear.gather [hbm4b:s14+s2], $0x50, $0x38;
	[tilespmem:$0x19200] =	vst v63  }
0xcc: {  	_ =	swait.ge [sflag:s16], $0x50  }
0xcd: {  	[sflag:s16] =	ssyncset.done $0x0  }
0xce: {  	s14 =	sadd.s32 s6, s7;
	s6 =	smov.u32 s12;
	[sflag:s16] =	ssyncadd.s32 $0xFFFFFFB0  }
0xcf: {  	[tilespmem:s2], [sflag:$0x3] =	stream.linear.gather [hbm4b:s14+s2], $0x50, $0x38;
	[tilespmem:$0x19200] =	vst v63  }
0xd0: {  	_ =	swait.ge [sflag:s16], $0x50  }
0xd1: {  	[sflag:s16] =	ssyncset.done $0x0  }
0xd2: {  	[sflag:s16] =	ssyncadd.s32 $0xFFFFFFB0  }
0xd3: {  	_ =	swait.ge [sflag:s30], $0x2800  }
0xd4: {  	[sflag:s30] =	ssyncset.done $0x0  }
.Ltmp0:
0xd5: {  	[sflag:s30] =	ssyncadd.s32 $0xFFFFD800;
	(pc) =	sbr.rel @p0 .LBB2_2-.Ltmp0, $4  }
0xd6: {  	[tilespmem:s15], [sflag:$0x1] =	stream.indirect.gather [hbm4b:s4+s17], $0x80, s2, s17, $0xb8;
	[tilespmem:$0x19200] =	vst v63  }
0xd7: {  	_ =	swait.ge [sflag:s25], $0x2800  }
0xd8: {  	[sflag:s25] =	ssyncset.done $0x0  }
0xd9: {  	s11 =	sadd.s32 $0xA0, s11;
	[sflag:s25] =	ssyncadd.s32 $0xFFFFD800  }
0xda: {  	[spmem:s1] =	stream.indirect.scatter.add.f32 [tilespmem:s23], [sflag:$0x2], $0x80, s28, s17, $0xb8;
	[tilespmem:$0x19200] =	vst v63  }
0xdb: {  	s0 =	sadd.s32 s13, s0  }
0xdc: {  	[tilespmem:s19], [sflag:$0x3] =	stream.linear.gather [hbm4b:s0+s2], $0x50, $0x38;
	[tilespmem:$0x19200] =	vst v63  }
0xdd: {  	_ =	swait.ge [sflag:s16], $0x50  }
0xde: {  	[sflag:s16] =	ssyncset.done $0x0  }
0xdf: {  	[sflag:s16] =	ssyncadd.s32 $0xFFFFFFB0  }
0xe0: {  	_ =	swait.ge [sflag:s30], $0x2800  }
0xe1: {  	[sflag:s30] =	ssyncset.done $0x0  }
0xe2: {  	s10 =	sadd.s32 s6, s8;
	[sflag:s30] =	ssyncadd.s32 $0xFFFFD800  }
0xe3: {  	[tilespmem:s21], [sflag:$0x3] =	stream.linear.gather [hbm4b:s10+s2], $0x50, $0x38;
	[tilespmem:$0x19200] =	vst v63  }
0xe4: {  	_ =	swait.ge [sflag:s16], $0x50  }
0xe5: {  	[sflag:s16] =	ssyncset.done $0x0  }
0xe6: {  	[sflag:s16] =	ssyncadd.s32 $0xFFFFFFB0  }
0xe7: {  	[tilespmem:s23], [sflag:$0x1] =	stream.indirect.gather [hbm4b:s4+s17], $0x80, s21, s17, $0xb8;
	[tilespmem:$0x19200] =	vst v63  }
0xe8: {  	_ =	swait.ge [sflag:s25], $0x2800  }
0xe9: {  	[sflag:s25] =	ssyncset.done $0x0  }
0xea: {  	[sflag:s25] =	ssyncadd.s32 $0xFFFFD800  }
0xeb: {  	[spmem:s1] =	stream.indirect.scatter.add.f32 [tilespmem:s15], [sflag:$0x2], $0x80, s19, s17, $0xb8;
	[tilespmem:$0x19200] =	vst v63  }
0xec: {  	s11 =	sadd.s32 s6, s9  }
0xed: {  	[tilespmem:s28], [sflag:$0x3] =	stream.linear.gather [hbm4b:s11+s2], $0x50, $0x38;
	[tilespmem:$0x19200] =	vst v63  }
0xee: {  	_ =	swait.ge [sflag:s16], $0x50  }
0xef: {  	[sflag:s16] =	ssyncset.done $0x0  }
0xf0: {  	s12 =	sadd.s32 s6, s7;
	[sflag:s16] =	ssyncadd.s32 $0xFFFFFFB0  }
0xf1: {  	[tilespmem:s2], [sflag:$0x3] =	stream.linear.gather [hbm4b:s12+s2], $0x50, $0x38;
	[tilespmem:$0x19200] =	vst v63  }
0xf2: {  	_ =	swait.ge [sflag:s16], $0x50  }
0xf3: {  	[sflag:s16] =	ssyncset.done $0x0  }
0xf4: {  	[sflag:s16] =	ssyncadd.s32 $0xFFFFFFB0  }
0xf5: {  	_ =	swait.ge [sflag:s30], $0x2800  }
0xf6: {  	[sflag:s30] =	ssyncset.done $0x0  }
0xf7: {  	[sflag:s30] =	ssyncadd.s32 $0xFFFFD800  }
0xf8: {  	[tilespmem:s15], [sflag:$0x1] =	stream.indirect.gather [hbm4b:s4+s17], $0x80, s2, s17, $0xb8;
	[tilespmem:$0x19200] =	vst v63  }
0xf9: {  	_ =	swait.ge [sflag:s25], $0x2800  }
0xfa: {  	[sflag:s25] =	ssyncset.done $0x0  }
0xfb: {  	[sflag:s25] =	ssyncadd.s32 $0xFFFFD800  }
0xfc: {  	[spmem:s1] =	stream.indirect.scatter.add.f32 [tilespmem:s23], [sflag:$0x2], $0x80, s28, s17, $0xb8;
	[tilespmem:$0x19200] =	vst v63  }
0xfd: {  	s14 =	rddreg [dreg:$0x1b]  }
0xfe: {  	[tilespmem:s19], [sflag:$0x3] =	stream.linear.gather [hbm4b:s14+s2], $0x50, $0x38;
	[tilespmem:$0x19200] =	vst v63  }
0xff: {  	_ =	swait.ge [sflag:s16], $0x50  }
0x100: {  	[sflag:s16] =	ssyncset.done $0x0  }
0x101: {  	[sflag:s16] =	ssyncadd.s32 $0xFFFFFFB0  }
0x102: {  	_ =	swait.ge [sflag:s30], $0x2800  }
0x103: {  	[sflag:s30] =	ssyncset.done $0x0  }
0x104: {  	[sflag:s30] =	ssyncadd.s32 $0xFFFFD800  }
0x105: {  	_ =	swait.ge [sflag:s25], $0x2800  }
0x106: {  	[sflag:s25] =	ssyncset.done $0x0  }
0x107: {  	[sflag:s25] =	ssyncadd.s32 $0xFFFFD800  }
0x108: {  	[spmem:s1] =	stream.indirect.scatter.add.f32 [tilespmem:s15], [sflag:$0x2], $0x80, s19, s17, $0xb8;
	[tilespmem:$0x19200] =	vst v63  }
0x109: {  	_ =	swait.ge [sflag:s30], $0x2800  }
0x10a: {  	[sflag:s30] =	ssyncset.done $0x0  }
0x10b: {  	[sflag:s30] =	ssyncadd.s32 $0xFFFFD800  }
0x10c: {  	[bflag:$0x0] =	sbarrier.arrive $0xFFFF  }
0x10d: {  	[tilespmem:s15], [sflag:$0x3] =	stream.linear.gather [spmem:s18], $0x2800, $0x38;
	[tilespmem:$0x19200] =	vst v63  }
0x10e: {  	_ =	swait.ge [sflag:s16], $0x2800  }
0x10f: {  	[sflag:s16] =	ssyncset.done $0x0  }
0x110: {  	s14 =	smov.u32 s18;
	s18 =	rddreg [dreg:$0x3];
	[sflag:s16] =	ssyncadd.s32 $0xFFFFD800  }
0x111: {  	[hbm4b:s18+s2] =	stream.linear.scatter [tilespmem:s15], [sflag:$0x3], $0x2800, $0x38;
	[tilespmem:$0x19200] =	vst v63  }
0x112: {  	_ =	swait.ge [sflag:s16], $0x2800  }
0x113: {  	[sflag:s16] =	ssyncset.done $0x0  }
0x114: {  	s11 =	rddreg [dreg:$0x15];
	[sflag:s16] =	ssyncadd.s32 $0xFFFFD800  }
0x115: {  	[tilespmem:s15], [sflag:$0x3] =	stream.linear.gather [spmem:s11], $0x2800, $0x38;
	[tilespmem:$0x19200] =	vst v63  }
0x116: {  	_ =	swait.ge [sflag:s16], $0x2800  }
0x117: {  	[sflag:s16] =	ssyncset.done $0x0  }
0x118: {  	s3 =	rddreg [dreg:$0x4];
	[sflag:s16] =	ssyncadd.s32 $0xFFFFD800  }
0x119: {  	[hbm4b:s3+s2] =	stream.linear.scatter [tilespmem:s15], [sflag:$0x3], $0x2800, $0x38;
	[tilespmem:$0x19200] =	vst v63  }
0x11a: {  	_ =	swait.ge [sflag:s16], $0x2800  }
0x11b: {  	[sflag:s16] =	ssyncset.done $0x0  }
0x11c: {  	[sflag:s16] =	ssyncadd.s32 $0xFFFFD800  }
0x11d: {  	[tilespmem:s15], [sflag:$0x3] =	stream.linear.gather [spmem:s22], $0x2800, $0x38;
	[tilespmem:$0x19200] =	vst v63  }
0x11e: {  	_ =	swait.ge [sflag:s16], $0x2800  }
0x11f: {  	[sflag:s16] =	ssyncset.done $0x0  }
0x120: {  	s6 =	rddreg [dreg:$0x5];
	[sflag:s16] =	ssyncadd.s32 $0xFFFFD800  }
0x121: {  	[hbm4b:s6+s2] =	stream.linear.scatter [tilespmem:s15], [sflag:$0x3], $0x2800, $0x38;
	[tilespmem:$0x19200] =	vst v63  }
0x122: {  	_ =	swait.ge [sflag:s16], $0x2800  }
0x123: {  	[sflag:s16] =	ssyncset.done $0x0  }
0x124: {  	[sflag:s16] =	ssyncadd.s32 $0xFFFFD800  }
0x125: {  	[tilespmem:s15], [sflag:$0x3] =	stream.linear.gather [spmem:s24], $0x2800, $0x38;
	[tilespmem:$0x19200] =	vst v63  }
0x126: {  	_ =	swait.ge [sflag:s16], $0x2800  }
0x127: {  	[sflag:s16] =	ssyncset.done $0x0  }
0x128: {  	s10 =	rddreg [dreg:$0x6];
	[sflag:s16] =	ssyncadd.s32 $0xFFFFD800  }
0x129: {  	[hbm4b:s10+s2] =	stream.linear.scatter [tilespmem:s15], [sflag:$0x3], $0x2800, $0x38;
	[tilespmem:$0x19200] =	vst v63  }
0x12a: {  	_ =	swait.ge [sflag:s16], $0x2800  }
0x12b: {  	[sflag:s16] =	ssyncset.done $0x0  }
0x12c: {  	[sflag:s16] =	ssyncadd.s32 $0xFFFFD800  }
0x12d: {  	[tilespmem:s15], [sflag:$0x3] =	stream.linear.gather [spmem:s26], $0x2800, $0x38;
	[tilespmem:$0x19200] =	vst v63  }
0x12e: {  	_ =	swait.ge [sflag:s16], $0x2800  }
0x12f: {  	[sflag:s16] =	ssyncset.done $0x0  }
0x130: {  	s18 =	rddreg [dreg:$0x7];
	[sflag:s16] =	ssyncadd.s32 $0xFFFFD800  }
0x131: {  	[hbm4b:s18+s2] =	stream.linear.scatter [tilespmem:s15], [sflag:$0x3], $0x2800, $0x38;
	[tilespmem:$0x19200] =	vst v63  }
0x132: {  	_ =	swait.ge [sflag:s16], $0x2800  }
0x133: {  	[sflag:s16] =	ssyncset.done $0x0  }
0x134: {  	[sflag:s16] =	ssyncadd.s32 $0xFFFFD800  }
0x135: {  	[tilespmem:s15], [sflag:$0x3] =	stream.linear.gather [spmem:s31], $0x2800, $0x38;
	[tilespmem:$0x19200] =	vst v63  }
0x136: {  	_ =	swait.ge [sflag:s16], $0x2800  }
0x137: {  	[sflag:s16] =	ssyncset.done $0x0  }
0x138: {  	s12 =	smov.u32 s22;
	s22 =	rddreg [dreg:$0x8];
	[sflag:s16] =	ssyncadd.s32 $0xFFFFD800  }
0x139: {  	[hbm4b:s22+s2] =	stream.linear.scatter [tilespmem:s15], [sflag:$0x3], $0x2800, $0x38;
	[tilespmem:$0x19200] =	vst v63  }
0x13a: {  	_ =	swait.ge [sflag:s16], $0x2800  }
0x13b: {  	[sflag:s16] =	ssyncset.done $0x0  }
0x13c: {  	s18 =	rddreg [dreg:$0x13];
	[sflag:s16] =	ssyncadd.s32 $0xFFFFD800  }
0x13d: {  	[tilespmem:s15], [sflag:$0x3] =	stream.linear.gather [spmem:s18], $0x2800, $0x38;
	[tilespmem:$0x19200] =	vst v63  }
0x13e: {  	_ =	swait.ge [sflag:s16], $0x2800  }
0x13f: {  	[sflag:s16] =	ssyncset.done $0x0  }
0x140: {  	s3 =	smov.u32 s24;
	s24 =	rddreg [dreg:$0x9];
	[sflag:s16] =	ssyncadd.s32 $0xFFFFD800  }
0x141: {  	[hbm4b:s24+s2] =	stream.linear.scatter [tilespmem:s15], [sflag:$0x3], $0x2800, $0x38;
	[tilespmem:$0x19200] =	vst v63  }
0x142: {  	_ =	swait.ge [sflag:s16], $0x2800  }
0x143: {  	[sflag:s16] =	ssyncset.done $0x0  }
0x144: {  	[sflag:s16] =	ssyncadd.s32 $0xFFFFD800  }
0x145: {  	[tilespmem:s15], [sflag:$0x3] =	stream.linear.gather [spmem:s20], $0x2800, $0x38;
	[tilespmem:$0x19200] =	vst v63  }
0x146: {  	_ =	swait.ge [sflag:s16], $0x2800  }
0x147: {  	[sflag:s16] =	ssyncset.done $0x0  }
0x148: {  	s6 =	smov.u32 s26;
	s26 =	rddreg [dreg:$0xa];
	[sflag:s16] =	ssyncadd.s32 $0xFFFFD800  }
0x149: {  	[hbm4b:s26+s2] =	stream.linear.scatter [tilespmem:s15], [sflag:$0x3], $0x2800, $0x38;
	[tilespmem:$0x19200] =	vst v63  }
0x14a: {  	_ =	swait.ge [sflag:s16], $0x2800  }
0x14b: {  	s29 =	smov.u32 s31;
	s5 =	sadd.s32 $0x1, s5;
	s31 =	rddreg [dreg:$0xb]  }
0x14c: {  	p0 =	sne.s32 s5, s31  }
.Ltmp1:
0x14d: {  	_ = 	snop;
	(pc) =	sbr.rel @p0 .LBB2_1-.Ltmp1, $3  }
0x14e: {  	_ =	sdelay $0x1  }
0x14f: {  	[sflag:s16] =	ssyncset.done $0x0  }
0x150: {  	[sflag:s16] =	ssyncadd.s32 $0xFFFFD800  }
0x151: {  	_ =	sfence.sel $0x180000  }
0x152: {  	[bflag:$0x0] =	sbarrier.arrive $0xFFFF  }
0x153: {  	_ =	strace $0x9000004A  }
0x154: {  	s0 =	stileid.u32;
	[bflag:$0x2] =	sbarrier.arrive $0xFFFF  }
0x155: {  	p0 =	sne.s32 s0, $0x0;
	s0 =	rddreg [dreg:$0x2]  }
0x156: {  	s0 =	sadd.s32 @!p0 $0x100000, s0  }
0x157: {  	[sflag:s0] =	ssyncadd.tile.s32 @!p0 $0x1;
	_ =	shalt  }
.Lfunc_end2:
_tile_overlayer_lowered:
.L_overlay_start_2:
0x158: {  	(tag) =	ssettag $0x2  }
0x159: {  	s0 =	rddreg [dreg:$0x0];
	s2 =	stileid.u32  }
0x15a: {  	s1 =	rddreg [dreg:$0x1];
	p0 =	sne.s32 s2, $0x0  }
0x15b: {  	s3 =	rddreg [dreg:$0x2];
	[bflag:$0x3] =	sbarrier.arrive $0xFFFF;
	s2 =	simm.s32 @!p0 $0x1C03  }
0x15c: {  	[timem:s3], [sflag:s2] =	dma.local @!p0 [hbm:s0], s1  }
0x15d: {  	s0 =	simm.s32 @!p0 $0x3  }
0x15e: {  	_ =	swait.ge @!p0 [sflag:s0], s1  }
0x15f: {  	s1 =	ssub.s32 @!p0 $0x0, s1;
	[sflag:s0] =	ssyncset.done @!p0 $0x0  }
0x160: {  	[sflag:s0] =	ssyncadd.s32 @!p0 s1  }
0x161: {  	[bflag:$0x3] =	sbarrier.arrive $0xFFFF  }
0x162: {  	_ =	shalt  }

// kernel: kernel.14.cloned.1.call-start
scs
__scs_entry_jumppad:
0x0: {  	(pc) =	sbr.rel $0x88, $3  }
0x1: {  	(tag) =	ssettag $0x0;
	lr =	simm.s32 $0x1  }
0x2: {  	[smem:$0x3F99] =	sst lr;
	_ =	strace $0xD0000000  }
0x3: {  	_ = 	snop  }
0x4: {  	_ = 	snop  }
0x5: {  	_ = 	snop  }
0x6: {  	_ = 	snop  }
0x7: {  	_ = 	snop  }
__scs_overlays_trampoline_lowered:
0x8: {  	[smem:$0x3FA8] =	sst s0  }
0x9: {  	[smem:$0x3FA9] =	sst s1  }
0xa: {  	[smem:$0x3FAA] =	sst s2  }
0xb: {  	[smem:$0x3FAB] =	sst s3  }
0xc: {  	[smem:$0x3FAC] =	sst s4  }
0xd: {  	[smem:$0x3FAD] =	sst s5  }
0xe: {  	[smem:$0x3FAE] =	sst s6  }
0xf: {  	[smem:$0x3FAF] =	sst s7  }
0x10: {  	[smem:$0x3FB0] =	sst s8  }
0x11: {  	[smem:$0x3FB1] =	sst s9;
	s0 =	simm.s32 @!p0 $0x0  }
0x12: {  	s1 =	sld [smem:$0x3F97];
	s0 =	simm.s32 @p0 $0x1  }
0x13: {  	[smem:$0x3FB2] =	sst s0;
	s0 =	simm.s32 @!p1 $0x0  }
0x14: {  	s2 =	sld [smem:$0x3F96];
	s0 =	simm.s32 @p1 $0x1  }
0x15: {  	[smem:$0x3FB3] =	sst s0;
	s0 =	simm.s32 @!p2 $0x0  }
0x16: {  	s3 =	sld [smem:$0x3FDB];
	s0 =	simm.s32 @p2 $0x1  }
0x17: {  	s4 =	simm.s32 $0x1BF5;
	[smem:$0x3FB5] =	sst s0  }
0x18: {  	s0 =	sld [smem:$0x3F98];
	_ =	swait.ge [sflag:s4], $0x0  }
0x19: {  	s7 =	sld [smem:$0x3F99]  }
0x1a: {  	s8 =	sadd.s32 $0xFFFFE003, lr  }
0x1b: {  	s9 =	sadd.s32 $0xFFFFFEF7, lr;
	s5 =	simm.s32 $0xFFFFFFFF;
	p2 =	slt.u32 s8, $0xFFFFF086  }
0x1c: {  	p1 =	slt.u32 s9, $0xF7A;
	s5 =	simm.s32 @!p2 $0x0  }
0x1d: {  	s5 =	simm.s32 @p1 $0x1;
	p0 =	seq.s32 s7, s2  }
0x1e: {  	s7 =	smul.u32 @!p0 $0xF7A, s2;
	p2 =	seq.s32 @!p0 s5, $0x0  }
0x1f: {  	s9 =	smul.u32 $0xF7A, s1;
	s8 =	simm.s32 @!p0 $0x1BF5;
	p2 =	por !p2, p0  }
0x20: {  	[sflag:s8] =	ssyncset.s32 @!p0 $0xFFFFF086;
	s6 =	sadd.s32 @!p0 s3, s7;
	s7 =	simm.s32 @!p0 $0x108  }
0x21: {  	s3 =	sadd.s32 s3, s9;
	s6 =	sadd.s32 @!p0 $0x88, s6;
	s7 =	simm.s32 @p2 $0x1082  }
0x22: {  	[simem:s7], [sflag:s8] =	dma.local @!p0 [hbm:s6], $0xF7A  }
0x23: {  	s9 =	sor.u32 $0xD0000000, s2;
	s6 =	simm.s32 $0x108;
	_ =	swait.ge @!p0 [sflag:s8], $0x0  }
0x24: {  	s3 =	sadd.s32 $0x88, s3;
	s6 =	simm.s32 @!p1 $0x1082;
	[sflag:s4] =	ssyncset.s32 $0xFFFFF086  }
0x25: {  	[simem:s6], [sflag:s4] =	dma.local [hbm:s3], $0xF7A  }
0x26: {  	[smem:$0x3F99] =	sst s1;
	(tag) =	ssettag s2;
	_ =	strace s9  }
0x27: {  	s1 =	sld [smem:$0x3FA9]  }
0x28: {  	s2 =	sld [smem:$0x3FAA]  }
0x29: {  	s4 =	sld [smem:$0x3FAC]  }
0x2a: {  	p0 =	seq.s32 s5, $0x0;
	s5 =	sld [smem:$0x3FAD]  }
0x2b: {  	s6 =	sld [smem:$0x3FAE]  }
0x2c: {  	s7 =	sld [smem:$0x3FAF]  }
0x2d: {  	s3 =	simm.s32 $0x108;
	s8 =	sld [smem:$0x3FB0]  }
0x2e: {  	s3 =	simm.s32 @!p0 $0x1082;
	s9 =	sld [smem:$0x3FB1]  }
0x2f: {  	lr =	sadd.s32 s0, s3;
	s0 =	sld [smem:$0x3FA8]  }
0x30: {  	s3 =	sld [smem:$0x3FAB]  }
0x31: {  	[smem:$0x3FB4] =	sst s10  }
0x32: {  	s10 =	sld [smem:$0x3FB2];
	_ =	sdelay $0x3  }
0x33: {  	p0 =	seq.s32 s10, $0x1;
	s10 =	sld [smem:$0x3FB4];
	_ =	sdelay $0x3  }
0x34: {  	[smem:$0x3FB4] =	sst s10  }
0x35: {  	s10 =	sld [smem:$0x3FB3];
	_ =	sdelay $0x3  }
0x36: {  	p1 =	seq.s32 s10, $0x1;
	s10 =	sld [smem:$0x3FB4];
	_ =	sdelay $0x3  }
0x37: {  	[smem:$0x3FB4] =	sst s10  }
0x38: {  	s10 =	sld [smem:$0x3FB5]  }
0x39: {  	_ = 	snop;
	(pc) =	sbr.ind lr, $3  }
0x3a: {  	_ = 	snop  }
0x3b: {  	_ = 	snop  }
0x3c: {  	p2 =	seq.s32 s10, $0x1;
	s10 =	sld [smem:$0x3FB4]  }
0x3d: {  	_ =	shalt  }
0x3e: {  	_ =	shalt  }
0x3f: {  	_ =	shalt  }
0x40: {  	_ =	shalt  }
0x41: {  	_ =	shalt  }
0x42: {  	_ =	shalt  }
0x43: {  	_ =	shalt  }
0x44: {  	_ =	shalt  }
0x45: {  	_ =	shalt  }
0x46: {  	_ =	shalt  }
0x47: {  	_ =	shalt  }
0x48: {  	_ =	shalt  }
0x49: {  	_ =	shalt  }
0x4a: {  	_ =	shalt  }
0x4b: {  	_ =	shalt  }
0x4c: {  	_ =	shalt  }
0x4d: {  	_ =	shalt  }
0x4e: {  	_ =	shalt  }
0x4f: {  	_ =	shalt  }
0x50: {  	_ =	shalt  }
0x51: {  	_ =	shalt  }
0x52: {  	_ =	shalt  }
0x53: {  	_ =	shalt  }
0x54: {  	_ =	shalt  }
0x55: {  	_ =	shalt  }
0x56: {  	_ =	shalt  }
0x57: {  	_ =	shalt  }
0x58: {  	_ =	shalt  }
0x59: {  	_ =	shalt  }
0x5a: {  	_ =	shalt  }
0x5b: {  	_ =	shalt  }
0x5c: {  	_ =	shalt  }
0x5d: {  	_ =	shalt  }
0x5e: {  	_ =	shalt  }
0x5f: {  	_ =	shalt  }
0x60: {  	_ =	shalt  }
0x61: {  	_ =	shalt  }
0x62: {  	_ =	shalt  }
0x63: {  	_ =	shalt  }
0x64: {  	_ =	shalt  }
0x65: {  	_ =	shalt  }
0x66: {  	_ =	shalt  }
0x67: {  	_ =	shalt  }
0x68: {  	_ =	shalt  }
0x69: {  	_ =	shalt  }
0x6a: {  	_ =	shalt  }
0x6b: {  	_ =	shalt  }
0x6c: {  	_ =	shalt  }
0x6d: {  	_ =	shalt  }
0x6e: {  	_ =	shalt  }
0x6f: {  	_ =	shalt  }
0x70: {  	_ =	shalt  }
0x71: {  	_ =	shalt  }
0x72: {  	_ =	shalt  }
0x73: {  	_ =	shalt  }
0x74: {  	_ =	shalt  }
0x75: {  	_ =	shalt  }
0x76: {  	_ =	shalt  }
0x77: {  	_ =	shalt  }
0x78: {  	_ =	shalt  }
0x79: {  	_ =	shalt  }
0x7a: {  	_ =	shalt  }
0x7b: {  	_ =	shalt  }
0x7c: {  	_ =	shalt  }
0x7d: {  	_ =	shalt  }
0x7e: {  	_ =	shalt  }
0x7f: {  	_ =	shalt  }
0x80: {  	_ =	shalt  }
0x81: {  	_ =	shalt  }
0x82: {  	_ =	shalt  }
0x83: {  	_ =	shalt  }
0x84: {  	_ =	shalt  }
0x85: {  	_ =	shalt  }
0x86: {  	_ =	shalt  }
0x87: {  	_ =	shalt  }
.Lfunc_end0:
.L_simem_size_0:
called_computation.2_lowered:
.L_overlay_start_0:
0x88: {  	s2 =	sld [smem:$0x3FD9]  }
0x89: {  	s3 =	sld [smem:$0x3FFE];
	_ =	sdelay $0x1  }
0x8a: {  	s1 =	srdreg.scid  }
0x8b: {  	s0 =	sand.u32 $0x1, s1  }
0x8c: {  	s16 =	sshll.u32 s0, $0xA;
	s2 =	sadd.s32 s3, s2  }
0x8d: {  	s2 =	sadd.s32 s2, s16  }
0x8e: {  	[smem:$0x3FC0] =	sst s2  }
0x8f: {  	_ = 	snop  }
0x90: {  	(tm) =	ssettm $0x1  }
0x91: {  	s17 =	sld [smem:$0x3FFB];
	_ =	sdelay $0x3  }
0x92: {  	_ =	strace s17  }
0x93: {  	s2 =	sld [smem:$0x3FFC];
	_ =	sdelay $0x3  }
0x94: {  	_ =	strace s2  }
0x95: {  	s2 =	sld [smem:$0x3FFD];
	_ =	sdelay $0x3  }
0x96: {  	_ =	strace s2  }
0x97: {  	_ =	strace $0x8FFFFFFF  }
0x98: {  	s18 =	sld [smem:$0x3FDB];
	_ =	sdelay $0x1  }
0x99: {  	s19 =	simm.s32 $_scs_section_size  }
0x9a: {  	s4 =	simm.s32 $_size__tile_overlayer_lowered;
	s5 =	simm.s32 $_tile_overlayer_lowered  }
0x9b: {  	s22 =	simm.s32 $0x1BFF;
	s21 =	sshll.u32 s5, $0x1;
	s2 =	sadd.s32 s19, s18  }
0x9c: {  	s6 =	simm.s32 $0x0;
	s20 =	sshll.u32 s4, $0x1;
	s4 =	sadd.s32 s21, s2  }
0x9d: {  	[timem:s6], [sflag:s22] =	dma.local [hbm:s4], s20  }
0x9e: {  	_ =	swait.ge [sflag:s22], s20  }
0x9f: {  	s3 =	ssub.s32 $0x0, s20;
	[sflag:s22] =	ssyncset.done $0x0  }
0xa0: {  	[sflag:s22] =	ssyncadd.s32 s3;
	_ =	sdelay $0x1  }
0xa1: {  	s23 =	simm.s32 $0x1B8B  }
0xa2: {  	_ =	swait.ge [sflag:s23], $0x1  }
0xa3: {  	[sflag:s23] =	ssyncset.done $0x0  }
0xa4: {  	s25 =	simm.s32 $0x1B8E;
	s24 =	sld [smem:$0x3FFE];
	[sflag:s23] =	ssyncadd.s32 $0xFFFFFFFF  }
0xa5: {  	s26 =	simm.s32 $execute0_lowered;
	[smem:$0x3FD2] =	sst s25  }
0xa6: {  	s4 =	sshll.u32 s26, $0x1;
	_ =	strace $0x8000004C;
	[dreg:$0x1] =	wrdreg $0xFFFFFFFF  }
0xa7: {  	s28 =	simm.s32 $_size_execute0_lowered;
	s2 =	sadd.s32 s2, s4;
	[dreg:$0x0] =	wrdreg $0x0  }
0xa8: {  	s4 =	sshll.u32 s28, $0x1;
	[dreg:$0x2] =	wrdreg s2  }
0xa9: {  	[dreg:$0x3] =	wrdreg s4  }
0xaa: {  	[dreg:$0x4] =	wrdreg $0xC0  }
0xab: {  	_ =	task [dreg:s6], $0x5FFFF  }
0xac: {  	[dreg:$0x1] =	wrdreg $0xFFFFFFFF  }
0xad: {  	[dreg:$0x0] =	wrdreg $0x60  }
0xae: {  	[dreg:$0x2] =	wrdreg s24  }
0xaf: {  	[dreg:$0x3] =	wrdreg $0x52000  }
0xb0: {  	[dreg:$0x4] =	wrdreg $0x9  }
0xb1: {  	_ =	task.clear_ibuf [dreg:s6], $0x5FFFF;
	_ =	strace $0x9000004C  }
0xb2: {  	s29 =	simm.s32 $0x9;
	_ =	strace $0x8000004E  }
0xb3: {  	_ =	swait.ge [sflag:s29], $0x1  }
0xb4: {  	[sflag:s29] =	ssyncadd.s32 $0xFFFFFFFF  }
0xb5: {  	_ =	strace $0x9000004E  }
0xb6: {  	_ =	sfence  }
0xb7: {  	s30 =	sld [smem:$0x0];
	_ =	sdelay $0x2  }
0xb8: {  	s31 =	sshll.u32 s1, $0xD;
	s1 =	sshrl.u32 s1, $0x2  }
0xb9: {  	s3 =	sand.u32 $0x4000, s31;
	s1 =	sadd.s32 s1, s30  }
0xba: {  	s0 =	sor.u32 s3, s0;
	s1 =	sshll.u32 s1, $0x11  }
0xbb: {  	s0 =	sor.u32 s1, s0  }
0xbc: {  	s0 =	sadd.s32 $0x8F2B, s0  }
0xbd: {  	[sflag:s0] =	ssyncadd.remote.s32 $0x1  }
0xbe: {  	_ =	sfence.sel $0xFFFF  }
0xbf: {  	[dreg:$0x0] =	wrdreg $0xFFFFFFFF;
	(pc) =	sbr.abs _section_cstart, $3  }
0xc0: {  	[dreg:$0x1] =	wrdreg $0xFFFFFFFF  }
0xc1: {  	_ =	task.clear_ibuf [dreg:s6], $0x2FFFF;
	_ =	strace $0x9FFFFFFF  }
0xc2: {  	(tm) =	ssettm $0x7FFFFFFF  }
0xc3: {  	_ =	shalt  }
tec
execute0_lowered:
.L_overlay_start_1:
0x0: {  	(tag) =	ssettag $0x1  }
0x1: {  	s3 =	rddreg [dreg:$0x0]  }
0x2: {  	s1 =	rddreg [dreg:$0x1];
	s2 =	simm.s32 $0x0;
	s0 =	srdreg.scid  }
0x3: {  	s18 =	stileid.u32;
	s28 =	simm.s32 $0x180;
	s30 =	simm.s32 $0x2  }
0x4: {  	[smem:$0x7FF] =	sst s2;
	s5 =	sand.u32 $0x1, s0;
	s7 =	smul.u32 $0x280, s18  }
0x5: {  	s4 =	sadd.s32 $0x15600, s3;
	s8 =	sadd.s32 $0x3D600, s3;
	s31 =	smul.u32 $0x4E20, s18  }
0x6: {  	s12 =	sshll.u32 s18, $0x1;
	_ =	strace $0x8000004D;
	s10 =	smul.u32 $0x2800, s5  }
0x7: {  	s0 =	ssub.s32 $0x2, s5;
	s9 =	sor.u32 s5, s12;
	s5 =	smul.u32 $0x2710, s5  }
0x8: {  	s6 =	sshrl.u32 s0, $0x1;
	s11 =	sor.u32 $0x50, s7;
	s12 =	sadd.s32 $0xA0, s7  }
0x9: {  	s15 =	sadd.s32 $0xF0, s7;
	s16 =	sadd.s32 $0x140, s7;
	s17 =	sadd.s32 $0x190, s7  }
0xa: {  	s19 =	sadd.s32 $0x1E0, s7;
	s9 =	smul.u32 $0x2710, s9;
	s6 =	ssub.s32 s0, s6  }
0xb: {  	s0 =	sadd.s32 $0x230, s7;
	s7 =	sadd.s32 s10, s7;
	s13 =	sadd.s32 s10, s11  }
0xc: {  	s14 =	sadd.s32 s10, s12;
	s21 =	sadd.s32 s10, s15;
	s22 =	sadd.s32 s10, s16  }
0xd: {  	s23 =	sadd.s32 s10, s17;
	s26 =	sadd.s32 s10, s19;
	s5 =	sadd.s32 s5, s31  }
0xe: {  	s31 =	sshll.u32 s12, $0x4;
	s7 =	sshll.u32 s7, $0x4;
	s13 =	sshll.u32 s13, $0x4  }
0xf: {  	s14 =	sshll.u32 s14, $0x4;
	s10 =	sadd.s32 s10, s0;
	s9 =	sshrl.u32 s9, $0x3  }
0x10: {  	s7 =	sadd.s32 s8, s7;
	s13 =	sadd.s32 s8, s13;
	s20 =	sadd.s32 s8, s14  }
0x11: {  	s14 =	sshll.u32 s23, $0x4;
	s10 =	sshll.u32 s10, $0x4;
	[dreg:$0x3] =	wrdreg s7  }
0x12: {  	s23 =	smax.u32 s6, $0x1;
	s6 =	sshll.u32 s12, $0x7;
	[dreg:$0x4] =	wrdreg s13  }
0x13: {  	[dreg:$0x5] =	wrdreg s20;
	s7 =	sshll.u32 s21, $0x4;
	s13 =	sshll.u32 s22, $0x4  }
0x14: {  	s25 =	sadd.s32 s8, s14;
	s14 =	sadd.s32 s8, s10;
	s20 =	smul.u32 $0x50000, s18  }
0x15: {  	s22 =	smul.u32 $0x2800, s18;
	[dreg:$0xb] =	wrdreg s23;
	s12 =	sadd.s32 s6, s1  }
0x16: {  	s18 =	sshll.u32 s16, $0x4;
	s23 =	sshll.u32 s19, $0x4;
	[dreg:$0x8] =	wrdreg s25  }
0x17: {  	s7 =	sadd.s32 s8, s7;
	s24 =	sadd.s32 s8, s13;
	[dreg:$0xa] =	wrdreg s14  }
0x18: {  	s13 =	sadd.s32 $0xB800, s3;
	s25 =	sshll.u32 s11, $0x4;
	[dreg:$0x6] =	wrdreg s7  }
0x19: {  	[dreg:$0x7] =	wrdreg s24;
	s7 =	sshll.u32 s26, $0x4;
	s21 =	sshrl.u32 s20, $0x2  }
0x1a: {  	s24 =	sadd.s32 s4, s22;
	s26 =	sshll.u32 s11, $0x7;
	s20 =	sshll.u32 s16, $0x7  }
0x1b: {  	s22 =	sshll.u32 s17, $0x7;
	s7 =	sadd.s32 s8, s7;
	s8 =	sadd.s32 $0x1A00, s3  }
0x1c: {  	s14 =	sadd.s32 s21, s1;
	[dreg:$0xc] =	wrdreg s24;
	s3 =	sadd.s32 s4, s25  }
0x1d: {  	s11 =	sadd.s32 s26, s1;
	s21 =	sshll.u32 s17, $0x4;
	s29 =	sadd.s32 s22, s1  }
0x1e: {  	s24 =	sadd.s32 s4, s23;
	s25 =	sshll.u32 s19, $0x7;
	s26 =	sshll.u32 s0, $0x4  }
0x1f: {  	s0 =	sshll.u32 s0, $0x7;
	s19 =	sadd.s32 $0xA, s9;
	[dreg:$0x9] =	wrdreg s7  }
0x20: {  	s23 =	sadd.s32 $0xF0, s5;
	s17 =	simm.s32 $0x50;
	[dreg:$0xd] =	wrdreg s3  }
0x21: {  	s3 =	sadd.s32 s4, s31;
	s7 =	sshll.u32 s15, $0x4;
	[dreg:$0x12] =	wrdreg s24  }
0x22: {  	s15 =	sshll.u32 s15, $0x7;
	s16 =	sadd.s32 s8, s9;
	[dreg:$0x15] =	wrdreg s11  }
0x23: {  	s31 =	sadd.s32 s13, s9;
	s22 =	sadd.s32 s8, s19;
	[dreg:$0xe] =	wrdreg s3  }
0x24: {  	s24 =	sshrl.u32 s23, $0x3;
	s23 =	simm.s32 $0x2A00;
	[dreg:$0x18] =	wrdreg s22  }
0x25: {  	s10 =	sadd.s32 s4, s7;
	s3 =	sadd.s32 s4, s18;
	[dreg:$0x17] =	wrdreg s31  }
0x26: {  	s18 =	sadd.s32 s25, s1;
	s9 =	sadd.s32 s24, s13;
	[dreg:$0x16] =	wrdreg s16  }
0x27: {  	s25 =	sadd.s32 $0xA0, s5;
	[dreg:$0xf] =	wrdreg s10;
	s10 =	sadd.s32 s15, s1  }
0x28: {  	[dreg:$0x10] =	wrdreg s3;
	s15 =	sadd.s32 s20, s1;
	s3 =	sadd.s32 s4, s21  }
0x29: {  	s20 =	sadd.s32 s0, s1;
	s21 =	sadd.s32 $0x140, s5;
	[dreg:$0x1a] =	wrdreg s25  }
0x2a: {  	s0 =	sadd.s32 s13, s19;
	s19 =	simm.s32 $0x100;
	[dreg:$0x13] =	wrdreg s18  }
0x2b: {  	s25 =	simm.s32 $0x1;
	s5 =	simm.s32 $0x0;
	[dreg:$0x11] =	wrdreg s3  }
0x2c: {  	s3 =	sadd.s32 s4, s26;
	[dreg:$0x19] =	wrdreg s0;
	s6 =	smov.u32 s15  }
0x2d: {  	s26 =	sadd.s32 $0x4D8, s31;
	s31 =	sadd.s32 $0x14, s16;
	[dreg:$0x14] =	wrdreg s3  }
0x2e: {  	s15 =	simm.s32 $0x200;
	s16 =	simm.s32 $0x3;
	[dreg:$0x1b] =	wrdreg s26  }
0x2f: {  	s3 =	sshrl.u32 s21, $0x3;
	[dreg:$0x1c] =	wrdreg s31;
	s21 =	simm.s32 $0x80  }
0x30: {  	s7 =	sadd.s32 s3, s8;
	s3 =	smov.u32 s10;
	s8 =	sadd.s32 s24, s8  }
.LBB2_1:
0x31: {  	s0 =	rddreg [dreg:$0xc]  }
0x32: {  	[tilespmem:s15], [sflag:$0x3] =	stream.linear.gather [hbm4b:s0+s2], $0x2800, $0x38;
	[tilespmem:$0x19200] =	vst v63  }
0x33: {  	_ =	swait.ge [sflag:s16], $0x2800  }
0x34: {  	[sflag:s16] =	ssyncset.done $0x0  }
0x35: {  	[sflag:s16] =	ssyncadd.s32 $0xFFFFD800  }
0x36: {  	[spmem:s14] =	stream.linear.scatter [tilespmem:s15], [sflag:$0x3], $0x2800, $0x38;
	[tilespmem:$0x19200] =	vst v63  }
0x37: {  	_ =	swait.ge [sflag:s16], $0x2800  }
0x38: {  	s10 =	smov.u32 s18;
	[sflag:s16] =	ssyncset.done $0x0  }
0x39: {  	s18 =	smov.u32 s14;
	s14 =	rddreg [dreg:$0xd];
	[sflag:s16] =	ssyncadd.s32 $0xFFFFD800  }
0x3a: {  	[tilespmem:s15], [sflag:$0x3] =	stream.linear.gather [hbm4b:s14+s2], $0x2800, $0x38;
	[tilespmem:$0x19200] =	vst v63  }
0x3b: {  	_ =	swait.ge [sflag:s16], $0x2800  }
0x3c: {  	[sflag:s16] =	ssyncset.done $0x0  }
0x3d: {  	[sflag:s16] =	ssyncadd.s32 $0xFFFFD800  }
0x3e: {  	[spmem:s11] =	stream.linear.scatter [tilespmem:s15], [sflag:$0x3], $0x2800, $0x38;
	[tilespmem:$0x19200] =	vst v63  }
0x3f: {  	_ =	swait.ge [sflag:s16], $0x2800  }
0x40: {  	[sflag:s16] =	ssyncset.done $0x0  }
0x41: {  	s22 =	rddreg [dreg:$0xe];
	[sflag:s16] =	ssyncadd.s32 $0xFFFFD800  }
0x42: {  	[tilespmem:s15], [sflag:$0x3] =	stream.linear.gather [hbm4b:s22+s2], $0x2800, $0x38;
	[tilespmem:$0x19200] =	vst v63  }
0x43: {  	_ =	swait.ge [sflag:s16], $0x2800  }
0x44: {  	[sflag:s16] =	ssyncset.done $0x0  }
0x45: {  	[sflag:s16] =	ssyncadd.s32 $0xFFFFD800  }
0x46: {  	[spmem:s12] =	stream.linear.scatter [tilespmem:s15], [sflag:$0x3], $0x2800, $0x38;
	[tilespmem:$0x19200] =	vst v63  }
0x47: {  	_ =	swait.ge [sflag:s16], $0x2800  }
0x48: {  	[sflag:s16] =	ssyncset.done $0x0  }
0x49: {  	s24 =	rddreg [dreg:$0xf];
	[sflag:s16] =	ssyncadd.s32 $0xFFFFD800  }
0x4a: {  	[tilespmem:s15], [sflag:$0x3] =	stream.linear.gather [hbm4b:s24+s2], $0x2800, $0x38;
	[tilespmem:$0x19200] =	vst v63  }
0x4b: {  	_ =	swait.ge [sflag:s16], $0x2800  }
0x4c: {  	[sflag:s16] =	ssyncset.done $0x0  }
0x4d: {  	[sflag:s16] =	ssyncadd.s32 $0xFFFFD800  }
0x4e: {  	[spmem:s3] =	stream.linear.scatter [tilespmem:s15], [sflag:$0x3], $0x2800, $0x38;
	[tilespmem:$0x19200] =	vst v63  }
0x4f: {  	_ =	swait.ge [sflag:s16], $0x2800  }
0x50: {  	[sflag:s16] =	ssyncset.done $0x0  }
0x51: {  	s26 =	rddreg [dreg:$0x10];
	[sflag:s16] =	ssyncadd.s32 $0xFFFFD800  }
0x52: {  	[tilespmem:s15], [sflag:$0x3] =	stream.linear.gather [hbm4b:s26+s2], $0x2800, $0x38;
	[tilespmem:$0x19200] =	vst v63  }
0x53: {  	_ =	swait.ge [sflag:s16], $0x2800  }
0x54: {  	[sflag:s16] =	ssyncset.done $0x0  }
0x55: {  	[sflag:s16] =	ssyncadd.s32 $0xFFFFD800  }
0x56: {  	[spmem:s6] =	stream.linear.scatter [tilespmem:s15], [sflag:$0x3], $0x2800, $0x38;
	[tilespmem:$0x19200] =	vst v63  }
0x57: {  	_ =	swait.ge [sflag:s16], $0x2800  }
0x58: {  	[sflag:s16] =	ssyncset.done $0x0  }
0x59: {  	s24 =	smov.u32 s3;
	s3 =	rddreg [dreg:$0x11];
	[sflag:s16] =	ssyncadd.s32 $0xFFFFD800  }
0x5a: {  	[tilespmem:s15], [sflag:$0x3] =	stream.linear.gather [hbm4b:s3+s2], $0x2800, $0x38;
	[tilespmem:$0x19200] =	vst v63  }
0x5b: {  	_ =	swait.ge [sflag:s16], $0x2800  }
0x5c: {  	[sflag:s16] =	ssyncset.done $0x0  }
0x5d: {  	[sflag:s16] =	ssyncadd.s32 $0xFFFFD800  }
0x5e: {  	[spmem:s29] =	stream.linear.scatter [tilespmem:s15], [sflag:$0x3], $0x2800, $0x38;
	[tilespmem:$0x19200] =	vst v63  }
0x5f: {  	_ =	swait.ge [sflag:s16], $0x2800  }
0x60: {  	[sflag:s16] =	ssyncset.done $0x0  }
0x61: {  	s26 =	smov.u32 s6;
	s6 =	rddreg [dreg:$0x12];
	[sflag:s16] =	ssyncadd.s32 $0xFFFFD800  }
0x62: {  	[tilespmem:s15], [sflag:$0x3] =	stream.linear.gather [hbm4b:s6+s2], $0x2800, $0x38;
	[tilespmem:$0x19200] =	vst v63  }
0x63: {  	_ =	swait.ge [sflag:s16], $0x2800  }
0x64: {  	[sflag:s16] =	ssyncset.done $0x0  }
0x65: {  	[sflag:s16] =	ssyncadd.s32 $0xFFFFD800  }
0x66: {  	[spmem:s10] =	stream.linear.scatter [tilespmem:s15], [sflag:$0x3], $0x2800, $0x38;
	[tilespmem:$0x19200] =	vst v63  }
0x67: {  	_ =	swait.ge [sflag:s16], $0x2800  }
0x68: {  	[sflag:s16] =	ssyncset.done $0x0  }
0x69: {  	s10 =	rddreg [dreg:$0x14];
	[sflag:s16] =	ssyncadd.s32 $0xFFFFD800  }
0x6a: {  	[tilespmem:s15], [sflag:$0x3] =	stream.linear.gather [hbm4b:s10+s2], $0x2800, $0x38;
	[tilespmem:$0x19200] =	vst v63  }
0x6b: {  	_ =	swait.ge [sflag:s16], $0x2800  }
0x6c: {  	[sflag:s16] =	ssyncset.done $0x0  }
0x6d: {  	[sflag:s16] =	ssyncadd.s32 $0xFFFFD800  }
0x6e: {  	[spmem:s20] =	stream.linear.scatter [tilespmem:s15], [sflag:$0x3], $0x2800, $0x38;
	[tilespmem:$0x19200] =	vst v63  }
0x6f: {  	_ =	swait.ge [sflag:s16], $0x2800  }
0x70: {  	[sflag:s16] =	ssyncset.done $0x0  }
0x71: {  	s11 =	rddreg [dreg:$0x16];
	[sflag:s16] =	ssyncadd.s32 $0xFFFFD800  }
0x72: {  	[tilespmem:s2], [sflag:$0x3] =	stream.linear.gather [hbm4b:s11+s2], $0x50, $0x38;
	[tilespmem:$0x19200] =	vst v63  }
0x73: {  	_ =	swait.ge [sflag:s16], $0x50  }
0x74: {  	[sflag:s16] =	ssyncset.done $0x0  }
0x75: {  	[sflag:s16] =	ssyncadd.s32 $0xFFFFFFB0  }
0x76: {  	[tilespmem:s15], [sflag:$0x1] =	stream.indirect.gather [hbm4b:s4+s17], $0x80, s2, s17, $0xb8;
	[tilespmem:$0x19200] =	vst v63  }
0x77: {  	[bflag:$0x0] =	sbarrier.arrive $0xFFFF  }
0x78: {  	s22 =	smov.u32 s12;
	s12 =	rddreg [dreg:$0x17]  }
0x79: {  	[tilespmem:s19], [sflag:$0x3] =	stream.linear.gather [hbm4b:s12+s2], $0x50, $0x38;
	[tilespmem:$0x19200] =	vst v63  }
0x7a: {  	_ =	swait.ge [sflag:s16], $0x50  }
0x7b: {  	[sflag:s16] =	ssyncset.done $0x0  }
0x7c: {  	s14 =	rddreg [dreg:$0x18];
	[sflag:s16] =	ssyncadd.s32 $0xFFFFFFB0  }
0x7d: {  	[tilespmem:s21], [sflag:$0x3] =	stream.linear.gather [hbm4b:s14+s2], $0x50, $0x38;
	[tilespmem:$0x19200] =	vst v63  }
0x7e: {  	_ =	swait.ge [sflag:s16], $0x50  }
0x7f: {  	[sflag:s16] =	ssyncset.done $0x0  }
0x80: {  	[sflag:s16] =	ssyncadd.s32 $0xFFFFFFB0  }
0x81: {  	[tilespmem:s23], [sflag:$0x1] =	stream.indirect.gather [hbm4b:s4+s17], $0x80, s21, s17, $0xb8;
	[tilespmem:$0x19200] =	vst v63  }
0x82: {  	_ =	swait.ge [sflag:s25], $0x2800  }
0x83: {  	[sflag:s25] =	ssyncset.done $0x0  }
0x84: {  	[sflag:s25] =	ssyncadd.s32 $0xFFFFD800  }
0x85: {  	[spmem:s1] =	stream.indirect.scatter.add.f32 [tilespmem:s15], [sflag:$0x2], $0x80, s19, s17, $0xb8;
	[tilespmem:$0x19200] =	vst v63  }
0x86: {  	s31 =	smov.u32 s29;
	s29 =	rddreg [dreg:$0x19]  }
0x87: {  	[tilespmem:s28], [sflag:$0x3] =	stream.linear.gather [hbm4b:s29+s2], $0x50, $0x38;
	[tilespmem:$0x19200] =	vst v63  }
0x88: {  	_ =	swait.ge [sflag:s16], $0x50  }
0x89: {  	[sflag:s16] =	ssyncset.done $0x0  }
0x8a: {  	s3 =	rddreg [dreg:$0x1c];
	[sflag:s16] =	ssyncadd.s32 $0xFFFFFFB0  }
0x8b: {  	[tilespmem:s2], [sflag:$0x3] =	stream.linear.gather [hbm4b:s3+s2], $0x50, $0x38;
	[tilespmem:$0x19200] =	vst v63  }
0x8c: {  	_ =	swait.ge [sflag:s16], $0x50  }
0x8d: {  	[sflag:s16] =	ssyncset.done $0x0  }
0x8e: {  	[sflag:s16] =	ssyncadd.s32 $0xFFFFFFB0  }
0x8f: {  	_ =	swait.ge [sflag:s30], $0x2800  }
0x90: {  	[sflag:s30] =	ssyncset.done $0x0  }
0x91: {  	[sflag:s30] =	ssyncadd.s32 $0xFFFFD800  }
0x92: {  	[tilespmem:s15], [sflag:$0x1] =	stream.indirect.gather [hbm4b:s4+s17], $0x80, s2, s17, $0xb8;
	[tilespmem:$0x19200] =	vst v63  }
0x93: {  	_ =	swait.ge [sflag:s25], $0x2800  }
0x94: {  	[sflag:s25] =	ssyncset.done $0x0;
	s6 =	rddreg [dreg:$0x1a]  }
0x95: {  	[sflag:s25] =	ssyncadd.s32 $0xFFFFD800;
	s10 =	sshrl.u32 s6, $0x3  }
0x96: {  	[spmem:s1] =	stream.indirect.scatter.add.f32 [tilespmem:s23], [sflag:$0x2], $0x80, s28, s17, $0xb8;
	[tilespmem:$0x19200] =	vst v63  }
0x97: {  	s0 =	sadd.s32 s13, s10  }
0x98: {  	[tilespmem:s19], [sflag:$0x3] =	stream.linear.gather [hbm4b:s0+s2], $0x50, $0x38;
	[tilespmem:$0x19200] =	vst v63  }
0x99: {  	_ =	swait.ge [sflag:s16], $0x50  }
0x9a: {  	[sflag:s16] =	ssyncset.done $0x0  }
0x9b: {  	[sflag:s16] =	ssyncadd.s32 $0xFFFFFFB0  }
0x9c: {  	_ =	swait.ge [sflag:s30], $0x2800  }
0x9d: {  	[sflag:s30] =	ssyncset.done $0x0  }
0x9e: {  	s11 =	sadd.s32 $0x0, s8;
	[sflag:s30] =	ssyncadd.s32 $0xFFFFD800  }
0x9f: {  	[tilespmem:s21], [sflag:$0x3] =	stream.linear.gather [hbm4b:s11+s2], $0x50, $0x38;
	[tilespmem:$0x19200] =	vst v63  }
0xa0: {  	_ =	swait.ge [sflag:s16], $0x50  }
0xa1: {  	[sflag:s16] =	ssyncset.done $0x0  }
0xa2: {  	[sflag:s16] =	ssyncadd.s32 $0xFFFFFFB0  }
0xa3: {  	[tilespmem:s23], [sflag:$0x1] =	stream.indirect.gather [hbm4b:s4+s17], $0x80, s21, s17, $0xb8;
	[tilespmem:$0x19200] =	vst v63  }
0xa4: {  	_ =	swait.ge [sflag:s25], $0x2800  }
0xa5: {  	[sflag:s25] =	ssyncset.done $0x0  }
0xa6: {  	[sflag:s25] =	ssyncadd.s32 $0xFFFFD800  }
0xa7: {  	[spmem:s1] =	stream.indirect.scatter.add.f32 [tilespmem:s15], [sflag:$0x2], $0x80, s19, s17, $0xb8;
	[tilespmem:$0x19200] =	vst v63  }
0xa8: {  	s12 =	sadd.s32 $0x0, s9  }
0xa9: {  	[tilespmem:s28], [sflag:$0x3] =	stream.linear.gather [hbm4b:s12+s2], $0x50, $0x38;
	[tilespmem:$0x19200] =	vst v63  }
0xaa: {  	_ =	swait.ge [sflag:s16], $0x50  }
0xab: {  	[sflag:s16] =	ssyncset.done $0x0  }
0xac: {  	s14 =	sadd.s32 $0x0, s7;
	[sflag:s16] =	ssyncadd.s32 $0xFFFFFFB0  }
0xad: {  	[tilespmem:s2], [sflag:$0x3] =	stream.linear.gather [hbm4b:s14+s2], $0x50, $0x38;
	[tilespmem:$0x19200] =	vst v63  }
0xae: {  	_ =	swait.ge [sflag:s16], $0x50  }
0xaf: {  	[sflag:s16] =	ssyncset.done $0x0  }
0xb0: {  	[sflag:s16] =	ssyncadd.s32 $0xFFFFFFB0  }
0xb1: {  	_ =	swait.ge [sflag:s30], $0x2800  }
0xb2: {  	[sflag:s30] =	ssyncset.done $0x0  }
0xb3: {  	[sflag:s30] =	ssyncadd.s32 $0xFFFFD800  }
0xb4: {  	[tilespmem:s15], [sflag:$0x1] =	stream.indirect.gather [hbm4b:s4+s17], $0x80, s2, s17, $0xb8;
	[tilespmem:$0x19200] =	vst v63  }
0xb5: {  	s3 =	simm.s32 $0x28;
	_ =	swait.ge [sflag:s25], $0x2800  }
0xb6: {  	s29 =	sadd.s32 $0xA0, s6;
	s6 =	simm.s32 $0x14;
	[sflag:s25] =	ssyncset.done $0x0  }
0xb7: {  	s0 =	sshrl.u32 s29, $0x3;
	s11 =	sadd.s32 $0xA0, s29;
	[sflag:s25] =	ssyncadd.s32 $0xFFFFD800  }
.LBB2_2:
0xb8: {  	[spmem:s1] =	stream.indirect.scatter.add.f32 [tilespmem:s23], [sflag:$0x2], $0x80, s28, s17, $0xb8;
	[tilespmem:$0x19200] =	vst v63  }
0xb9: {  	p0 =	sne.s32 s3, $0x4B0;
	s12 =	sadd.s32 s13, s0;
	s0 =	sshrl.u32 s11, $0x3  }
0xba: {  	[tilespmem:s19], [sflag:$0x3] =	stream.linear.gather [hbm4b:s12+s2], $0x50, $0x38;
	[tilespmem:$0x19200] =	vst v63  }
0xbb: {  	s12 =	smov.u32 s3;
	s3 =	sadd.s32 $0x14, s3;
	_ =	swait.ge [sflag:s16], $0x50  }
0xbc: {  	[sflag:s16] =	ssyncset.done $0x0  }
0xbd: {  	[sflag:s16] =	ssyncadd.s32 $0xFFFFFFB0  }
0xbe: {  	_ =	swait.ge [sflag:s30], $0x2800  }
0xbf: {  	[sflag:s30] =	ssyncset.done $0x0  }
0xc0: {  	s14 =	sadd.s32 s6, s8;
	[sflag:s30] =	ssyncadd.s32 $0xFFFFD800  }
0xc1: {  	[tilespmem:s21], [sflag:$0x3] =	stream.linear.gather [hbm4b:s14+s2], $0x50, $0x38;
	[tilespmem:$0x19200] =	vst v63  }
0xc2: {  	_ =	swait.ge [sflag:s16], $0x50  }
0xc3: {  	[sflag:s16] =	ssyncset.done $0x0  }
0xc4: {  	[sflag:s16] =	ssyncadd.s32 $0xFFFFFFB0  }
0xc5: {  	[tilespmem:s23], [sflag:$0x1] =	stream.indirect.gather [hbm4b:s4+s17], $0x80, s21, s17, $0xb8;
	[tilespmem:$0x19200] =	vst v63  }
0xc6: {  	_ =	swait.ge [sflag:s25], $0x2800  }
0xc7: {  	[sflag:s25] =	ssyncset.done $0x0  }
0xc8: {  	[sflag:s25] =	ssyncadd.s32 $0xFFFFD800  }
0xc9: {  	[spmem:s1] =	stream.indirect.scatter.add.f32 [tilespmem:s15], [sflag:$0x2], $0x80, s19, s17, $0xb8;
	[tilespmem:$0x19200] =	vst v63  }
0xca: {  	s14 =	sadd.s32 s6, s9  }
0xcb: {  	[tilespmem:s28], [sflag:$0x3] =	stream.linear.gather [hbm4b:s14+s2], $0x50, $0x38;
	[tilespmem:$0x19200] =	vst v63  }
0xcc: {  	_ =	swait.ge [sflag:s16], $0x50  }
0xcd: {  	[sflag:s16] =	ssyncset.done $0x0  }
0xce: {  	s14 =	sadd.s32 s6, s7;
	s6 =	smov.u32 s12;
	[sflag:s16] =	ssyncadd.s32 $0xFFFFFFB0  }
0xcf: {  	[tilespmem:s2], [sflag:$0x3] =	stream.linear.gather [hbm4b:s14+s2], $0x50, $0x38;
	[tilespmem:$0x19200] =	vst v63  }
0xd0: {  	_ =	swait.ge [sflag:s16], $0x50  }
0xd1: {  	[sflag:s16] =	ssyncset.done $0x0  }
0xd2: {  	[sflag:s16] =	ssyncadd.s32 $0xFFFFFFB0  }
0xd3: {  	_ =	swait.ge [sflag:s30], $0x2800  }
0xd4: {  	[sflag:s30] =	ssyncset.done $0x0  }
.Ltmp0:
0xd5: {  	[sflag:s30] =	ssyncadd.s32 $0xFFFFD800;
	(pc) =	sbr.rel @p0 .LBB2_2-.Ltmp0, $4  }
0xd6: {  	[tilespmem:s15], [sflag:$0x1] =	stream.indirect.gather [hbm4b:s4+s17], $0x80, s2, s17, $0xb8;
	[tilespmem:$0x19200] =	vst v63  }
0xd7: {  	_ =	swait.ge [sflag:s25], $0x2800  }
0xd8: {  	[sflag:s25] =	ssyncset.done $0x0  }
0xd9: {  	s11 =	sadd.s32 $0xA0, s11;
	[sflag:s25] =	ssyncadd.s32 $0xFFFFD800  }
0xda: {  	[spmem:s1] =	stream.indirect.scatter.add.f32 [tilespmem:s23], [sflag:$0x2], $0x80, s28, s17, $0xb8;
	[tilespmem:$0x19200] =	vst v63  }
0xdb: {  	s0 =	sadd.s32 s13, s0  }
0xdc: {  	[tilespmem:s19], [sflag:$0x3] =	stream.linear.gather [hbm4b:s0+s2], $0x50, $0x38;
	[tilespmem:$0x19200] =	vst v63  }
0xdd: {  	_ =	swait.ge [sflag:s16], $0x50  }
0xde: {  	[sflag:s16] =	ssyncset.done $0x0  }
0xdf: {  	[sflag:s16] =	ssyncadd.s32 $0xFFFFFFB0  }
0xe0: {  	_ =	swait.ge [sflag:s30], $0x2800  }
0xe1: {  	[sflag:s30] =	ssyncset.done $0x0  }
0xe2: {  	s10 =	sadd.s32 s6, s8;
	[sflag:s30] =	ssyncadd.s32 $0xFFFFD800  }
0xe3: {  	[tilespmem:s21], [sflag:$0x3] =	stream.linear.gather [hbm4b:s10+s2], $0x50, $0x38;
	[tilespmem:$0x19200] =	vst v63  }
0xe4: {  	_ =	swait.ge [sflag:s16], $0x50  }
0xe5: {  	[sflag:s16] =	ssyncset.done $0x0  }
0xe6: {  	[sflag:s16] =	ssyncadd.s32 $0xFFFFFFB0  }
0xe7: {  	[tilespmem:s23], [sflag:$0x1] =	stream.indirect.gather [hbm4b:s4+s17], $0x80, s21, s17, $0xb8;
	[tilespmem:$0x19200] =	vst v63  }
0xe8: {  	_ =	swait.ge [sflag:s25], $0x2800  }
0xe9: {  	[sflag:s25] =	ssyncset.done $0x0  }
0xea: {  	[sflag:s25] =	ssyncadd.s32 $0xFFFFD800  }
0xeb: {  	[spmem:s1] =	stream.indirect.scatter.add.f32 [tilespmem:s15], [sflag:$0x2], $0x80, s19, s17, $0xb8;
	[tilespmem:$0x19200] =	vst v63  }
0xec: {  	s11 =	sadd.s32 s6, s9  }
0xed: {  	[tilespmem:s28], [sflag:$0x3] =	stream.linear.gather [hbm4b:s11+s2], $0x50, $0x38;
	[tilespmem:$0x19200] =	vst v63  }
0xee: {  	_ =	swait.ge [sflag:s16], $0x50  }
0xef: {  	[sflag:s16] =	ssyncset.done $0x0  }
0xf0: {  	s12 =	sadd.s32 s6, s7;
	[sflag:s16] =	ssyncadd.s32 $0xFFFFFFB0  }
0xf1: {  	[tilespmem:s2], [sflag:$0x3] =	stream.linear.gather [hbm4b:s12+s2], $0x50, $0x38;
	[tilespmem:$0x19200] =	vst v63  }
0xf2: {  	_ =	swait.ge [sflag:s16], $0x50  }
0xf3: {  	[sflag:s16] =	ssyncset.done $0x0  }
0xf4: {  	[sflag:s16] =	ssyncadd.s32 $0xFFFFFFB0  }
0xf5: {  	_ =	swait.ge [sflag:s30], $0x2800  }
0xf6: {  	[sflag:s30] =	ssyncset.done $0x0  }
0xf7: {  	[sflag:s30] =	ssyncadd.s32 $0xFFFFD800  }
0xf8: {  	[tilespmem:s15], [sflag:$0x1] =	stream.indirect.gather [hbm4b:s4+s17], $0x80, s2, s17, $0xb8;
	[tilespmem:$0x19200] =	vst v63  }
0xf9: {  	_ =	swait.ge [sflag:s25], $0x2800  }
0xfa: {  	[sflag:s25] =	ssyncset.done $0x0  }
0xfb: {  	[sflag:s25] =	ssyncadd.s32 $0xFFFFD800  }
0xfc: {  	[spmem:s1] =	stream.indirect.scatter.add.f32 [tilespmem:s23], [sflag:$0x2], $0x80, s28, s17, $0xb8;
	[tilespmem:$0x19200] =	vst v63  }
0xfd: {  	s14 =	rddreg [dreg:$0x1b]  }
0xfe: {  	[tilespmem:s19], [sflag:$0x3] =	stream.linear.gather [hbm4b:s14+s2], $0x50, $0x38;
	[tilespmem:$0x19200] =	vst v63  }
0xff: {  	_ =	swait.ge [sflag:s16], $0x50  }
0x100: {  	[sflag:s16] =	ssyncset.done $0x0  }
0x101: {  	[sflag:s16] =	ssyncadd.s32 $0xFFFFFFB0  }
0x102: {  	_ =	swait.ge [sflag:s30], $0x2800  }
0x103: {  	[sflag:s30] =	ssyncset.done $0x0  }
0x104: {  	[sflag:s30] =	ssyncadd.s32 $0xFFFFD800  }
0x105: {  	_ =	swait.ge [sflag:s25], $0x2800  }
0x106: {  	[sflag:s25] =	ssyncset.done $0x0  }
0x107: {  	[sflag:s25] =	ssyncadd.s32 $0xFFFFD800  }
0x108: {  	[spmem:s1] =	stream.indirect.scatter.add.f32 [tilespmem:s15], [sflag:$0x2], $0x80, s19, s17, $0xb8;
	[tilespmem:$0x19200] =	vst v63  }
0x109: {  	_ =	swait.ge [sflag:s30], $0x2800  }
0x10a: {  	[sflag:s30] =	ssyncset.done $0x0  }
0x10b: {  	[sflag:s30] =	ssyncadd.s32 $0xFFFFD800  }
0x10c: {  	[bflag:$0x0] =	sbarrier.arrive $0xFFFF  }
0x10d: {  	[tilespmem:s15], [sflag:$0x3] =	stream.linear.gather [spmem:s18], $0x2800, $0x38;
	[tilespmem:$0x19200] =	vst v63  }
0x10e: {  	_ =	swait.ge [sflag:s16], $0x2800  }
0x10f: {  	[sflag:s16] =	ssyncset.done $0x0  }
0x110: {  	s14 =	smov.u32 s18;
	s18 =	rddreg [dreg:$0x3];
	[sflag:s16] =	ssyncadd.s32 $0xFFFFD800  }
0x111: {  	[hbm4b:s18+s2] =	stream.linear.scatter [tilespmem:s15], [sflag:$0x3], $0x2800, $0x38;
	[tilespmem:$0x19200] =	vst v63  }
0x112: {  	_ =	swait.ge [sflag:s16], $0x2800  }
0x113: {  	[sflag:s16] =	ssyncset.done $0x0  }
0x114: {  	s11 =	rddreg [dreg:$0x15];
	[sflag:s16] =	ssyncadd.s32 $0xFFFFD800  }
0x115: {  	[tilespmem:s15], [sflag:$0x3] =	stream.linear.gather [spmem:s11], $0x2800, $0x38;
	[tilespmem:$0x19200] =	vst v63  }
0x116: {  	_ =	swait.ge [sflag:s16], $0x2800  }
0x117: {  	[sflag:s16] =	ssyncset.done $0x0  }
0x118: {  	s3 =	rddreg [dreg:$0x4];
	[sflag:s16] =	ssyncadd.s32 $0xFFFFD800  }
0x119: {  	[hbm4b:s3+s2] =	stream.linear.scatter [tilespmem:s15], [sflag:$0x3], $0x2800, $0x38;
	[tilespmem:$0x19200] =	vst v63  }
0x11a: {  	_ =	swait.ge [sflag:s16], $0x2800  }
0x11b: {  	[sflag:s16] =	ssyncset.done $0x0  }
0x11c: {  	[sflag:s16] =	ssyncadd.s32 $0xFFFFD800  }
0x11d: {  	[tilespmem:s15], [sflag:$0x3] =	stream.linear.gather [spmem:s22], $0x2800, $0x38;
	[tilespmem:$0x19200] =	vst v63  }
0x11e: {  	_ =	swait.ge [sflag:s16], $0x2800  }
0x11f: {  	[sflag:s16] =	ssyncset.done $0x0  }
0x120: {  	s6 =	rddreg [dreg:$0x5];
	[sflag:s16] =	ssyncadd.s32 $0xFFFFD800  }
0x121: {  	[hbm4b:s6+s2] =	stream.linear.scatter [tilespmem:s15], [sflag:$0x3], $0x2800, $0x38;
	[tilespmem:$0x19200] =	vst v63  }
0x122: {  	_ =	swait.ge [sflag:s16], $0x2800  }
0x123: {  	[sflag:s16] =	ssyncset.done $0x0  }
0x124: {  	[sflag:s16] =	ssyncadd.s32 $0xFFFFD800  }
0x125: {  	[tilespmem:s15], [sflag:$0x3] =	stream.linear.gather [spmem:s24], $0x2800, $0x38;
	[tilespmem:$0x19200] =	vst v63  }
0x126: {  	_ =	swait.ge [sflag:s16], $0x2800  }
0x127: {  	[sflag:s16] =	ssyncset.done $0x0  }
0x128: {  	s10 =	rddreg [dreg:$0x6];
	[sflag:s16] =	ssyncadd.s32 $0xFFFFD800  }
0x129: {  	[hbm4b:s10+s2] =	stream.linear.scatter [tilespmem:s15], [sflag:$0x3], $0x2800, $0x38;
	[tilespmem:$0x19200] =	vst v63  }
0x12a: {  	_ =	swait.ge [sflag:s16], $0x2800  }
0x12b: {  	[sflag:s16] =	ssyncset.done $0x0  }
0x12c: {  	[sflag:s16] =	ssyncadd.s32 $0xFFFFD800  }
0x12d: {  	[tilespmem:s15], [sflag:$0x3] =	stream.linear.gather [spmem:s26], $0x2800, $0x38;
	[tilespmem:$0x19200] =	vst v63  }
0x12e: {  	_ =	swait.ge [sflag:s16], $0x2800  }
0x12f: {  	[sflag:s16] =	ssyncset.done $0x0  }
0x130: {  	s18 =	rddreg [dreg:$0x7];
	[sflag:s16] =	ssyncadd.s32 $0xFFFFD800  }
0x131: {  	[hbm4b:s18+s2] =	stream.linear.scatter [tilespmem:s15], [sflag:$0x3], $0x2800, $0x38;
	[tilespmem:$0x19200] =	vst v63  }
0x132: {  	_ =	swait.ge [sflag:s16], $0x2800  }
0x133: {  	[sflag:s16] =	ssyncset.done $0x0  }
0x134: {  	[sflag:s16] =	ssyncadd.s32 $0xFFFFD800  }
0x135: {  	[tilespmem:s15], [sflag:$0x3] =	stream.linear.gather [spmem:s31], $0x2800, $0x38;
	[tilespmem:$0x19200] =	vst v63  }
0x136: {  	_ =	swait.ge [sflag:s16], $0x2800  }
0x137: {  	[sflag:s16] =	ssyncset.done $0x0  }
0x138: {  	s12 =	smov.u32 s22;
	s22 =	rddreg [dreg:$0x8];
	[sflag:s16] =	ssyncadd.s32 $0xFFFFD800  }
0x139: {  	[hbm4b:s22+s2] =	stream.linear.scatter [tilespmem:s15], [sflag:$0x3], $0x2800, $0x38;
	[tilespmem:$0x19200] =	vst v63  }
0x13a: {  	_ =	swait.ge [sflag:s16], $0x2800  }
0x13b: {  	[sflag:s16] =	ssyncset.done $0x0  }
0x13c: {  	s18 =	rddreg [dreg:$0x13];
	[sflag:s16] =	ssyncadd.s32 $0xFFFFD800  }
0x13d: {  	[tilespmem:s15], [sflag:$0x3] =	stream.linear.gather [spmem:s18], $0x2800, $0x38;
	[tilespmem:$0x19200] =	vst v63  }
0x13e: {  	_ =	swait.ge [sflag:s16], $0x2800  }
0x13f: {  	[sflag:s16] =	ssyncset.done $0x0  }
0x140: {  	s3 =	smov.u32 s24;
	s24 =	rddreg [dreg:$0x9];
	[sflag:s16] =	ssyncadd.s32 $0xFFFFD800  }
0x141: {  	[hbm4b:s24+s2] =	stream.linear.scatter [tilespmem:s15], [sflag:$0x3], $0x2800, $0x38;
	[tilespmem:$0x19200] =	vst v63  }
0x142: {  	_ =	swait.ge [sflag:s16], $0x2800  }
0x143: {  	[sflag:s16] =	ssyncset.done $0x0  }
0x144: {  	[sflag:s16] =	ssyncadd.s32 $0xFFFFD800  }
0x145: {  	[tilespmem:s15], [sflag:$0x3] =	stream.linear.gather [spmem:s20], $0x2800, $0x38;
	[tilespmem:$0x19200] =	vst v63  }
0x146: {  	_ =	swait.ge [sflag:s16], $0x2800  }
0x147: {  	[sflag:s16] =	ssyncset.done $0x0  }
0x148: {  	s6 =	smov.u32 s26;
	s26 =	rddreg [dreg:$0xa];
	[sflag:s16] =	ssyncadd.s32 $0xFFFFD800  }
0x149: {  	[hbm4b:s26+s2] =	stream.linear.scatter [tilespmem:s15], [sflag:$0x3], $0x2800, $0x38;
	[tilespmem:$0x19200] =	vst v63  }
0x14a: {  	_ =	swait.ge [sflag:s16], $0x2800  }
0x14b: {  	s29 =	smov.u32 s31;
	s5 =	sadd.s32 $0x1, s5;
	s31 =	rddreg [dreg:$0xb]  }
0x14c: {  	p0 =	sne.s32 s5, s31  }
.Ltmp1:
0x14d: {  	_ = 	snop;
	(pc) =	sbr.rel @p0 .LBB2_1-.Ltmp1, $3  }
0x14e: {  	_ =	sdelay $0x1  }
0x14f: {  	[sflag:s16] =	ssyncset.done $0x0  }
0x150: {  	[sflag:s16] =	ssyncadd.s32 $0xFFFFD800  }
0x151: {  	_ =	sfence.sel $0x180000  }
0x152: {  	[bflag:$0x0] =	sbarrier.arrive $0xFFFF  }
0x153: {  	_ =	strace $0x9000004D  }
0x154: {  	s0 =	stileid.u32;
	[bflag:$0x2] =	sbarrier.arrive $0xFFFF  }
0x155: {  	p0 =	sne.s32 s0, $0x0;
	s0 =	rddreg [dreg:$0x2]  }
0x156: {  	s0 =	sadd.s32 @!p0 $0x100000, s0  }
0x157: {  	[sflag:s0] =	ssyncadd.tile.s32 @!p0 $0x1;
	_ =	shalt  }
.Lfunc_end2:
_tile_overlayer_lowered:
.L_overlay_start_2:
0x158: {  	(tag) =	ssettag $0x2  }
0x159: {  	s0 =	rddreg [dreg:$0x0];
	s2 =	stileid.u32  }
0x15a: {  	s1 =	rddreg [dreg:$0x1];
	p0 =	sne.s32 s2, $0x0  }
0x15b: {  	s3 =	rddreg [dreg:$0x2];
	[bflag:$0x3] =	sbarrier.arrive $0xFFFF;
	s2 =	simm.s32 @!p0 $0x1C03  }
0x15c: {  	[timem:s3], [sflag:s2] =	dma.local @!p0 [hbm:s0], s1  }
0x15d: {  	s0 =	simm.s32 @!p0 $0x3  }
0x15e: {  	_ =	swait.ge @!p0 [sflag:s0], s1  }
0x15f: {  	s1 =	ssub.s32 @!p0 $0x0, s1;
	[sflag:s0] =	ssyncset.done @!p0 $0x0  }
0x160: {  	[sflag:s0] =	ssyncadd.s32 @!p0 s1  }
0x161: {  	[bflag:$0x3] =	sbarrier.arrive $0xFFFF  }
0x162: {  	_ =	shalt  }

// kernel: kernel.8.cloned.1.call-start
scs
__scs_entry_jumppad:
0x0: {  	(pc) =	sbr.rel $0x88, $3  }
0x1: {  	(tag) =	ssettag $0x0;
	lr =	simm.s32 $0x1  }
0x2: {  	[smem:$0x3F99] =	sst lr;
	_ =	strace $0xD0000000  }
0x3: {  	_ = 	snop  }
0x4: {  	_ = 	snop  }
0x5: {  	_ = 	snop  }
0x6: {  	_ = 	snop  }
0x7: {  	_ = 	snop  }
__scs_overlays_trampoline_lowered:
0x8: {  	[smem:$0x3FA8] =	sst s0  }
0x9: {  	[smem:$0x3FA9] =	sst s1  }
0xa: {  	[smem:$0x3FAA] =	sst s2  }
0xb: {  	[smem:$0x3FAB] =	sst s3  }
0xc: {  	[smem:$0x3FAC] =	sst s4  }
0xd: {  	[smem:$0x3FAD] =	sst s5  }
0xe: {  	[smem:$0x3FAE] =	sst s6  }
0xf: {  	[smem:$0x3FAF] =	sst s7  }
0x10: {  	[smem:$0x3FB0] =	sst s8  }
0x11: {  	[smem:$0x3FB1] =	sst s9;
	s0 =	simm.s32 @!p0 $0x0  }
0x12: {  	s1 =	sld [smem:$0x3F97];
	s0 =	simm.s32 @p0 $0x1  }
0x13: {  	[smem:$0x3FB2] =	sst s0;
	s0 =	simm.s32 @!p1 $0x0  }
0x14: {  	s2 =	sld [smem:$0x3F96];
	s0 =	simm.s32 @p1 $0x1  }
0x15: {  	[smem:$0x3FB3] =	sst s0;
	s0 =	simm.s32 @!p2 $0x0  }
0x16: {  	s3 =	sld [smem:$0x3FDB];
	s0 =	simm.s32 @p2 $0x1  }
0x17: {  	s4 =	simm.s32 $0x1BF5;
	[smem:$0x3FB5] =	sst s0  }
0x18: {  	s0 =	sld [smem:$0x3F98];
	_ =	swait.ge [sflag:s4], $0x0  }
0x19: {  	s7 =	sld [smem:$0x3F99]  }
0x1a: {  	s8 =	sadd.s32 $0xFFFFE003, lr  }
0x1b: {  	s9 =	sadd.s32 $0xFFFFFEF7, lr;
	s5 =	simm.s32 $0xFFFFFFFF;
	p2 =	slt.u32 s8, $0xFFFFF086  }
0x1c: {  	p1 =	slt.u32 s9, $0xF7A;
	s5 =	simm.s32 @!p2 $0x0  }
0x1d: {  	s5 =	simm.s32 @p1 $0x1;
	p0 =	seq.s32 s7, s2  }
0x1e: {  	s7 =	smul.u32 @!p0 $0xF7A, s2;
	p2 =	seq.s32 @!p0 s5, $0x0  }
0x1f: {  	s9 =	smul.u32 $0xF7A, s1;
	s8 =	simm.s32 @!p0 $0x1BF5;
	p2 =	por !p2, p0  }
0x20: {  	[sflag:s8] =	ssyncset.s32 @!p0 $0xFFFFF086;
	s6 =	sadd.s32 @!p0 s3, s7;
	s7 =	simm.s32 @!p0 $0x108  }
0x21: {  	s3 =	sadd.s32 s3, s9;
	s6 =	sadd.s32 @!p0 $0x88, s6;
	s7 =	simm.s32 @p2 $0x1082  }
0x22: {  	[simem:s7], [sflag:s8] =	dma.local @!p0 [hbm:s6], $0xF7A  }
0x23: {  	s9 =	sor.u32 $0xD0000000, s2;
	s6 =	simm.s32 $0x108;
	_ =	swait.ge @!p0 [sflag:s8], $0x0  }
0x24: {  	s3 =	sadd.s32 $0x88, s3;
	s6 =	simm.s32 @!p1 $0x1082;
	[sflag:s4] =	ssyncset.s32 $0xFFFFF086  }
0x25: {  	[simem:s6], [sflag:s4] =	dma.local [hbm:s3], $0xF7A  }
0x26: {  	[smem:$0x3F99] =	sst s1;
	(tag) =	ssettag s2;
	_ =	strace s9  }
0x27: {  	s1 =	sld [smem:$0x3FA9]  }
0x28: {  	s2 =	sld [smem:$0x3FAA]  }
0x29: {  	s4 =	sld [smem:$0x3FAC]  }
0x2a: {  	p0 =	seq.s32 s5, $0x0;
	s5 =	sld [smem:$0x3FAD]  }
0x2b: {  	s6 =	sld [smem:$0x3FAE]  }
0x2c: {  	s7 =	sld [smem:$0x3FAF]  }
0x2d: {  	s3 =	simm.s32 $0x108;
	s8 =	sld [smem:$0x3FB0]  }
0x2e: {  	s3 =	simm.s32 @!p0 $0x1082;
	s9 =	sld [smem:$0x3FB1]  }
0x2f: {  	lr =	sadd.s32 s0, s3;
	s0 =	sld [smem:$0x3FA8]  }
0x30: {  	s3 =	sld [smem:$0x3FAB]  }
0x31: {  	[smem:$0x3FB4] =	sst s10  }
0x32: {  	s10 =	sld [smem:$0x3FB2];
	_ =	sdelay $0x3  }
0x33: {  	p0 =	seq.s32 s10, $0x1;
	s10 =	sld [smem:$0x3FB4];
	_ =	sdelay $0x3  }
0x34: {  	[smem:$0x3FB4] =	sst s10  }
0x35: {  	s10 =	sld [smem:$0x3FB3];
	_ =	sdelay $0x3  }
0x36: {  	p1 =	seq.s32 s10, $0x1;
	s10 =	sld [smem:$0x3FB4];
	_ =	sdelay $0x3  }
0x37: {  	[smem:$0x3FB4] =	sst s10  }
0x38: {  	s10 =	sld [smem:$0x3FB5]  }
0x39: {  	_ = 	snop;
	(pc) =	sbr.ind lr, $3  }
0x3a: {  	_ = 	snop  }
0x3b: {  	_ = 	snop  }
0x3c: {  	p2 =	seq.s32 s10, $0x1;
	s10 =	sld [smem:$0x3FB4]  }
0x3d: {  	_ =	shalt  }
0x3e: {  	_ =	shalt  }
0x3f: {  	_ =	shalt  }
0x40: {  	_ =	shalt  }
0x41: {  	_ =	shalt  }
0x42: {  	_ =	shalt  }
0x43: {  	_ =	shalt  }
0x44: {  	_ =	shalt  }
0x45: {  	_ =	shalt  }
0x46: {  	_ =	shalt  }
0x47: {  	_ =	shalt  }
0x48: {  	_ =	shalt  }
0x49: {  	_ =	shalt  }
0x4a: {  	_ =	shalt  }
0x4b: {  	_ =	shalt  }
0x4c: {  	_ =	shalt  }
0x4d: {  	_ =	shalt  }
0x4e: {  	_ =	shalt  }
0x4f: {  	_ =	shalt  }
0x50: {  	_ =	shalt  }
0x51: {  	_ =	shalt  }
0x52: {  	_ =	shalt  }
0x53: {  	_ =	shalt  }
0x54: {  	_ =	shalt  }
0x55: {  	_ =	shalt  }
0x56: {  	_ =	shalt  }
0x57: {  	_ =	shalt  }
0x58: {  	_ =	shalt  }
0x59: {  	_ =	shalt  }
0x5a: {  	_ =	shalt  }
0x5b: {  	_ =	shalt  }
0x5c: {  	_ =	shalt  }
0x5d: {  	_ =	shalt  }
0x5e: {  	_ =	shalt  }
0x5f: {  	_ =	shalt  }
0x60: {  	_ =	shalt  }
0x61: {  	_ =	shalt  }
0x62: {  	_ =	shalt  }
0x63: {  	_ =	shalt  }
0x64: {  	_ =	shalt  }
0x65: {  	_ =	shalt  }
0x66: {  	_ =	shalt  }
0x67: {  	_ =	shalt  }
0x68: {  	_ =	shalt  }
0x69: {  	_ =	shalt  }
0x6a: {  	_ =	shalt  }
0x6b: {  	_ =	shalt  }
0x6c: {  	_ =	shalt  }
0x6d: {  	_ =	shalt  }
0x6e: {  	_ =	shalt  }
0x6f: {  	_ =	shalt  }
0x70: {  	_ =	shalt  }
0x71: {  	_ =	shalt  }
0x72: {  	_ =	shalt  }
0x73: {  	_ =	shalt  }
0x74: {  	_ =	shalt  }
0x75: {  	_ =	shalt  }
0x76: {  	_ =	shalt  }
0x77: {  	_ =	shalt  }
0x78: {  	_ =	shalt  }
0x79: {  	_ =	shalt  }
0x7a: {  	_ =	shalt  }
0x7b: {  	_ =	shalt  }
0x7c: {  	_ =	shalt  }
0x7d: {  	_ =	shalt  }
0x7e: {  	_ =	shalt  }
0x7f: {  	_ =	shalt  }
0x80: {  	_ =	shalt  }
0x81: {  	_ =	shalt  }
0x82: {  	_ =	shalt  }
0x83: {  	_ =	shalt  }
0x84: {  	_ =	shalt  }
0x85: {  	_ =	shalt  }
0x86: {  	_ =	shalt  }
0x87: {  	_ =	shalt  }
.Lfunc_end0:
.L_simem_size_0:
called_computation_lowered:
.L_overlay_start_0:
0x88: {  	s2 =	sld [smem:$0x3FD9]  }
0x89: {  	s3 =	sld [smem:$0x3FFE];
	_ =	sdelay $0x1  }
0x8a: {  	s1 =	srdreg.scid  }
0x8b: {  	s0 =	sand.u32 $0x1, s1  }
0x8c: {  	s17 =	sshll.u32 s0, $0xA;
	s2 =	sadd.s32 s3, s2  }
0x8d: {  	s2 =	sadd.s32 s2, s17  }
0x8e: {  	[smem:$0x3FC0] =	sst s2  }
0x8f: {  	_ = 	snop  }
0x90: {  	s2 =	sld [smem:$0x3FD0];
	(tm) =	ssettm $0x1  }
0x91: {  	s18 =	sld [smem:$0x3FFB];
	_ =	sdelay $0x3  }
0x92: {  	_ =	strace s18  }
0x93: {  	s3 =	sld [smem:$0x3FFC];
	_ =	sdelay $0x3  }
0x94: {  	_ =	strace s3  }
0x95: {  	s3 =	sld [smem:$0x3FFD];
	_ =	sdelay $0x3  }
0x96: {  	_ =	strace s3  }
0x97: {  	_ =	strace $0x8FFFFFFF  }
0x98: {  	s19 =	sld [smem:$0x3FDB];
	_ =	sdelay $0x1  }
0x99: {  	s4 =	simm.s32 $_scs_section_size  }
0x9a: {  	s5 =	simm.s32 $_size__tile_overlayer_lowered;
	s6 =	simm.s32 $_tile_overlayer_lowered  }
0x9b: {  	s22 =	simm.s32 $0x1BFF;
	s21 =	sshll.u32 s6, $0x1;
	s3 =	sadd.s32 s4, s19  }
0x9c: {  	s7 =	simm.s32 $0x0;
	s20 =	sshll.u32 s5, $0x1;
	s5 =	sadd.s32 s21, s3  }
0x9d: {  	[timem:s7], [sflag:s22] =	dma.local [hbm:s5], s20  }
0x9e: {  	_ =	swait.ge [sflag:s22], s20  }
0x9f: {  	s4 =	ssub.s32 $0x0, s20;
	[sflag:s22] =	ssyncset.done $0x0  }
0xa0: {  	[sflag:s22] =	ssyncadd.s32 s4;
	_ =	sdelay $0x1  }
0xa1: {  	s23 =	simm.s32 $0x1B8B  }
0xa2: {  	_ =	swait.ge [sflag:s23], $0x1  }
0xa3: {  	[sflag:s23] =	ssyncset.done $0x0  }
0xa4: {  	s25 =	simm.s32 $0x1B8E;
	s24 =	sld [smem:$0x3FFE];
	[sflag:s23] =	ssyncadd.s32 $0xFFFFFFFF  }
0xa5: {  	s26 =	simm.s32 $execute0_lowered;
	[smem:$0x3FD2] =	sst s25  }
0xa6: {  	s5 =	sshll.u32 s26, $0x1;
	_ =	strace $0x80000046;
	[dreg:$0x1] =	wrdreg $0xFFFFFFFF  }
0xa7: {  	s28 =	simm.s32 $_size_execute0_lowered;
	s3 =	sadd.s32 s3, s5;
	[dreg:$0x0] =	wrdreg $0x0  }
0xa8: {  	s5 =	sshll.u32 s28, $0x1;
	[dreg:$0x2] =	wrdreg s3  }
0xa9: {  	[dreg:$0x3] =	wrdreg s5  }
0xaa: {  	[dreg:$0x4] =	wrdreg $0xC0  }
0xab: {  	_ =	task [dreg:s7], $0x5FFFF  }
0xac: {  	[dreg:$0x1] =	wrdreg $0xFFFFFFFF  }
0xad: {  	[dreg:$0x0] =	wrdreg $0x60  }
0xae: {  	[dreg:$0x2] =	wrdreg s2  }
0xaf: {  	[dreg:$0x3] =	wrdreg s24  }
0xb0: {  	[dreg:$0x4] =	wrdreg $0x29000  }
0xb1: {  	[dreg:$0x5] =	wrdreg $0x9  }
0xb2: {  	_ =	task.clear_ibuf [dreg:s7], $0x6FFFF;
	_ =	strace $0x90000046  }
0xb3: {  	s29 =	simm.s32 $0x9;
	_ =	strace $0x80000048  }
0xb4: {  	_ =	swait.ge [sflag:s29], $0x1  }
0xb5: {  	[sflag:s29] =	ssyncadd.s32 $0xFFFFFFFF  }
0xb6: {  	_ =	strace $0x90000048  }
0xb7: {  	_ =	sfence  }
0xb8: {  	s30 =	sld [smem:$0x0];
	_ =	sdelay $0x2  }
0xb9: {  	s31 =	sshll.u32 s1, $0xD;
	s1 =	sshrl.u32 s1, $0x2  }
0xba: {  	s3 =	sand.u32 $0x4000, s31;
	s1 =	sadd.s32 s1, s30  }
0xbb: {  	s0 =	sor.u32 s3, s0;
	s1 =	sshll.u32 s1, $0x11  }
0xbc: {  	s0 =	sor.u32 s1, s0  }
0xbd: {  	s0 =	sadd.s32 $0x8F2B, s0  }
0xbe: {  	[sflag:s0] =	ssyncadd.remote.s32 $0x1  }
0xbf: {  	_ =	sfence.sel $0xFFFF  }
0xc0: {  	[dreg:$0x0] =	wrdreg $0xFFFFFFFF;
	(pc) =	sbr.abs _section_cstart, $3  }
0xc1: {  	[dreg:$0x1] =	wrdreg $0xFFFFFFFF  }
0xc2: {  	_ =	task.clear_ibuf [dreg:s7], $0x2FFFF;
	_ =	strace $0x9FFFFFFF  }
0xc3: {  	(tm) =	ssettm $0x7FFFFFFF  }
tec
execute0_lowered:
.L_overlay_start_1:
0x0: {  	(tag) =	ssettag $0x1  }
0x1: {  	s1 =	rddreg [dreg:$0x1]  }
0x2: {  	s3 =	rddreg [dreg:$0x2]  }
0x3: {  	s4 =	simm.s32 $0x0;
	s0 =	srdreg.scid;
	s12 =	stileid.u32  }
0x4: {  	s28 =	simm.s32 $0x100;
	s29 =	simm.s32 $0x2;
	s30 =	simm.s32 $0x50  }
0x5: {  	s31 =	simm.s32 $0x80;
	[smem:$0x7FF] =	sst s4;
	s14 =	smul.u32 $0x280, s12  }
0x6: {  	s2 =	sand.u32 $0x1, s0;
	s20 =	sshll.u32 s12, $0x1;
	s8 =	smul.u32 $0x50000, s12  }
0x7: {  	s0 =	sadd.s32 $0xB800, s1;
	s1 =	sadd.s32 $0x15600, s1;
	s19 =	smul.u32 $0x2800, s2  }
0x8: {  	s5 =	sor.u32 s2, s20;
	s6 =	ssub.s32 $0x2, s2;
	s2 =	smul.u32 $0x2710, s2  }
0x9: {  	_ =	strace $0x80000047;
	s5 =	smul.u32 $0x2710, s5;
	s7 =	sshrl.u32 s6, $0x1  }
0xa: {  	s21 =	sshrl.u32 s8, $0x2;
	s15 =	sor.u32 $0x50, s14;
	s16 =	sadd.s32 $0xA0, s14  }
0xb: {  	s17 =	sadd.s32 $0xF0, s14;
	s18 =	sadd.s32 $0x140, s14;
	s20 =	sadd.s32 $0x190, s14  }
0xc: {  	s7 =	ssub.s32 s6, s7;
	s6 =	sadd.s32 s21, s3;
	s22 =	sshll.u32 s15, $0x7  }
0xd: {  	s9 =	sshll.u32 s16, $0x7;
	s10 =	sshll.u32 s17, $0x7;
	s11 =	sshll.u32 s18, $0x7  }
0xe: {  	s21 =	sadd.s32 $0x1E0, s14;
	s23 =	sshll.u32 s20, $0x7;
	s24 =	sadd.s32 s19, s14  }
0xf: {  	s15 =	sadd.s32 s19, s15;
	s16 =	sadd.s32 s19, s16;
	s17 =	sadd.s32 s19, s17  }
0x10: {  	s18 =	sadd.s32 s19, s18;
	s20 =	sadd.s32 s19, s20;
	s5 =	sshrl.u32 s5, $0x3  }
0x11: {  	s7 =	smax.u32 s7, $0x1;
	s8 =	sadd.s32 s22, s3;
	s9 =	sadd.s32 s9, s3  }
0x12: {  	s10 =	sadd.s32 s10, s3;
	s22 =	smul.u32 $0x4E20, s12;
	s13 =	sshll.u32 s21, $0x7  }
0x13: {  	s11 =	sadd.s32 s11, s3;
	s12 =	sadd.s32 s23, s3;
	s23 =	sadd.s32 $0x230, s14  }
0x14: {  	s25 =	sshll.u32 s24, $0x4;
	s15 =	sshll.u32 s15, $0x4;
	s16 =	sshll.u32 s16, $0x4  }
0x15: {  	s17 =	sshll.u32 s17, $0x4;
	s18 =	sshll.u32 s18, $0x4;
	s20 =	sshll.u32 s20, $0x4  }
0x16: {  	s21 =	sadd.s32 s19, s21;
	s5 =	sadd.s32 s0, s5;
	[dreg:$0x4] =	wrdreg s7  }
0x17: {  	s13 =	sadd.s32 s13, s3;
	s26 =	sadd.s32 s1, s25;
	s15 =	sadd.s32 s1, s15  }
0x18: {  	s16 =	sadd.s32 s1, s16;
	s17 =	sadd.s32 s1, s17;
	s18 =	sadd.s32 s1, s18  }
0x19: {  	s14 =	sadd.s32 s19, s23;
	s19 =	sadd.s32 s1, s20;
	s21 =	sshll.u32 s21, $0x4  }
0x1a: {  	s25 =	sshll.u32 s23, $0x7;
	s2 =	sadd.s32 s2, s22;
	[dreg:$0x5] =	wrdreg s26  }
0x1b: {  	s22 =	sshll.u32 s14, $0x4;
	s20 =	sadd.s32 s1, s21;
	s14 =	smov.u32 s5  }
0x1c: {  	s21 =	sadd.s32 s1, s22;
	s24 =	sadd.s32 $0x140, s2;
	s2 =	sadd.s32 $0xF0, s2  }
0x1d: {  	s22 =	sadd.s32 s25, s3;
	s25 =	sadd.s32 $0xA, s5;
	s1 =	sshrl.u32 s24, $0x3  }
0x1e: {  	s26 =	sshrl.u32 s2, $0x3;
	s2 =	simm.s32 $0x0;
	s23 =	sadd.s32 s1, s0  }
0x1f: {  	s24 =	sadd.s32 s26, s0;
	s26 =	sadd.s32 $0x14, s5;
	s0 =	simm.s32 $0x1  }
.LBB2_1:
0x20: {  	s1 =	rddreg [dreg:$0x0]  }
0x21: {  	[tilespmem:s28], [sflag:$0x2] =	stream.linear.gather [hbm4b:s1+s4], $0x2800, $0x38;
	[tilespmem:$0x16900] =	vst v63  }
0x22: {  	_ =	swait.ge [sflag:s29], $0x2800  }
0x23: {  	[sflag:s29] =	ssyncset.done $0x0  }
0x24: {  	[sflag:s29] =	ssyncadd.s32 $0xFFFFD800  }
0x25: {  	[spmem:s6] =	stream.linear.scatter [tilespmem:s28], [sflag:$0x2], $0x2800, $0x38;
	[tilespmem:$0x16900] =	vst v63  }
0x26: {  	_ =	swait.ge [sflag:s29], $0x2800  }
0x27: {  	[sflag:s29] =	ssyncset.done $0x0  }
0x28: {  	[sflag:s29] =	ssyncadd.s32 $0xFFFFD800  }
0x29: {  	[spmem:s8] =	stream.linear.scatter [tilespmem:s28], [sflag:$0x2], $0x2800, $0x38;
	[tilespmem:$0x16900] =	vst v63  }
0x2a: {  	_ =	swait.ge [sflag:s29], $0x2800  }
0x2b: {  	[sflag:s29] =	ssyncset.done $0x0  }
0x2c: {  	[sflag:s29] =	ssyncadd.s32 $0xFFFFD800  }
0x2d: {  	[spmem:s9] =	stream.linear.scatter [tilespmem:s28], [sflag:$0x2], $0x2800, $0x38;
	[tilespmem:$0x16900] =	vst v63  }
0x2e: {  	_ =	swait.ge [sflag:s29], $0x2800  }
0x2f: {  	[sflag:s29] =	ssyncset.done $0x0  }
0x30: {  	[sflag:s29] =	ssyncadd.s32 $0xFFFFD800  }
0x31: {  	[spmem:s10] =	stream.linear.scatter [tilespmem:s28], [sflag:$0x2], $0x2800, $0x38;
	[tilespmem:$0x16900] =	vst v63  }
0x32: {  	_ =	swait.ge [sflag:s29], $0x2800  }
0x33: {  	[sflag:s29] =	ssyncset.done $0x0  }
0x34: {  	[sflag:s29] =	ssyncadd.s32 $0xFFFFD800  }
0x35: {  	[spmem:s11] =	stream.linear.scatter [tilespmem:s28], [sflag:$0x2], $0x2800, $0x38;
	[tilespmem:$0x16900] =	vst v63  }
0x36: {  	_ =	swait.ge [sflag:s29], $0x2800  }
0x37: {  	[sflag:s29] =	ssyncset.done $0x0  }
0x38: {  	[sflag:s29] =	ssyncadd.s32 $0xFFFFD800  }
0x39: {  	[spmem:s12] =	stream.linear.scatter [tilespmem:s28], [sflag:$0x2], $0x2800, $0x38;
	[tilespmem:$0x16900] =	vst v63  }
0x3a: {  	_ =	swait.ge [sflag:s29], $0x2800  }
0x3b: {  	[sflag:s29] =	ssyncset.done $0x0  }
0x3c: {  	[sflag:s29] =	ssyncadd.s32 $0xFFFFD800  }
0x3d: {  	[spmem:s13] =	stream.linear.scatter [tilespmem:s28], [sflag:$0x2], $0x2800, $0x38;
	[tilespmem:$0x16900] =	vst v63  }
0x3e: {  	_ =	swait.ge [sflag:s29], $0x2800  }
0x3f: {  	[sflag:s29] =	ssyncset.done $0x0  }
0x40: {  	[sflag:s29] =	ssyncadd.s32 $0xFFFFD800  }
0x41: {  	[spmem:s22] =	stream.linear.scatter [tilespmem:s28], [sflag:$0x2], $0x2800, $0x38;
	[tilespmem:$0x16900] =	vst v63  }
0x42: {  	_ =	swait.ge [sflag:s29], $0x2800  }
0x43: {  	[sflag:s29] =	ssyncset.done $0x0  }
0x44: {  	[sflag:s29] =	ssyncadd.s32 $0xFFFFD800  }
0x45: {  	[tilespmem:s4], [sflag:$0x2] =	stream.linear.gather [hbm4b:s14+s4], $0x50, $0x38;
	[tilespmem:$0x16900] =	vst v63  }
0x46: {  	_ =	swait.ge [sflag:s29], $0x50  }
0x47: {  	[sflag:s29] =	ssyncset.done $0x0  }
0x48: {  	[sflag:s29] =	ssyncadd.s32 $0xFFFFFFB0  }
0x49: {  	[bflag:$0x0] =	sbarrier.arrive $0xFFFF  }
0x4a: {  	[spmem:s3] =	stream.indirect.scatter.add.f32 [tilespmem:s28], [sflag:$0x1], $0x80, s4, s30, $0xb8;
	[tilespmem:$0x16900] =	vst v63  }
0x4b: {  	_ = 	snop  }
0x4c: {  	[tilespmem:s31], [sflag:$0x2] =	stream.linear.gather [hbm4b:s25+s4], $0x50, $0x38;
	[tilespmem:$0x16900] =	vst v63  }
0x4d: {  	_ =	swait.ge [sflag:s29], $0x50  }
0x4e: {  	[sflag:s29] =	ssyncset.done $0x0  }
0x4f: {  	[sflag:s29] =	ssyncadd.s32 $0xFFFFFFB0  }
0x50: {  	[spmem:s3] =	stream.indirect.scatter.add.f32 [tilespmem:s28], [sflag:$0x1], $0x80, s31, s30, $0xb8;
	[tilespmem:$0x16900] =	vst v63  }
0x51: {  	_ =	swait.ge [sflag:s0], $0x2800  }
0x52: {  	[sflag:s0] =	ssyncset.done $0x0  }
0x53: {  	[sflag:s0] =	ssyncadd.s32 $0xFFFFD800  }
0x54: {  	[tilespmem:s4], [sflag:$0x2] =	stream.linear.gather [hbm4b:s26+s4], $0x50, $0x38;
	[tilespmem:$0x16900] =	vst v63  }
0x55: {  	_ =	swait.ge [sflag:s29], $0x50  }
0x56: {  	[sflag:s29] =	ssyncset.done $0x0  }
0x57: {  	[sflag:s29] =	ssyncadd.s32 $0xFFFFFFB0  }
0x58: {  	[spmem:s3] =	stream.indirect.scatter.add.f32 [tilespmem:s28], [sflag:$0x1], $0x80, s4, s30, $0xb8;
	[tilespmem:$0x16900] =	vst v63  }
0x59: {  	_ =	swait.ge [sflag:s0], $0x2800  }
0x5a: {  	[sflag:s0] =	ssyncset.done $0x0  }
0x5b: {  	s5 =	sadd.s32 $0x0, s24;
	[sflag:s0] =	ssyncadd.s32 $0xFFFFD800  }
0x5c: {  	[tilespmem:s31], [sflag:$0x2] =	stream.linear.gather [hbm4b:s5+s4], $0x50, $0x38;
	[tilespmem:$0x16900] =	vst v63  }
0x5d: {  	_ =	swait.ge [sflag:s29], $0x50  }
0x5e: {  	[sflag:s29] =	ssyncset.done $0x0  }
0x5f: {  	[sflag:s29] =	ssyncadd.s32 $0xFFFFFFB0  }
0x60: {  	[spmem:s3] =	stream.indirect.scatter.add.f32 [tilespmem:s28], [sflag:$0x1], $0x80, s31, s30, $0xb8;
	[tilespmem:$0x16900] =	vst v63  }
0x61: {  	_ =	swait.ge [sflag:s0], $0x2800  }
0x62: {  	[sflag:s0] =	ssyncset.done $0x0  }
0x63: {  	s7 =	sadd.s32 $0x0, s23;
	[sflag:s0] =	ssyncadd.s32 $0xFFFFD800  }
0x64: {  	[tilespmem:s4], [sflag:$0x2] =	stream.linear.gather [hbm4b:s7+s4], $0x50, $0x38;
	[tilespmem:$0x16900] =	vst v63  }
0x65: {  	_ =	swait.ge [sflag:s29], $0x50  }
0x66: {  	s1 =	simm.s32 $0x14;
	[sflag:s29] =	ssyncset.done $0x0  }
.LBB2_2:
0x67: {  	p0 =	sne.s32 s1, $0x4B0  }
0x68: {  	[sflag:s29] =	ssyncadd.s32 $0xFFFFFFB0;
	s7 =	smov.u32 s1;
	s1 =	sadd.s32 $0x14, s1  }
0x69: {  	[spmem:s3] =	stream.indirect.scatter.add.f32 [tilespmem:s28], [sflag:$0x1], $0x80, s4, s30, $0xb8;
	[tilespmem:$0x16900] =	vst v63  }
0x6a: {  	_ =	swait.ge [sflag:s0], $0x2800  }
0x6b: {  	[sflag:s0] =	ssyncset.done $0x0  }
0x6c: {  	s5 =	sadd.s32 s7, s24;
	[sflag:s0] =	ssyncadd.s32 $0xFFFFD800  }
0x6d: {  	[tilespmem:s31], [sflag:$0x2] =	stream.linear.gather [hbm4b:s5+s4], $0x50, $0x38;
	[tilespmem:$0x16900] =	vst v63  }
0x6e: {  	_ =	swait.ge [sflag:s29], $0x50  }
0x6f: {  	[sflag:s29] =	ssyncset.done $0x0  }
0x70: {  	[sflag:s29] =	ssyncadd.s32 $0xFFFFFFB0  }
0x71: {  	[spmem:s3] =	stream.indirect.scatter.add.f32 [tilespmem:s28], [sflag:$0x1], $0x80, s31, s30, $0xb8;
	[tilespmem:$0x16900] =	vst v63  }
0x72: {  	_ =	swait.ge [sflag:s0], $0x2800  }
.Ltmp0:
0x73: {  	[sflag:s0] =	ssyncset.done $0x0;
	(pc) =	sbr.rel @p0 .LBB2_2-.Ltmp0, $4  }
0x74: {  	s5 =	sadd.s32 s7, s23;
	[sflag:s0] =	ssyncadd.s32 $0xFFFFD800  }
0x75: {  	[tilespmem:s4], [sflag:$0x2] =	stream.linear.gather [hbm4b:s5+s4], $0x50, $0x38;
	[tilespmem:$0x16900] =	vst v63  }
0x76: {  	_ =	swait.ge [sflag:s29], $0x50  }
0x77: {  	[sflag:s29] =	ssyncset.done $0x0  }
0x78: {  	[sflag:s29] =	ssyncadd.s32 $0xFFFFFFB0  }
0x79: {  	[spmem:s3] =	stream.indirect.scatter.add.f32 [tilespmem:s28], [sflag:$0x1], $0x80, s4, s30, $0xb8;
	[tilespmem:$0x16900] =	vst v63  }
0x7a: {  	_ =	swait.ge [sflag:s0], $0x2800  }
0x7b: {  	[sflag:s0] =	ssyncset.done $0x0  }
0x7c: {  	[sflag:s0] =	ssyncadd.s32 $0xFFFFD800  }
0x7d: {  	_ =	swait.ge [sflag:s0], $0x2800  }
0x7e: {  	[sflag:s0] =	ssyncset.done $0x0  }
0x7f: {  	[sflag:s0] =	ssyncadd.s32 $0xFFFFD800  }
0x80: {  	[bflag:$0x0] =	sbarrier.arrive $0xFFFF  }
0x81: {  	[tilespmem:s28], [sflag:$0x2] =	stream.linear.gather [spmem:s6], $0x2800, $0x38;
	[tilespmem:$0x16900] =	vst v63  }
0x82: {  	_ =	swait.ge [sflag:s29], $0x2800  }
0x83: {  	[sflag:s29] =	ssyncset.done $0x0  }
0x84: {  	s1 =	rddreg [dreg:$0x5];
	[sflag:s29] =	ssyncadd.s32 $0xFFFFD800  }
0x85: {  	[hbm4b:s1+s4] =	stream.linear.scatter [tilespmem:s28], [sflag:$0x2], $0x2800, $0x38;
	[tilespmem:$0x16900] =	vst v63  }
0x86: {  	_ =	swait.ge [sflag:s29], $0x2800  }
0x87: {  	[sflag:s29] =	ssyncset.done $0x0  }
0x88: {  	[sflag:s29] =	ssyncadd.s32 $0xFFFFD800  }
0x89: {  	[tilespmem:s28], [sflag:$0x2] =	stream.linear.gather [spmem:s8], $0x2800, $0x38;
	[tilespmem:$0x16900] =	vst v63  }
0x8a: {  	_ =	swait.ge [sflag:s29], $0x2800  }
0x8b: {  	[sflag:s29] =	ssyncset.done $0x0  }
0x8c: {  	[sflag:s29] =	ssyncadd.s32 $0xFFFFD800  }
0x8d: {  	[hbm4b:s15+s4] =	stream.linear.scatter [tilespmem:s28], [sflag:$0x2], $0x2800, $0x38;
	[tilespmem:$0x16900] =	vst v63  }
0x8e: {  	_ =	swait.ge [sflag:s29], $0x2800  }
0x8f: {  	[sflag:s29] =	ssyncset.done $0x0  }
0x90: {  	[sflag:s29] =	ssyncadd.s32 $0xFFFFD800  }
0x91: {  	[tilespmem:s28], [sflag:$0x2] =	stream.linear.gather [spmem:s9], $0x2800, $0x38;
	[tilespmem:$0x16900] =	vst v63  }
0x92: {  	_ =	swait.ge [sflag:s29], $0x2800  }
0x93: {  	[sflag:s29] =	ssyncset.done $0x0  }
0x94: {  	[sflag:s29] =	ssyncadd.s32 $0xFFFFD800  }
0x95: {  	[hbm4b:s16+s4] =	stream.linear.scatter [tilespmem:s28], [sflag:$0x2], $0x2800, $0x38;
	[tilespmem:$0x16900] =	vst v63  }
0x96: {  	_ =	swait.ge [sflag:s29], $0x2800  }
0x97: {  	[sflag:s29] =	ssyncset.done $0x0  }
0x98: {  	[sflag:s29] =	ssyncadd.s32 $0xFFFFD800  }
0x99: {  	[tilespmem:s28], [sflag:$0x2] =	stream.linear.gather [spmem:s10], $0x2800, $0x38;
	[tilespmem:$0x16900] =	vst v63  }
0x9a: {  	_ =	swait.ge [sflag:s29], $0x2800  }
0x9b: {  	[sflag:s29] =	ssyncset.done $0x0  }
0x9c: {  	[sflag:s29] =	ssyncadd.s32 $0xFFFFD800  }
0x9d: {  	[hbm4b:s17+s4] =	stream.linear.scatter [tilespmem:s28], [sflag:$0x2], $0x2800, $0x38;
	[tilespmem:$0x16900] =	vst v63  }
0x9e: {  	_ =	swait.ge [sflag:s29], $0x2800  }
0x9f: {  	[sflag:s29] =	ssyncset.done $0x0  }
0xa0: {  	[sflag:s29] =	ssyncadd.s32 $0xFFFFD800  }
0xa1: {  	[tilespmem:s28], [sflag:$0x2] =	stream.linear.gather [spmem:s11], $0x2800, $0x38;
	[tilespmem:$0x16900] =	vst v63  }
0xa2: {  	_ =	swait.ge [sflag:s29], $0x2800  }
0xa3: {  	[sflag:s29] =	ssyncset.done $0x0  }
0xa4: {  	[sflag:s29] =	ssyncadd.s32 $0xFFFFD800  }
0xa5: {  	[hbm4b:s18+s4] =	stream.linear.scatter [tilespmem:s28], [sflag:$0x2], $0x2800, $0x38;
	[tilespmem:$0x16900] =	vst v63  }
0xa6: {  	_ =	swait.ge [sflag:s29], $0x2800  }
0xa7: {  	[sflag:s29] =	ssyncset.done $0x0  }
0xa8: {  	[sflag:s29] =	ssyncadd.s32 $0xFFFFD800  }
0xa9: {  	[tilespmem:s28], [sflag:$0x2] =	stream.linear.gather [spmem:s12], $0x2800, $0x38;
	[tilespmem:$0x16900] =	vst v63  }
0xaa: {  	_ =	swait.ge [sflag:s29], $0x2800  }
0xab: {  	[sflag:s29] =	ssyncset.done $0x0  }
0xac: {  	[sflag:s29] =	ssyncadd.s32 $0xFFFFD800  }
0xad: {  	[hbm4b:s19+s4] =	stream.linear.scatter [tilespmem:s28], [sflag:$0x2], $0x2800, $0x38;
	[tilespmem:$0x16900] =	vst v63  }
0xae: {  	_ =	swait.ge [sflag:s29], $0x2800  }
0xaf: {  	[sflag:s29] =	ssyncset.done $0x0  }
0xb0: {  	[sflag:s29] =	ssyncadd.s32 $0xFFFFD800  }
0xb1: {  	[tilespmem:s28], [sflag:$0x2] =	stream.linear.gather [spmem:s13], $0x2800, $0x38;
	[tilespmem:$0x16900] =	vst v63  }
0xb2: {  	_ =	swait.ge [sflag:s29], $0x2800  }
0xb3: {  	[sflag:s29] =	ssyncset.done $0x0  }
0xb4: {  	[sflag:s29] =	ssyncadd.s32 $0xFFFFD800  }
0xb5: {  	[hbm4b:s20+s4] =	stream.linear.scatter [tilespmem:s28], [sflag:$0x2], $0x2800, $0x38;
	[tilespmem:$0x16900] =	vst v63  }
0xb6: {  	_ =	swait.ge [sflag:s29], $0x2800  }
0xb7: {  	[sflag:s29] =	ssyncset.done $0x0  }
0xb8: {  	[sflag:s29] =	ssyncadd.s32 $0xFFFFD800  }
0xb9: {  	[tilespmem:s28], [sflag:$0x2] =	stream.linear.gather [spmem:s22], $0x2800, $0x38;
	[tilespmem:$0x16900] =	vst v63  }
0xba: {  	_ =	swait.ge [sflag:s29], $0x2800  }
0xbb: {  	[sflag:s29] =	ssyncset.done $0x0  }
0xbc: {  	[sflag:s29] =	ssyncadd.s32 $0xFFFFD800  }
0xbd: {  	[hbm4b:s21+s4] =	stream.linear.scatter [tilespmem:s28], [sflag:$0x2], $0x2800, $0x38;
	[tilespmem:$0x16900] =	vst v63  }
0xbe: {  	_ =	swait.ge [sflag:s29], $0x2800  }
0xbf: {  	s2 =	sadd.s32 $0x1, s2;
	s7 =	rddreg [dreg:$0x4]  }
0xc0: {  	p0 =	sne.s32 s2, s7  }
.Ltmp1:
0xc1: {  	_ = 	snop;
	(pc) =	sbr.rel @p0 .LBB2_1-.Ltmp1, $3  }
0xc2: {  	_ =	sdelay $0x1  }
0xc3: {  	[sflag:s29] =	ssyncset.done $0x0  }
0xc4: {  	[sflag:s29] =	ssyncadd.s32 $0xFFFFD800  }
0xc5: {  	_ =	sfence.sel $0x180000  }
0xc6: {  	[bflag:$0x0] =	sbarrier.arrive $0xFFFF  }
0xc7: {  	_ =	strace $0x90000047  }
0xc8: {  	s0 =	stileid.u32;
	[bflag:$0x2] =	sbarrier.arrive $0xFFFF  }
0xc9: {  	p0 =	sne.s32 s0, $0x0;
	s0 =	rddreg [dreg:$0x3]  }
0xca: {  	s0 =	sadd.s32 @!p0 $0x100000, s0  }
0xcb: {  	[sflag:s0] =	ssyncadd.tile.s32 @!p0 $0x1;
	_ =	shalt  }
.Lfunc_end2:
_tile_overlayer_lowered:
.L_overlay_start_2:
0xcc: {  	(tag) =	ssettag $0x2  }
0xcd: {  	s0 =	rddreg [dreg:$0x0];
	s2 =	stileid.u32  }
0xce: {  	s1 =	rddreg [dreg:$0x1];
	p0 =	sne.s32 s2, $0x0  }
0xcf: {  	s3 =	rddreg [dreg:$0x2];
	[bflag:$0x3] =	sbarrier.arrive $0xFFFF;
	s2 =	simm.s32 @!p0 $0x1C02  }
0xd0: {  	[timem:s3], [sflag:s2] =	dma.local @!p0 [hbm:s0], s1  }
0xd1: {  	s0 =	simm.s32 @!p0 $0x2  }
0xd2: {  	_ =	swait.ge @!p0 [sflag:s0], s1  }
0xd3: {  	s1 =	ssub.s32 @!p0 $0x0, s1;
	[sflag:s0] =	ssyncset.done @!p0 $0x0  }
0xd4: {  	[sflag:s0] =	ssyncadd.s32 @!p0 s1  }
0xd5: {  	[bflag:$0x3] =	sbarrier.arrive $0xFFFF  }
0xd6: {  	_ =	shalt  }

</sc_bundles>
